<compile_context>
chip_gen: v7x
topology: tpu7x:2x2x1
jax: 0.10.2.dev20260603
libtpu: 0.0.44.dev20260713+nightly
codegen_flags: <defaults>
</compile_context>

<pallas_src>
import functools

import jax
import jax.numpy as jnp
from jax import lax
from jax.experimental import pallas as pl
from jax.experimental.pallas import tpu as pltpu
from jax.experimental.pallas import tpu_sc as plsc

N = 10000
E = 320000
H = 128
NC = 2
NS = 16
NW = NC * NS

CHUNK = 128
CHUNKS_PER_TILE = 80
E_PAD = NW * CHUNKS_PER_TILE * CHUNK
IDX_ROWS = E_PAD // CHUNK
N_PAD = 10240
ROWS_PER_SUB = N_PAD // NS
INV_STD = 1.0 / (1.0 + 1e-5) ** 0.5

_SC_MESH = plsc.VectorSubcoreMesh(core_axis_name="c", subcore_axis_name="s")


NBUF = 2
AHEAD = 1
PHASES = 2
CPP = CHUNKS_PER_TILE // PHASES


def _seg_sum_body(x_hbm, src_hbm, dst_hbm, zeros_hbm, parts_hbm,
                  idx_s, idx_d, acc_sh, *bufs_sems):
    rows = bufs_sems[:NBUF]
    gsem = bufs_sems[NBUF:2 * NBUF]
    ssem = bufs_sems[2 * NBUF:]
    cid = lax.axis_index("c")
    sid = lax.axis_index("s")
    tile = cid * NS + sid
    r0 = sid * ROWS_PER_SUB

    pltpu.sync_copy(zeros_hbm.at[pl.ds(r0, ROWS_PER_SUB)],
                    acc_sh.at[pl.ds(r0, ROWS_PER_SUB)])
    plsc.subcore_barrier()

    for ph in range(PHASES):
        base = tile * CHUNKS_PER_TILE + ph * CPP
        pltpu.sync_copy(src_hbm.at[pl.ds(base, CPP)], idx_s)
        pltpu.sync_copy(dst_hbm.at[pl.ds(base, CPP)], idx_d)

        for b in range(AHEAD):
            pltpu.async_copy(x_hbm.at[idx_s.at[b, pl.ds(0, 64)]],
                             rows[b].at[pl.ds(0, 64)], gsem[b])
            pltpu.async_copy(x_hbm.at[idx_s.at[b, pl.ds(64, 64)]],
                             rows[b].at[pl.ds(64, 64)], gsem[b])

        @pl.loop(0, CPP, step=NBUF)
        def _(g):
            for b in range(NBUF):
                j = g + b
                jg = j + AHEAD
                bg = (b + AHEAD) % NBUF

                @pl.when(jg < CPP)
                def _():
                    @pl.when(j >= 1)
                    def _():
                        pltpu.make_async_copy(
                            rows[bg], acc_sh.at[idx_d.at[j - 1]],
                            ssem[bg]).wait()
                    pltpu.async_copy(x_hbm.at[idx_s.at[jg, pl.ds(0, 64)]],
                                     rows[bg].at[pl.ds(0, 64)], gsem[bg])
                    pltpu.async_copy(x_hbm.at[idx_s.at[jg, pl.ds(64, 64)]],
                                     rows[bg].at[pl.ds(64, 64)], gsem[bg])

                for hb in range(2):
                    pltpu.make_async_copy(
                        x_hbm.at[idx_s.at[j, pl.ds(hb * 64, 64)]],
                        rows[b].at[pl.ds(hb * 64, 64)], gsem[b]).wait()
                pltpu.async_copy(rows[b], acc_sh.at[idx_d.at[j]], ssem[b],
                                 add=True)

        for b in range(NBUF):
            jlast = CPP - NBUF + b
            pltpu.make_async_copy(rows[b], acc_sh.at[idx_d.at[jlast]],
                                  ssem[b]).wait()

    plsc.subcore_barrier()
    pltpu.sync_copy(acc_sh.at[pl.ds(r0, ROWS_PER_SUB)],
                    parts_hbm.at[cid, pl.ds(r0, ROWS_PER_SUB)])


@functools.partial(
    pl.kernel,
    out_type=jax.ShapeDtypeStruct((NC, N_PAD, H), jnp.float32),
    mesh=_SC_MESH,
    scratch_types=[
        pltpu.VMEM((CPP, CHUNK), jnp.int32),
        pltpu.VMEM((CPP, CHUNK), jnp.int32),
        pltpu.VMEM_SHARED((N_PAD, H), jnp.float32),
    ] + [pltpu.VMEM((CHUNK, H), jnp.float32)] * NBUF
      + [pltpu.SemaphoreType.DMA] * (2 * NBUF),
)
def _seg_sum(x_hbm, src_hbm, dst_hbm, zeros_hbm, parts_hbm,
             idx_s, idx_d, acc_sh, *bufs_sems):
    _seg_sum_body(x_hbm, src_hbm, dst_hbm, zeros_hbm, parts_hbm,
                  idx_s, idx_d, acc_sh, *bufs_sems)


_BLK = 512


def _gcn_dense_body(x_ref, p0_ref, p1_ref, wc_ref, bc_ref, wr_ref, br_ref,
                    g_ref, be_ref, o_ref):
    agg = p0_ref[...] + p1_ref[...]
    x = x_ref[...]
    h = jnp.maximum(
        jnp.dot(agg, wc_ref[...], preferred_element_type=jnp.float32)
        + bc_ref[...], 0.0)
    res = jnp.maximum(
        jnp.dot(x, wr_ref[...], preferred_element_type=jnp.float32)
        + br_ref[...], 0.0)
    o_ref[...] = (h + res) * (INV_STD * g_ref[...]) + be_ref[...]


def _gcn_dense(x, p0, p1, wc, bc, wr, br, g, be):
    row = lambda i: (i, 0)
    fixed = lambda i: (0, 0)
    return pl.pallas_call(
        _gcn_dense_body,
        grid=(N_PAD // _BLK,),
        in_specs=[
            pl.BlockSpec((_BLK, H), row),
            pl.BlockSpec((_BLK, H), row),
            pl.BlockSpec((_BLK, H), row),
            pl.BlockSpec((H, H), fixed),
            pl.BlockSpec((1, H), fixed),
            pl.BlockSpec((H, H), fixed),
            pl.BlockSpec((1, H), fixed),
            pl.BlockSpec((1, H), fixed),
            pl.BlockSpec((1, H), fixed),
        ],
        out_specs=pl.BlockSpec((_BLK, H), row),
        out_shape=jax.ShapeDtypeStruct((N_PAD, H), jnp.float32),
    )(x, p0, p1, wc, bc.reshape(1, H), wr, br.reshape(1, H),
      g.reshape(1, H), be.reshape(1, H))


def _head_body(p0_ref, p1_ref, x_ref, wc_ref, bc_ref, wr_ref, br_ref,
               g_ref, be_ref, wa_ref, ba_ref, wp1_ref, bp1_ref, gp1_ref,
               bep1_ref, wout_ref, bout_ref, o_ref, sum_acc, max_acc):
    i = pl.program_id(0)
    agg = p0_ref[...] + p1_ref[...]
    x = x_ref[...]
    h = jnp.maximum(
        jnp.dot(agg, wc_ref[...], preferred_element_type=jnp.float32)
        + bc_ref[...], 0.0)
    res = jnp.maximum(
        jnp.dot(x, wr_ref[...], preferred_element_type=jnp.float32)
        + br_ref[...], 0.0)
    h = (h + res) * (INV_STD * g_ref[...]) + be_ref[...]

    rows = i * _BLK + lax.broadcasted_iota(jnp.int32, (_BLK, 1), 0)
    valid = rows < N
    logit = jnp.sum(h * wa_ref[...], axis=1, keepdims=True) + ba_ref[0, 0]
    aw = 1.0 / (1.0 + jnp.exp(-logit))
    wsum = jnp.sum(jnp.where(valid, aw * h, 0.0), axis=0, keepdims=True)
    hmax = jnp.max(jnp.where(valid, h, -jnp.inf), axis=0, keepdims=True)

    @pl.when(i == 0)
    def _():
        sum_acc[...] = wsum
        max_acc[...] = hmax

    @pl.when(i > 0)
    def _():
        sum_acc[...] = sum_acc[...] + wsum
        max_acc[...] = jnp.maximum(max_acc[...], hmax)

    @pl.when(i == N_PAD // _BLK - 1)
    def _():
        hg = jnp.concatenate([sum_acc[...], max_acc[...]], axis=1)
        p = jnp.maximum(
            jnp.dot(hg, wp1_ref[...], preferred_element_type=jnp.float32)
            + bp1_ref[...], 0.0)
        p = p * (INV_STD * gp1_ref[...]) + bep1_ref[...]
        o_ref[...] = (jnp.dot(p, wout_ref[...],
                              preferred_element_type=jnp.float32)
                      + bout_ref[...])


def _head(p0, p1, x, wc, bc, wr, br, g, be, wa, ba,
          wp1, bp1, gp1, bep1, wout_pad, bout_pad):
    row = lambda i: (i, 0)
    fixed = lambda i: (0, 0)
    return pl.pallas_call(
        _head_body,
        grid=(N_PAD // _BLK,),
        in_specs=[
            pl.BlockSpec((_BLK, H), row),
            pl.BlockSpec((_BLK, H), row),
            pl.BlockSpec((_BLK, H), row),
            pl.BlockSpec((H, H), fixed),
            pl.BlockSpec((1, H), fixed),
            pl.BlockSpec((H, H), fixed),
            pl.BlockSpec((1, H), fixed),
            pl.BlockSpec((1, H), fixed),
            pl.BlockSpec((1, H), fixed),
            pl.BlockSpec((1, H), fixed),
            pl.BlockSpec((1, 1), fixed),
            pl.BlockSpec((2 * H, H), fixed),
            pl.BlockSpec((1, H), fixed),
            pl.BlockSpec((1, H), fixed),
            pl.BlockSpec((1, H), fixed),
            pl.BlockSpec((H, H), fixed),
            pl.BlockSpec((1, H), fixed),
        ],
        out_specs=pl.BlockSpec((1, H), fixed),
        out_shape=jax.ShapeDtypeStruct((1, H), jnp.float32),
        scratch_shapes=[
            pltpu.VMEM((1, H), jnp.float32),
            pltpu.VMEM((1, H), jnp.float32),
        ],
    )(p0, p1, x, wc, bc.reshape(1, H), wr, br.reshape(1, H),
      g.reshape(1, H), be.reshape(1, H), wa.reshape(1, H),
      ba.reshape(1, 1), wp1, bp1.reshape(1, H), gp1.reshape(1, H),
      bep1.reshape(1, H), wout_pad, bout_pad)


def kernel(feats, edge_index, Wg1, bg1, Wr1, br1, g1, be1,
           Wg2, bg2, Wr2, br2, g2, be2,
           w_atom, b_atom, Wp1, bp1, gp1, bep1, Wout, bout):
    pad_e = E_PAD - E
    src2d = jnp.concatenate(
        [edge_index[0], jnp.full((pad_e,), N, jnp.int32)]).reshape(IDX_ROWS,
                                                                   CHUNK)
    dst2d = jnp.concatenate(
        [edge_index[1], jnp.full((pad_e,), N, jnp.int32)]).reshape(IDX_ROWS,
                                                                   CHUNK)
    x_pad = jnp.zeros((N_PAD, H), jnp.float32).at[:N].set(feats)
    zeros = jnp.zeros((N_PAD, H), jnp.float32)

    parts1 = _seg_sum(x_pad, src2d, dst2d, zeros)
    h1 = _gcn_dense(x_pad, parts1[0], parts1[1], Wg1, bg1, Wr1, br1, g1, be1)
    parts2 = _seg_sum(h1, src2d, dst2d, zeros)

    wout_pad = jnp.zeros((H, H), jnp.float32).at[:, :2].set(Wout)
    bout_pad = jnp.zeros((1, H), jnp.float32).at[0, :2].set(bout)
    out = _head(parts2[0], parts2[1], h1, Wg2, bg2, Wr2, br2, g2, be2,
                w_atom, b_atom, Wp1, bp1, gp1, bep1, wout_pad, bout_pad)
    return out[:, :2]

# --- scband reference (transcript-rebuilt; emitter-appended) ---
"""Pipeline reference for scband-mtgcnpredictor-55284819034767 (READ-ONLY COPY).

The authoritative reference and input builder live on the scoring server;
editing this copy changes nothing except your own understanding.
"""

import jax, jax.numpy as jnp
import numpy as np

N = 10000
E = 320000
D = 128
H = 128
PH = 128
NT = 2
BN_EPS = 1e-5


def setup_inputs(seed: int = 0) -> dict:
    key = jax.random.key(seed)
    ks = jax.random.split(key, 24)
    inp = {}
    inp["feats"] = jax.random.normal(ks[0], (N, D), dtype=jnp.float32)
    inp["edge_index"] = jax.random.randint(ks[1], (2, E), 0, N, dtype=jnp.int32)
    # GCN shared layer 1 (in D -> H)
    inp["Wg1"] = jax.random.normal(ks[2], (D, H), dtype=jnp.float32) * 0.05
    inp["bg1"] = jnp.zeros((H,), dtype=jnp.float32)
    inp["Wr1"] = jax.random.normal(ks[3], (D, H), dtype=jnp.float32) * 0.05
    inp["br1"] = jnp.zeros((H,), dtype=jnp.float32)
    inp["g1"] = jnp.ones((H,), dtype=jnp.float32)
    inp["be1"] = jnp.zeros((H,), dtype=jnp.float32)
    # GCN shared layer 2 (H -> H)
    inp["Wg2"] = jax.random.normal(ks[4], (H, H), dtype=jnp.float32) * 0.05
    inp["bg2"] = jnp.zeros((H,), dtype=jnp.float32)
    inp["Wr2"] = jax.random.normal(ks[5], (H, H), dtype=jnp.float32) * 0.05
    inp["br2"] = jnp.zeros((H,), dtype=jnp.float32)
    inp["g2"] = jnp.ones((H,), dtype=jnp.float32)
    inp["be2"] = jnp.zeros((H,), dtype=jnp.float32)
    # WeightedSumAndMax readout (atom weighting)
    inp["w_atom"] = jax.random.normal(ks[6], (H, 1), dtype=jnp.float32) * 0.05
    inp["b_atom"] = jnp.zeros((1,), dtype=jnp.float32)
    # MLP predictor: base_layer (2H -> PH), output (PH -> NT)
    inp["Wp1"] = jax.random.normal(ks[7], (2 * H, PH), dtype=jnp.float32) * 0.05
    inp["bp1"] = jnp.zeros((PH,), dtype=jnp.float32)
    inp["gp1"] = jnp.ones((PH,), dtype=jnp.float32)
    inp["bep1"] = jnp.zeros((PH,), dtype=jnp.float32)
    inp["Wout"] = jax.random.normal(ks[8], (PH, NT), dtype=jnp.float32) * 0.05
    inp["bout"] = jnp.zeros((NT,), dtype=jnp.float32)
    return inp


def reference(feats, edge_index, Wg1, bg1, Wr1, br1, g1, be1,
              Wg2, bg2, Wr2, br2, g2, be2,
              w_atom, b_atom, Wp1, bp1, gp1, bep1, Wout, bout):
    src = edge_index[0]
    dst = edge_index[1]
    inv_std = 1.0 / jnp.sqrt(1.0 + BN_EPS)  # BatchNorm eval, running mean 0 / var 1

    def gcn_layer(x, Wc, bc, Wr, br, gamma, beta):
        # DGL GraphConv, norm='none': sum-aggregate src feats at dst, then linear + relu
        agg = jax.ops.segment_sum(jnp.take(x, src, axis=0), dst, num_segments=x.shape[0])
        h = jax.nn.relu(agg @ Wc + bc)
        # residual branch: relu(Linear(x))
        res = jax.nn.relu(x @ Wr + br)
        h = h + res
        # dropout identity (eval); BatchNorm1d eval
        h = h * inv_std * gamma + beta
        return h

    h = gcn_layer(feats, Wg1, bg1, Wr1, br1, g1, be1)
    h = gcn_layer(h, Wg2, bg2, Wr2, br2, g2, be2)

    # WeightedSumAndMax over the single (batched-as-one) graph
    aw = jax.nn.sigmoid(h @ w_atom + b_atom)  # [N, 1]
    h_sum = jnp.sum(aw * h, axis=0)
    h_max = jnp.max(h, axis=0)
    hg = jnp.concatenate([h_sum, h_max])[None, :]  # [1, 2H]

    # MLPPredictor: base_layer then output
    p = jax.nn.relu(hg @ Wp1 + bp1)
    p = p * inv_std * gp1 + bep1
    out = p @ Wout + bout  # [1, n_tasks]
    return out


if False:  # reference __main__ guard neutralized (emitter)
    o = reference(**setup_inputs())
    print(o.shape)

if __name__ == "__main__":
    import jax
    _d = setup_inputs()
    print(jax.jit(kernel)(*tuple(_d.values())))

</pallas_src>

<mosaic_0001>
#map = affine_map<(d0, d1) -> (0, 0)>
#map1 = affine_map<(d0, d1) -> (0, 0, 0)>
module attributes {stable_mosaic.version = 14 : i64} {
  func.func @_seg_sum(%arg0: i32, %arg1: i32, %arg2: memref<10240x128xf32, #tpu.memory_space<hbm>>, %arg3: memref<2560x128xi32, #tpu.memory_space<hbm>>, %arg4: memref<2560x128xi32, #tpu.memory_space<hbm>>, %arg5: memref<10240x128xf32, #tpu.memory_space<hbm>>, %arg6: memref<2x10240x128xf32, #tpu.memory_space<hbm>>, %arg7: memref<40x128xi32, #tpu.memory_space<vmem>>, %arg8: memref<40x128xi32, #tpu.memory_space<vmem>>, %arg9: memref<10240x128xf32, #tpu.memory_space<vmem_shared>>, %arg10: memref<128x128xf32, #tpu.memory_space<vmem>>, %arg11: memref<128x128xf32, #tpu.memory_space<vmem>>, %arg12: memref<!tpu.dma_semaphore, #tpu.memory_space<semaphore_mem>>, %arg13: memref<!tpu.dma_semaphore, #tpu.memory_space<semaphore_mem>>, %arg14: memref<!tpu.dma_semaphore, #tpu.memory_space<semaphore_mem>>, %arg15: memref<!tpu.dma_semaphore, #tpu.memory_space<semaphore_mem>>) attributes {dimension_semantics = [#tpu.dimension_semantics<core_parallel>, #tpu.dimension_semantics<subcore_parallel>], iteration_bounds = array<i64: 2, 16>, scalar_prefetch = 0 : i64, scratch_operands = 9 : i64, tpu.core_type = #tpu.core_type<sc_vector_subcore>, window_params = [{transform_indices = #map}, {transform_indices = #map}, {transform_indices = #map}, {transform_indices = #map}, {transform_indices = #map1}]} {
    %mul3A = arith.constant 16 : i32
    %mul3A_0 = arith.muli %arg0, %mul3A : i32
    %add3A = arith.addi %mul3A_0, %arg1 : i32
    %mul3A_1 = arith.constant 640 : i32
    %mul3A_2 = arith.muli %arg1, %mul3A_1 : i32
    "tpu.region"() ({
      %run_scoped3A = tpu.sem_alloc : memref<!tpu.dma_semaphore, #tpu.memory_space<semaphore_mem>>
      %dma_start3A_87 = arith.constant 0 : i32
      %dma_start3A_88 = tpu.memref_slice %arg9[%mul3A_2, %dma_start3A_87] : memref<10240x128xf32, #tpu.memory_space<vmem_shared>> -> memref<640x128xf32, #tpu.memory_space<vmem_shared>>
      %dma_start3A_89 = arith.constant 0 : i32
      %dma_start3A_90 = tpu.memref_slice %arg5[%mul3A_2, %dma_start3A_89] : memref<10240x128xf32, #tpu.memory_space<hbm>> -> memref<640x128xf32, #tpu.memory_space<hbm>>
      tpu.enqueue_dma source(%dma_start3A_90 : memref<640x128xf32, #tpu.memory_space<hbm>>) target(%dma_start3A_88 : memref<640x128xf32, #tpu.memory_space<vmem_shared>>) target_semaphore(%run_scoped3A : memref<!tpu.dma_semaphore, #tpu.memory_space<semaphore_mem>>)
      %dma_wait3A_91 = arith.constant 0 : i32
      %dma_wait3A_92 = tpu.memref_slice %arg9[%mul3A_2, %dma_wait3A_91] : memref<10240x128xf32, #tpu.memory_space<vmem_shared>> -> memref<640x128xf32, #tpu.memory_space<vmem_shared>>
      %dma_wait3A_93 = arith.constant 0 : i32
      %dma_wait3A_94 = tpu.memref_slice %arg5[%mul3A_2, %dma_wait3A_93] : memref<10240x128xf32, #tpu.memory_space<hbm>> -> memref<640x128xf32, #tpu.memory_space<hbm>>
      tpu.wait_dma2 semaphore(%run_scoped3A : memref<!tpu.dma_semaphore, #tpu.memory_space<semaphore_mem>>) src(%dma_wait3A_94 : memref<640x128xf32, #tpu.memory_space<hbm>>) dst(%dma_wait3A_92 : memref<640x128xf32, #tpu.memory_space<vmem_shared>>)
      tpu.yield
    }) : () -> ()
    %barrier3A = arith.constant 0 : index
    tpu.barrier barrier_id(%barrier3A)
    %mul3A_3 = arith.constant 80 : i32
    %mul3A_4 = arith.muli %add3A, %mul3A_3 : i32
    %add3A_5 = arith.constant 0 : i32
    %add3A_6 = arith.addi %mul3A_4, %add3A_5 : i32
    "tpu.region"() ({
      %run_scoped3A = tpu.sem_alloc : memref<!tpu.dma_semaphore, #tpu.memory_space<semaphore_mem>>
      %dma_start3A_87 = arith.constant 0 : i32
      %dma_start3A_88 = tpu.memref_slice %arg3[%add3A_6, %dma_start3A_87] : memref<2560x128xi32, #tpu.memory_space<hbm>> -> memref<40x128xi32, #tpu.memory_space<hbm>>
      %dma_start3A_89 = arith.constant 0 : i32
      %dma_start3A_90 = tpu.memref_slice %arg3[%add3A_6, %dma_start3A_89] : memref<2560x128xi32, #tpu.memory_space<hbm>> -> memref<40x128xi32, #tpu.memory_space<hbm>>
      tpu.enqueue_dma source(%dma_start3A_90 : memref<40x128xi32, #tpu.memory_space<hbm>>) target(%arg7 : memref<40x128xi32, #tpu.memory_space<vmem>>) target_semaphore(%run_scoped3A : memref<!tpu.dma_semaphore, #tpu.memory_space<semaphore_mem>>)
      %dma_wait3A_91 = arith.constant 0 : i32
      %dma_wait3A_92 = tpu.memref_slice %arg3[%add3A_6, %dma_wait3A_91] : memref<2560x128xi32, #tpu.memory_space<hbm>> -> memref<40x128xi32, #tpu.memory_space<hbm>>
      %dma_wait3A_93 = arith.constant 0 : i32
      %dma_wait3A_94 = tpu.memref_slice %arg3[%add3A_6, %dma_wait3A_93] : memref<2560x128xi32, #tpu.memory_space<hbm>> -> memref<40x128xi32, #tpu.memory_space<hbm>>
      tpu.wait_dma2 semaphore(%run_scoped3A : memref<!tpu.dma_semaphore, #tpu.memory_space<semaphore_mem>>) src(%dma_wait3A_94 : memref<40x128xi32, #tpu.memory_space<hbm>>) dst(%arg7 : memref<40x128xi32, #tpu.memory_space<vmem>>)
      tpu.yield
    }) : () -> ()
    "tpu.region"() ({
      %run_scoped3A = tpu.sem_alloc : memref<!tpu.dma_semaphore, #tpu.memory_space<semaphore_mem>>
      %dma_start3A_87 = arith.constant 0 : i32
      %dma_start3A_88 = tpu.memref_slice %arg4[%add3A_6, %dma_start3A_87] : memref<2560x128xi32, #tpu.memory_space<hbm>> -> memref<40x128xi32, #tpu.memory_space<hbm>>
      %dma_start3A_89 = arith.constant 0 : i32
      %dma_start3A_90 = tpu.memref_slice %arg4[%add3A_6, %dma_start3A_89] : memref<2560x128xi32, #tpu.memory_space<hbm>> -> memref<40x128xi32, #tpu.memory_space<hbm>>
      tpu.enqueue_dma source(%dma_start3A_90 : memref<40x128xi32, #tpu.memory_space<hbm>>) target(%arg8 : memref<40x128xi32, #tpu.memory_space<vmem>>) target_semaphore(%run_scoped3A : memref<!tpu.dma_semaphore, #tpu.memory_space<semaphore_mem>>)
      %dma_wait3A_91 = arith.constant 0 : i32
      %dma_wait3A_92 = tpu.memref_slice %arg4[%add3A_6, %dma_wait3A_91] : memref<2560x128xi32, #tpu.memory_space<hbm>> -> memref<40x128xi32, #tpu.memory_space<hbm>>
      %dma_wait3A_93 = arith.constant 0 : i32
      %dma_wait3A_94 = tpu.memref_slice %arg4[%add3A_6, %dma_wait3A_93] : memref<2560x128xi32, #tpu.memory_space<hbm>> -> memref<40x128xi32, #tpu.memory_space<hbm>>
      tpu.wait_dma2 semaphore(%run_scoped3A : memref<!tpu.dma_semaphore, #tpu.memory_space<semaphore_mem>>) src(%dma_wait3A_94 : memref<40x128xi32, #tpu.memory_space<hbm>>) dst(%arg8 : memref<40x128xi32, #tpu.memory_space<vmem>>)
      tpu.yield
    }) : () -> ()
    %dma_start3A = arith.constant 0 : i32
    %dma_start3A_7 = arith.constant 0 : i32
    %dma_start3A_8 = arith.constant 0 : i32
    %dma_start3A_9 = tpu.memref_slice %arg10[%dma_start3A_7, %dma_start3A_8] : memref<128x128xf32, #tpu.memory_space<vmem>> -> memref<64x128xf32, #tpu.memory_space<vmem>>
    %dma_start3A_10 = arith.constant 0 : i32
    %dma_start3A_11 = tpu.memref_slice %arg7[%dma_start3A, %dma_start3A_10] : memref<40x128xi32, #tpu.memory_space<vmem>> -> memref<1x64xi32, #tpu.memory_space<vmem>>
    %dma_start3A_12 = tpu.memref_squeeze %dma_start3A_11 : memref<1x64xi32, #tpu.memory_space<vmem>> -> memref<64xi32, #tpu.memory_space<vmem>>
    %dma_start3A_13 = arith.constant 0 : i32
    %dma_start3A_14 = arith.constant 0 : i32
    %dma_start3A_15 = tpu.memref_slice %arg2[%dma_start3A_13, %dma_start3A_14] : memref<10240x128xf32, #tpu.memory_space<hbm>> -> memref<10240x128xf32, #tpu.memory_space<hbm>>
    tpu.enqueue_indirect_dma source(%dma_start3A_15 : memref<10240x128xf32, #tpu.memory_space<hbm>>) target(%dma_start3A_9 : memref<64x128xf32, #tpu.memory_space<vmem>>) offsets(%dma_start3A_12 : memref<64xi32, #tpu.memory_space<vmem>>) semaphore(%arg12 : memref<!tpu.dma_semaphore, #tpu.memory_space<semaphore_mem>>)
    %dma_start3A_16 = arith.constant 0 : i32
    %dma_start3A_17 = arith.constant 64 : i32
    %dma_start3A_18 = arith.constant 0 : i32
    %dma_start3A_19 = tpu.memref_slice %arg10[%dma_start3A_17, %dma_start3A_18] : memref<128x128xf32, #tpu.memory_space<vmem>> -> memref<64x128xf32, #tpu.memory_space<vmem>>
    %dma_start3A_20 = arith.constant 64 : i32
    %dma_start3A_21 = tpu.memref_slice %arg7[%dma_start3A_16, %dma_start3A_20] : memref<40x128xi32, #tpu.memory_space<vmem>> -> memref<1x64xi32, #tpu.memory_space<vmem>>
    %dma_start3A_22 = tpu.memref_squeeze %dma_start3A_21 : memref<1x64xi32, #tpu.memory_space<vmem>> -> memref<64xi32, #tpu.memory_space<vmem>>
    %dma_start3A_23 = arith.constant 0 : i32
    %dma_start3A_24 = arith.constant 0 : i32
    %dma_start3A_25 = tpu.memref_slice %arg2[%dma_start3A_23, %dma_start3A_24] : memref<10240x128xf32, #tpu.memory_space<hbm>> -> memref<10240x128xf32, #tpu.memory_space<hbm>>
    tpu.enqueue_indirect_dma source(%dma_start3A_25 : memref<10240x128xf32, #tpu.memory_space<hbm>>) target(%dma_start3A_19 : memref<64x128xf32, #tpu.memory_space<vmem>>) offsets(%dma_start3A_22 : memref<64xi32, #tpu.memory_space<vmem>>) semaphore(%arg12 : memref<!tpu.dma_semaphore, #tpu.memory_space<semaphore_mem>>)
    %scan3A = arith.constant 0 : i32
    %scan3A_26 = arith.constant 20 : i32
    %scan3A_27 = arith.addi %scan3A, %scan3A_26 : i32
    %scan3A_28 = arith.constant 1 : i32
    scf.for %scan3A_87 = %scan3A to %scan3A_27 step %scan3A_28  : i32 {
      %mul3A_88 = arith.constant 2 : i32
      %mul3A_89 = arith.muli %scan3A_87, %mul3A_88 : i32
      %add3A_90 = arith.constant 0 : i32
      %add3A_91 = arith.addi %add3A_90, %mul3A_89 : i32
      %add3A_92 = arith.constant 0 : i32
      %add3A_93 = arith.addi %add3A_91, %add3A_92 : i32
      %add3A_94 = arith.constant 1 : i32
      %add3A_95 = arith.addi %add3A_93, %add3A_94 : i32
      %lt3A = arith.constant 40 : i32
      %lt3A_96 = arith.cmpi slt, %add3A_95, %lt3A : i32
      %convert_element_type3A = arith.extui %lt3A_96 : i1 to i32
      %cond3A = arith.constant 0 : i32
      %cond3A_97 = arith.cmpi ne, %convert_element_type3A, %cond3A : i32
      scf.if %cond3A_97 {
        %ge3A = arith.constant 1 : i32
        %ge3A_155 = arith.cmpi sge, %add3A_93, %ge3A : i32
        %convert_element_type3A_156 = arith.extui %ge3A_155 : i1 to i32
        %cond3A_157 = arith.constant 0 : i32
        %cond3A_158 = arith.cmpi ne, %convert_element_type3A_156, %cond3A_157 : i32
        scf.if %cond3A_158 {
          %sub3A = arith.constant 1 : i32
          %sub3A_177 = arith.subi %add3A_93, %sub3A : i32
          %dma_wait3A_178 = arith.constant 0 : i32
          %dma_wait3A_179 = tpu.memref_slice %arg8[%sub3A_177, %dma_wait3A_178] : memref<40x128xi32, #tpu.memory_space<vmem>> -> memref<1x128xi32, #tpu.memory_space<vmem>>
          %dma_wait3A_180 = tpu.memref_squeeze %dma_wait3A_179 : memref<1x128xi32, #tpu.memory_space<vmem>> -> memref<128xi32, #tpu.memory_space<vmem>>
          %dma_wait3A_181 = arith.constant 0 : i32
          %dma_wait3A_182 = arith.constant 0 : i32
          %dma_wait3A_183 = tpu.memref_slice %arg9[%dma_wait3A_181, %dma_wait3A_182] : memref<10240x128xf32, #tpu.memory_space<vmem_shared>> -> memref<10240x128xf32, #tpu.memory_space<vmem_shared>>
          tpu.wait_indirect_dma semaphore(%arg15 : memref<!tpu.dma_semaphore, #tpu.memory_space<semaphore_mem>>) src(%arg11 : memref<128x128xf32, #tpu.memory_space<vmem>>) dst(%dma_wait3A_183 : memref<10240x128xf32, #tpu.memory_space<vmem_shared>>)
        } else {
        }
        %dma_start3A_159 = arith.constant 0 : i32
        %dma_start3A_160 = arith.constant 0 : i32
        %dma_start3A_161 = tpu.memref_slice %arg11[%dma_start3A_159, %dma_start3A_160] : memref<128x128xf32, #tpu.memory_space<vmem>> -> memref<64x128xf32, #tpu.memory_space<vmem>>
        %dma_start3A_162 = arith.constant 0 : i32
        %dma_start3A_163 = tpu.memref_slice %arg7[%add3A_95, %dma_start3A_162] : memref<40x128xi32, #tpu.memory_space<vmem>> -> memref<1x64xi32, #tpu.memory_space<vmem>>
        %dma_start3A_164 = tpu.memref_squeeze %dma_start3A_163 : memref<1x64xi32, #tpu.memory_space<vmem>> -> memref<64xi32, #tpu.memory_space<vmem>>
        %dma_start3A_165 = arith.constant 0 : i32
        %dma_start3A_166 = arith.constant 0 : i32
        %dma_start3A_167 = tpu.memref_slice %arg2[%dma_start3A_165, %dma_start3A_166] : memref<10240x128xf32, #tpu.memory_space<hbm>> -> memref<10240x128xf32, #tpu.memory_space<hbm>>
        tpu.enqueue_indirect_dma source(%dma_start3A_167 : memref<10240x128xf32, #tpu.memory_space<hbm>>) target(%dma_start3A_161 : memref<64x128xf32, #tpu.memory_space<vmem>>) offsets(%dma_start3A_164 : memref<64xi32, #tpu.memory_space<vmem>>) semaphore(%arg13 : memref<!tpu.dma_semaphore, #tpu.memory_space<semaphore_mem>>)
        %dma_start3A_168 = arith.constant 64 : i32
        %dma_start3A_169 = arith.constant 0 : i32
        %dma_start3A_170 = tpu.memref_slice %arg11[%dma_start3A_168, %dma_start3A_169] : memref<128x128xf32, #tpu.memory_space<vmem>> -> memref<64x128xf32, #tpu.memory_space<vmem>>
        %dma_start3A_171 = arith.constant 64 : i32
        %dma_start3A_172 = tpu.memref_slice %arg7[%add3A_95, %dma_start3A_171] : memref<40x128xi32, #tpu.memory_space<vmem>> -> memref<1x64xi32, #tpu.memory_space<vmem>>
        %dma_start3A_173 = tpu.memref_squeeze %dma_start3A_172 : memref<1x64xi32, #tpu.memory_space<vmem>> -> memref<64xi32, #tpu.memory_space<vmem>>
        %dma_start3A_174 = arith.constant 0 : i32
        %dma_start3A_175 = arith.constant 0 : i32
        %dma_start3A_176 = tpu.memref_slice %arg2[%dma_start3A_174, %dma_start3A_175] : memref<10240x128xf32, #tpu.memory_space<hbm>> -> memref<10240x128xf32, #tpu.memory_space<hbm>>
        tpu.enqueue_indirect_dma source(%dma_start3A_176 : memref<10240x128xf32, #tpu.memory_space<hbm>>) target(%dma_start3A_170 : memref<64x128xf32, #tpu.memory_space<vmem>>) offsets(%dma_start3A_173 : memref<64xi32, #tpu.memory_space<vmem>>) semaphore(%arg13 : memref<!tpu.dma_semaphore, #tpu.memory_space<semaphore_mem>>)
      } else {
      }
      %dma_wait3A_98 = arith.constant 0 : i32
      %dma_wait3A_99 = arith.constant 0 : i32
      %dma_wait3A_100 = tpu.memref_slice %arg10[%dma_wait3A_98, %dma_wait3A_99] : memref<128x128xf32, #tpu.memory_space<vmem>> -> memref<64x128xf32, #tpu.memory_space<vmem>>
      %dma_wait3A_101 = arith.constant 0 : i32
      %dma_wait3A_102 = tpu.memref_slice %arg7[%add3A_93, %dma_wait3A_101] : memref<40x128xi32, #tpu.memory_space<vmem>> -> memref<1x64xi32, #tpu.memory_space<vmem>>
      %dma_wait3A_103 = tpu.memref_squeeze %dma_wait3A_102 : memref<1x64xi32, #tpu.memory_space<vmem>> -> memref<64xi32, #tpu.memory_space<vmem>>
      %dma_wait3A_104 = arith.constant 0 : i32
      %dma_wait3A_105 = arith.constant 0 : i32
      %dma_wait3A_106 = tpu.memref_slice %arg2[%dma_wait3A_104, %dma_wait3A_105] : memref<10240x128xf32, #tpu.memory_space<hbm>> -> memref<10240x128xf32, #tpu.memory_space<hbm>>
      tpu.wait_indirect_dma semaphore(%arg12 : memref<!tpu.dma_semaphore, #tpu.memory_space<semaphore_mem>>) src(%dma_wait3A_106 : memref<10240x128xf32, #tpu.memory_space<hbm>>) dst(%dma_wait3A_100 : memref<64x128xf32, #tpu.memory_space<vmem>>)
      %dma_wait3A_107 = arith.constant 64 : i32
      %dma_wait3A_108 = arith.constant 0 : i32
      %dma_wait3A_109 = tpu.memref_slice %arg10[%dma_wait3A_107, %dma_wait3A_108] : memref<128x128xf32, #tpu.memory_space<vmem>> -> memref<64x128xf32, #tpu.memory_space<vmem>>
      %dma_wait3A_110 = arith.constant 64 : i32
      %dma_wait3A_111 = tpu.memref_slice %arg7[%add3A_93, %dma_wait3A_110] : memref<40x128xi32, #tpu.memory_space<vmem>> -> memref<1x64xi32, #tpu.memory_space<vmem>>
      %dma_wait3A_112 = tpu.memref_squeeze %dma_wait3A_111 : memref<1x64xi32, #tpu.memory_space<vmem>> -> memref<64xi32, #tpu.memory_space<vmem>>
      %dma_wait3A_113 = arith.constant 0 : i32
      %dma_wait3A_114 = arith.constant 0 : i32
      %dma_wait3A_115 = tpu.memref_slice %arg2[%dma_wait3A_113, %dma_wait3A_114] : memref<10240x128xf32, #tpu.memory_space<hbm>> -> memref<10240x128xf32, #tpu.memory_space<hbm>>
      tpu.wait_indirect_dma semaphore(%arg12 : memref<!tpu.dma_semaphore, #tpu.memory_space<semaphore_mem>>) src(%dma_wait3A_115 : memref<10240x128xf32, #tpu.memory_space<hbm>>) dst(%dma_wait3A_109 : memref<64x128xf32, #tpu.memory_space<vmem>>)
      %dma_start3A_116 = arith.constant 0 : i32
      %dma_start3A_117 = tpu.memref_slice %arg8[%add3A_93, %dma_start3A_116] : memref<40x128xi32, #tpu.memory_space<vmem>> -> memref<1x128xi32, #tpu.memory_space<vmem>>
      %dma_start3A_118 = tpu.memref_squeeze %dma_start3A_117 : memref<1x128xi32, #tpu.memory_space<vmem>> -> memref<128xi32, #tpu.memory_space<vmem>>
      %dma_start3A_119 = arith.constant 0 : i32
      %dma_start3A_120 = arith.constant 0 : i32
      %dma_start3A_121 = tpu.memref_slice %arg9[%dma_start3A_119, %dma_start3A_120] : memref<10240x128xf32, #tpu.memory_space<vmem_shared>> -> memref<10240x128xf32, #tpu.memory_space<vmem_shared>>
      tpu.enqueue_indirect_dma source(%arg10 : memref<128x128xf32, #tpu.memory_space<vmem>>) target(%dma_start3A_121 : memref<10240x128xf32, #tpu.memory_space<vmem_shared>>) offsets(%dma_start3A_118 : memref<128xi32, #tpu.memory_space<vmem>>) semaphore(%arg14 : memref<!tpu.dma_semaphore, #tpu.memory_space<semaphore_mem>>) {add = true}
      %add3A_122 = arith.constant 1 : i32
      %add3A_123 = arith.addi %add3A_91, %add3A_122 : i32
      %add3A_124 = arith.constant 1 : i32
      %add3A_125 = arith.addi %add3A_123, %add3A_124 : i32
      %lt3A_126 = arith.constant 40 : i32
      %lt3A_127 = arith.cmpi slt, %add3A_125, %lt3A_126 : i32
      %convert_element_type3A_128 = arith.extui %lt3A_127 : i1 to i32
      %cond3A_129 = arith.constant 0 : i32
      %cond3A_130 = arith.cmpi ne, %convert_element_type3A_128, %cond3A_129 : i32
      scf.if %cond3A_130 {
        %ge3A = arith.constant 1 : i32
        %ge3A_155 = arith.cmpi sge, %add3A_123, %ge3A : i32
        %convert_element_type3A_156 = arith.extui %ge3A_155 : i1 to i32
        %cond3A_157 = arith.constant 0 : i32
        %cond3A_158 = arith.cmpi ne, %convert_element_type3A_156, %cond3A_157 : i32
        scf.if %cond3A_158 {
          %sub3A = arith.constant 1 : i32
          %sub3A_177 = arith.subi %add3A_123, %sub3A : i32
          %dma_wait3A_178 = arith.constant 0 : i32
          %dma_wait3A_179 = tpu.memref_slice %arg8[%sub3A_177, %dma_wait3A_178] : memref<40x128xi32, #tpu.memory_space<vmem>> -> memref<1x128xi32, #tpu.memory_space<vmem>>
          %dma_wait3A_180 = tpu.memref_squeeze %dma_wait3A_179 : memref<1x128xi32, #tpu.memory_space<vmem>> -> memref<128xi32, #tpu.memory_space<vmem>>
          %dma_wait3A_181 = arith.constant 0 : i32
          %dma_wait3A_182 = arith.constant 0 : i32
          %dma_wait3A_183 = tpu.memref_slice %arg9[%dma_wait3A_181, %dma_wait3A_182] : memref<10240x128xf32, #tpu.memory_space<vmem_shared>> -> memref<10240x128xf32, #tpu.memory_space<vmem_shared>>
          tpu.wait_indirect_dma semaphore(%arg14 : memref<!tpu.dma_semaphore, #tpu.memory_space<semaphore_mem>>) src(%arg10 : memref<128x128xf32, #tpu.memory_space<vmem>>) dst(%dma_wait3A_183 : memref<10240x128xf32, #tpu.memory_space<vmem_shared>>)
        } else {
        }
        %dma_start3A_159 = arith.constant 0 : i32
        %dma_start3A_160 = arith.constant 0 : i32
        %dma_start3A_161 = tpu.memref_slice %arg10[%dma_start3A_159, %dma_start3A_160] : memref<128x128xf32, #tpu.memory_space<vmem>> -> memref<64x128xf32, #tpu.memory_space<vmem>>
        %dma_start3A_162 = arith.constant 0 : i32
        %dma_start3A_163 = tpu.memref_slice %arg7[%add3A_125, %dma_start3A_162] : memref<40x128xi32, #tpu.memory_space<vmem>> -> memref<1x64xi32, #tpu.memory_space<vmem>>
        %dma_start3A_164 = tpu.memref_squeeze %dma_start3A_163 : memref<1x64xi32, #tpu.memory_space<vmem>> -> memref<64xi32, #tpu.memory_space<vmem>>
        %dma_start3A_165 = arith.constant 0 : i32
        %dma_start3A_166 = arith.constant 0 : i32
        %dma_start3A_167 = tpu.memref_slice %arg2[%dma_start3A_165, %dma_start3A_166] : memref<10240x128xf32, #tpu.memory_space<hbm>> -> memref<10240x128xf32, #tpu.memory_space<hbm>>
        tpu.enqueue_indirect_dma source(%dma_start3A_167 : memref<10240x128xf32, #tpu.memory_space<hbm>>) target(%dma_start3A_161 : memref<64x128xf32, #tpu.memory_space<vmem>>) offsets(%dma_start3A_164 : memref<64xi32, #tpu.memory_space<vmem>>) semaphore(%arg12 : memref<!tpu.dma_semaphore, #tpu.memory_space<semaphore_mem>>)
        %dma_start3A_168 = arith.constant 64 : i32
        %dma_start3A_169 = arith.constant 0 : i32
        %dma_start3A_170 = tpu.memref_slice %arg10[%dma_start3A_168, %dma_start3A_169] : memref<128x128xf32, #tpu.memory_space<vmem>> -> memref<64x128xf32, #tpu.memory_space<vmem>>
        %dma_start3A_171 = arith.constant 64 : i32
        %dma_start3A_172 = tpu.memref_slice %arg7[%add3A_125, %dma_start3A_171] : memref<40x128xi32, #tpu.memory_space<vmem>> -> memref<1x64xi32, #tpu.memory_space<vmem>>
        %dma_start3A_173 = tpu.memref_squeeze %dma_start3A_172 : memref<1x64xi32, #tpu.memory_space<vmem>> -> memref<64xi32, #tpu.memory_space<vmem>>
        %dma_start3A_174 = arith.constant 0 : i32
        %dma_start3A_175 = arith.constant 0 : i32
        %dma_start3A_176 = tpu.memref_slice %arg2[%dma_start3A_174, %dma_start3A_175] : memref<10240x128xf32, #tpu.memory_space<hbm>> -> memref<10240x128xf32, #tpu.memory_space<hbm>>
        tpu.enqueue_indirect_dma source(%dma_start3A_176 : memref<10240x128xf32, #tpu.memory_space<hbm>>) target(%dma_start3A_170 : memref<64x128xf32, #tpu.memory_space<vmem>>) offsets(%dma_start3A_173 : memref<64xi32, #tpu.memory_space<vmem>>) semaphore(%arg12 : memref<!tpu.dma_semaphore, #tpu.memory_space<semaphore_mem>>)
      } else {
      }
      %dma_wait3A_131 = arith.constant 0 : i32
      %dma_wait3A_132 = arith.constant 0 : i32
      %dma_wait3A_133 = tpu.memref_slice %arg11[%dma_wait3A_131, %dma_wait3A_132] : memref<128x128xf32, #tpu.memory_space<vmem>> -> memref<64x128xf32, #tpu.memory_space<vmem>>
      %dma_wait3A_134 = arith.constant 0 : i32
      %dma_wait3A_135 = tpu.memref_slice %arg7[%add3A_123, %dma_wait3A_134] : memref<40x128xi32, #tpu.memory_space<vmem>> -> memref<1x64xi32, #tpu.memory_space<vmem>>
      %dma_wait3A_136 = tpu.memref_squeeze %dma_wait3A_135 : memref<1x64xi32, #tpu.memory_space<vmem>> -> memref<64xi32, #tpu.memory_space<vmem>>
      %dma_wait3A_137 = arith.constant 0 : i32
      %dma_wait3A_138 = arith.constant 0 : i32
      %dma_wait3A_139 = tpu.memref_slice %arg2[%dma_wait3A_137, %dma_wait3A_138] : memref<10240x128xf32, #tpu.memory_space<hbm>> -> memref<10240x128xf32, #tpu.memory_space<hbm>>
      tpu.wait_indirect_dma semaphore(%arg13 : memref<!tpu.dma_semaphore, #tpu.memory_space<semaphore_mem>>) src(%dma_wait3A_139 : memref<10240x128xf32, #tpu.memory_space<hbm>>) dst(%dma_wait3A_133 : memref<64x128xf32, #tpu.memory_space<vmem>>)
      %dma_wait3A_140 = arith.constant 64 : i32
      %dma_wait3A_141 = arith.constant 0 : i32
      %dma_wait3A_142 = tpu.memref_slice %arg11[%dma_wait3A_140, %dma_wait3A_141] : memref<128x128xf32, #tpu.memory_space<vmem>> -> memref<64x128xf32, #tpu.memory_space<vmem>>
      %dma_wait3A_143 = arith.constant 64 : i32
      %dma_wait3A_144 = tpu.memref_slice %arg7[%add3A_123, %dma_wait3A_143] : memref<40x128xi32, #tpu.memory_space<vmem>> -> memref<1x64xi32, #tpu.memory_space<vmem>>
      %dma_wait3A_145 = tpu.memref_squeeze %dma_wait3A_144 : memref<1x64xi32, #tpu.memory_space<vmem>> -> memref<64xi32, #tpu.memory_space<vmem>>
      %dma_wait3A_146 = arith.constant 0 : i32
      %dma_wait3A_147 = arith.constant 0 : i32
      %dma_wait3A_148 = tpu.memref_slice %arg2[%dma_wait3A_146, %dma_wait3A_147] : memref<10240x128xf32, #tpu.memory_space<hbm>> -> memref<10240x128xf32, #tpu.memory_space<hbm>>
      tpu.wait_indirect_dma semaphore(%arg13 : memref<!tpu.dma_semaphore, #tpu.memory_space<semaphore_mem>>) src(%dma_wait3A_148 : memref<10240x128xf32, #tpu.memory_space<hbm>>) dst(%dma_wait3A_142 : memref<64x128xf32, #tpu.memory_space<vmem>>)
      %dma_start3A_149 = arith.constant 0 : i32
      %dma_start3A_150 = tpu.memref_slice %arg8[%add3A_123, %dma_start3A_149] : memref<40x128xi32, #tpu.memory_space<vmem>> -> memref<1x128xi32, #tpu.memory_space<vmem>>
      %dma_start3A_151 = tpu.memref_squeeze %dma_start3A_150 : memref<1x128xi32, #tpu.memory_space<vmem>> -> memref<128xi32, #tpu.memory_space<vmem>>
      %dma_start3A_152 = arith.constant 0 : i32
      %dma_start3A_153 = arith.constant 0 : i32
      %dma_start3A_154 = tpu.memref_slice %arg9[%dma_start3A_152, %dma_start3A_153] : memref<10240x128xf32, #tpu.memory_space<vmem_shared>> -> memref<10240x128xf32, #tpu.memory_space<vmem_shared>>
      tpu.enqueue_indirect_dma source(%arg11 : memref<128x128xf32, #tpu.memory_space<vmem>>) target(%dma_start3A_154 : memref<10240x128xf32, #tpu.memory_space<vmem_shared>>) offsets(%dma_start3A_151 : memref<128xi32, #tpu.memory_space<vmem>>) semaphore(%arg15 : memref<!tpu.dma_semaphore, #tpu.memory_space<semaphore_mem>>) {add = true}
    }
    %scan3A_29 = arith.constant 20 : i32
    %dma_wait3A = arith.constant 38 : i32
    %dma_wait3A_30 = arith.constant 0 : i32
    %dma_wait3A_31 = tpu.memref_slice %arg8[%dma_wait3A, %dma_wait3A_30] : memref<40x128xi32, #tpu.memory_space<vmem>> -> memref<1x128xi32, #tpu.memory_space<vmem>>
    %dma_wait3A_32 = tpu.memref_squeeze %dma_wait3A_31 : memref<1x128xi32, #tpu.memory_space<vmem>> -> memref<128xi32, #tpu.memory_space<vmem>>
    %dma_wait3A_33 = arith.constant 0 : i32
    %dma_wait3A_34 = arith.constant 0 : i32
    %dma_wait3A_35 = tpu.memref_slice %arg9[%dma_wait3A_33, %dma_wait3A_34] : memref<10240x128xf32, #tpu.memory_space<vmem_shared>> -> memref<10240x128xf32, #tpu.memory_space<vmem_shared>>
    tpu.wait_indirect_dma semaphore(%arg14 : memref<!tpu.dma_semaphore, #tpu.memory_space<semaphore_mem>>) src(%arg10 : memref<128x128xf32, #tpu.memory_space<vmem>>) dst(%dma_wait3A_35 : memref<10240x128xf32, #tpu.memory_space<vmem_shared>>)
    %dma_wait3A_36 = arith.constant 39 : i32
    %dma_wait3A_37 = arith.constant 0 : i32
    %dma_wait3A_38 = tpu.memref_slice %arg8[%dma_wait3A_36, %dma_wait3A_37] : memref<40x128xi32, #tpu.memory_space<vmem>> -> memref<1x128xi32, #tpu.memory_space<vmem>>
    %dma_wait3A_39 = tpu.memref_squeeze %dma_wait3A_38 : memref<1x128xi32, #tpu.memory_space<vmem>> -> memref<128xi32, #tpu.memory_space<vmem>>
    %dma_wait3A_40 = arith.constant 0 : i32
    %dma_wait3A_41 = arith.constant 0 : i32
    %dma_wait3A_42 = tpu.memref_slice %arg9[%dma_wait3A_40, %dma_wait3A_41] : memref<10240x128xf32, #tpu.memory_space<vmem_shared>> -> memref<10240x128xf32, #tpu.memory_space<vmem_shared>>
    tpu.wait_indirect_dma semaphore(%arg15 : memref<!tpu.dma_semaphore, #tpu.memory_space<semaphore_mem>>) src(%arg11 : memref<128x128xf32, #tpu.memory_space<vmem>>) dst(%dma_wait3A_42 : memref<10240x128xf32, #tpu.memory_space<vmem_shared>>)
    %mul3A_43 = arith.constant 80 : i32
    %mul3A_44 = arith.muli %add3A, %mul3A_43 : i32
    %add3A_45 = arith.constant 40 : i32
    %add3A_46 = arith.addi %mul3A_44, %add3A_45 : i32
    "tpu.region"() ({
      %run_scoped3A = tpu.sem_alloc : memref<!tpu.dma_semaphore, #tpu.memory_space<semaphore_mem>>
      %dma_start3A_87 = arith.constant 0 : i32
      %dma_start3A_88 = tpu.memref_slice %arg3[%add3A_46, %dma_start3A_87] : memref<2560x128xi32, #tpu.memory_space<hbm>> -> memref<40x128xi32, #tpu.memory_space<hbm>>
      %dma_start3A_89 = arith.constant 0 : i32
      %dma_start3A_90 = tpu.memref_slice %arg3[%add3A_46, %dma_start3A_89] : memref<2560x128xi32, #tpu.memory_space<hbm>> -> memref<40x128xi32, #tpu.memory_space<hbm>>
      tpu.enqueue_dma source(%dma_start3A_90 : memref<40x128xi32, #tpu.memory_space<hbm>>) target(%arg7 : memref<40x128xi32, #tpu.memory_space<vmem>>) target_semaphore(%run_scoped3A : memref<!tpu.dma_semaphore, #tpu.memory_space<semaphore_mem>>)
      %dma_wait3A_91 = arith.constant 0 : i32
      %dma_wait3A_92 = tpu.memref_slice %arg3[%add3A_46, %dma_wait3A_91] : memref<2560x128xi32, #tpu.memory_space<hbm>> -> memref<40x128xi32, #tpu.memory_space<hbm>>
      %dma_wait3A_93 = arith.constant 0 : i32
      %dma_wait3A_94 = tpu.memref_slice %arg3[%add3A_46, %dma_wait3A_93] : memref<2560x128xi32, #tpu.memory_space<hbm>> -> memref<40x128xi32, #tpu.memory_space<hbm>>
      tpu.wait_dma2 semaphore(%run_scoped3A : memref<!tpu.dma_semaphore, #tpu.memory_space<semaphore_mem>>) src(%dma_wait3A_94 : memref<40x128xi32, #tpu.memory_space<hbm>>) dst(%arg7 : memref<40x128xi32, #tpu.memory_space<vmem>>)
      tpu.yield
    }) : () -> ()
    "tpu.region"() ({
      %run_scoped3A = tpu.sem_alloc : memref<!tpu.dma_semaphore, #tpu.memory_space<semaphore_mem>>
      %dma_start3A_87 = arith.constant 0 : i32
      %dma_start3A_88 = tpu.memref_slice %arg4[%add3A_46, %dma_start3A_87] : memref<2560x128xi32, #tpu.memory_space<hbm>> -> memref<40x128xi32, #tpu.memory_space<hbm>>
      %dma_start3A_89 = arith.constant 0 : i32
      %dma_start3A_90 = tpu.memref_slice %arg4[%add3A_46, %dma_start3A_89] : memref<2560x128xi32, #tpu.memory_space<hbm>> -> memref<40x128xi32, #tpu.memory_space<hbm>>
      tpu.enqueue_dma source(%dma_start3A_90 : memref<40x128xi32, #tpu.memory_space<hbm>>) target(%arg8 : memref<40x128xi32, #tpu.memory_space<vmem>>) target_semaphore(%run_scoped3A : memref<!tpu.dma_semaphore, #tpu.memory_space<semaphore_mem>>)
      %dma_wait3A_91 = arith.constant 0 : i32
      %dma_wait3A_92 = tpu.memref_slice %arg4[%add3A_46, %dma_wait3A_91] : memref<2560x128xi32, #tpu.memory_space<hbm>> -> memref<40x128xi32, #tpu.memory_space<hbm>>
      %dma_wait3A_93 = arith.constant 0 : i32
      %dma_wait3A_94 = tpu.memref_slice %arg4[%add3A_46, %dma_wait3A_93] : memref<2560x128xi32, #tpu.memory_space<hbm>> -> memref<40x128xi32, #tpu.memory_space<hbm>>
      tpu.wait_dma2 semaphore(%run_scoped3A : memref<!tpu.dma_semaphore, #tpu.memory_space<semaphore_mem>>) src(%dma_wait3A_94 : memref<40x128xi32, #tpu.memory_space<hbm>>) dst(%arg8 : memref<40x128xi32, #tpu.memory_space<vmem>>)
      tpu.yield
    }) : () -> ()
    %dma_start3A_47 = arith.constant 0 : i32
    %dma_start3A_48 = arith.constant 0 : i32
    %dma_start3A_49 = arith.constant 0 : i32
    %dma_start3A_50 = tpu.memref_slice %arg10[%dma_start3A_48, %dma_start3A_49] : memref<128x128xf32, #tpu.memory_space<vmem>> -> memref<64x128xf32, #tpu.memory_space<vmem>>
    %dma_start3A_51 = arith.constant 0 : i32
    %dma_start3A_52 = tpu.memref_slice %arg7[%dma_start3A_47, %dma_start3A_51] : memref<40x128xi32, #tpu.memory_space<vmem>> -> memref<1x64xi32, #tpu.memory_space<vmem>>
    %dma_start3A_53 = tpu.memref_squeeze %dma_start3A_52 : memref<1x64xi32, #tpu.memory_space<vmem>> -> memref<64xi32, #tpu.memory_space<vmem>>
    %dma_start3A_54 = arith.constant 0 : i32
    %dma_start3A_55 = arith.constant 0 : i32
    %dma_start3A_56 = tpu.memref_slice %arg2[%dma_start3A_54, %dma_start3A_55] : memref<10240x128xf32, #tpu.memory_space<hbm>> -> memref<10240x128xf32, #tpu.memory_space<hbm>>
    tpu.enqueue_indirect_dma source(%dma_start3A_56 : memref<10240x128xf32, #tpu.memory_space<hbm>>) target(%dma_start3A_50 : memref<64x128xf32, #tpu.memory_space<vmem>>) offsets(%dma_start3A_53 : memref<64xi32, #tpu.memory_space<vmem>>) semaphore(%arg12 : memref<!tpu.dma_semaphore, #tpu.memory_space<semaphore_mem>>)
    %dma_start3A_57 = arith.constant 0 : i32
    %dma_start3A_58 = arith.constant 64 : i32
    %dma_start3A_59 = arith.constant 0 : i32
    %dma_start3A_60 = tpu.memref_slice %arg10[%dma_start3A_58, %dma_start3A_59] : memref<128x128xf32, #tpu.memory_space<vmem>> -> memref<64x128xf32, #tpu.memory_space<vmem>>
    %dma_start3A_61 = arith.constant 64 : i32
    %dma_start3A_62 = tpu.memref_slice %arg7[%dma_start3A_57, %dma_start3A_61] : memref<40x128xi32, #tpu.memory_space<vmem>> -> memref<1x64xi32, #tpu.memory_space<vmem>>
    %dma_start3A_63 = tpu.memref_squeeze %dma_start3A_62 : memref<1x64xi32, #tpu.memory_space<vmem>> -> memref<64xi32, #tpu.memory_space<vmem>>
    %dma_start3A_64 = arith.constant 0 : i32
    %dma_start3A_65 = arith.constant 0 : i32
    %dma_start3A_66 = tpu.memref_slice %arg2[%dma_start3A_64, %dma_start3A_65] : memref<10240x128xf32, #tpu.memory_space<hbm>> -> memref<10240x128xf32, #tpu.memory_space<hbm>>
    tpu.enqueue_indirect_dma source(%dma_start3A_66 : memref<10240x128xf32, #tpu.memory_space<hbm>>) target(%dma_start3A_60 : memref<64x128xf32, #tpu.memory_space<vmem>>) offsets(%dma_start3A_63 : memref<64xi32, #tpu.memory_space<vmem>>) semaphore(%arg12 : memref<!tpu.dma_semaphore, #tpu.memory_space<semaphore_mem>>)
    %scan3A_67 = arith.constant 0 : i32
    %scan3A_68 = arith.constant 20 : i32
    %scan3A_69 = arith.addi %scan3A_67, %scan3A_68 : i32
    %scan3A_70 = arith.constant 1 : i32
    scf.for %scan3A_87 = %scan3A_67 to %scan3A_69 step %scan3A_70  : i32 {
      %mul3A_88 = arith.constant 2 : i32
      %mul3A_89 = arith.muli %scan3A_87, %mul3A_88 : i32
      %add3A_90 = arith.constant 0 : i32
      %add3A_91 = arith.addi %add3A_90, %mul3A_89 : i32
      %add3A_92 = arith.constant 0 : i32
      %add3A_93 = arith.addi %add3A_91, %add3A_92 : i32
      %add3A_94 = arith.constant 1 : i32
      %add3A_95 = arith.addi %add3A_93, %add3A_94 : i32
      %lt3A = arith.constant 40 : i32
      %lt3A_96 = arith.cmpi slt, %add3A_95, %lt3A : i32
      %convert_element_type3A = arith.extui %lt3A_96 : i1 to i32
      %cond3A = arith.constant 0 : i32
      %cond3A_97 = arith.cmpi ne, %convert_element_type3A, %cond3A : i32
      scf.if %cond3A_97 {
        %ge3A = arith.constant 1 : i32
        %ge3A_155 = arith.cmpi sge, %add3A_93, %ge3A : i32
        %convert_element_type3A_156 = arith.extui %ge3A_155 : i1 to i32
        %cond3A_157 = arith.constant 0 : i32
        %cond3A_158 = arith.cmpi ne, %convert_element_type3A_156, %cond3A_157 : i32
        scf.if %cond3A_158 {
          %sub3A = arith.constant 1 : i32
          %sub3A_177 = arith.subi %add3A_93, %sub3A : i32
          %dma_wait3A_178 = arith.constant 0 : i32
          %dma_wait3A_179 = tpu.memref_slice %arg8[%sub3A_177, %dma_wait3A_178] : memref<40x128xi32, #tpu.memory_space<vmem>> -> memref<1x128xi32, #tpu.memory_space<vmem>>
          %dma_wait3A_180 = tpu.memref_squeeze %dma_wait3A_179 : memref<1x128xi32, #tpu.memory_space<vmem>> -> memref<128xi32, #tpu.memory_space<vmem>>
          %dma_wait3A_181 = arith.constant 0 : i32
          %dma_wait3A_182 = arith.constant 0 : i32
          %dma_wait3A_183 = tpu.memref_slice %arg9[%dma_wait3A_181, %dma_wait3A_182] : memref<10240x128xf32, #tpu.memory_space<vmem_shared>> -> memref<10240x128xf32, #tpu.memory_space<vmem_shared>>
          tpu.wait_indirect_dma semaphore(%arg15 : memref<!tpu.dma_semaphore, #tpu.memory_space<semaphore_mem>>) src(%arg11 : memref<128x128xf32, #tpu.memory_space<vmem>>) dst(%dma_wait3A_183 : memref<10240x128xf32, #tpu.memory_space<vmem_shared>>)
        } else {
        }
        %dma_start3A_159 = arith.constant 0 : i32
        %dma_start3A_160 = arith.constant 0 : i32
        %dma_start3A_161 = tpu.memref_slice %arg11[%dma_start3A_159, %dma_start3A_160] : memref<128x128xf32, #tpu.memory_space<vmem>> -> memref<64x128xf32, #tpu.memory_space<vmem>>
        %dma_start3A_162 = arith.constant 0 : i32
        %dma_start3A_163 = tpu.memref_slice %arg7[%add3A_95, %dma_start3A_162] : memref<40x128xi32, #tpu.memory_space<vmem>> -> memref<1x64xi32, #tpu.memory_space<vmem>>
        %dma_start3A_164 = tpu.memref_squeeze %dma_start3A_163 : memref<1x64xi32, #tpu.memory_space<vmem>> -> memref<64xi32, #tpu.memory_space<vmem>>
        %dma_start3A_165 = arith.constant 0 : i32
        %dma_start3A_166 = arith.constant 0 : i32
        %dma_start3A_167 = tpu.memref_slice %arg2[%dma_start3A_165, %dma_start3A_166] : memref<10240x128xf32, #tpu.memory_space<hbm>> -> memref<10240x128xf32, #tpu.memory_space<hbm>>
        tpu.enqueue_indirect_dma source(%dma_start3A_167 : memref<10240x128xf32, #tpu.memory_space<hbm>>) target(%dma_start3A_161 : memref<64x128xf32, #tpu.memory_space<vmem>>) offsets(%dma_start3A_164 : memref<64xi32, #tpu.memory_space<vmem>>) semaphore(%arg13 : memref<!tpu.dma_semaphore, #tpu.memory_space<semaphore_mem>>)
        %dma_start3A_168 = arith.constant 64 : i32
        %dma_start3A_169 = arith.constant 0 : i32
        %dma_start3A_170 = tpu.memref_slice %arg11[%dma_start3A_168, %dma_start3A_169] : memref<128x128xf32, #tpu.memory_space<vmem>> -> memref<64x128xf32, #tpu.memory_space<vmem>>
        %dma_start3A_171 = arith.constant 64 : i32
        %dma_start3A_172 = tpu.memref_slice %arg7[%add3A_95, %dma_start3A_171] : memref<40x128xi32, #tpu.memory_space<vmem>> -> memref<1x64xi32, #tpu.memory_space<vmem>>
        %dma_start3A_173 = tpu.memref_squeeze %dma_start3A_172 : memref<1x64xi32, #tpu.memory_space<vmem>> -> memref<64xi32, #tpu.memory_space<vmem>>
        %dma_start3A_174 = arith.constant 0 : i32
        %dma_start3A_175 = arith.constant 0 : i32
        %dma_start3A_176 = tpu.memref_slice %arg2[%dma_start3A_174, %dma_start3A_175] : memref<10240x128xf32, #tpu.memory_space<hbm>> -> memref<10240x128xf32, #tpu.memory_space<hbm>>
        tpu.enqueue_indirect_dma source(%dma_start3A_176 : memref<10240x128xf32, #tpu.memory_space<hbm>>) target(%dma_start3A_170 : memref<64x128xf32, #tpu.memory_space<vmem>>) offsets(%dma_start3A_173 : memref<64xi32, #tpu.memory_space<vmem>>) semaphore(%arg13 : memref<!tpu.dma_semaphore, #tpu.memory_space<semaphore_mem>>)
      } else {
      }
      %dma_wait3A_98 = arith.constant 0 : i32
      %dma_wait3A_99 = arith.constant 0 : i32
      %dma_wait3A_100 = tpu.memref_slice %arg10[%dma_wait3A_98, %dma_wait3A_99] : memref<128x128xf32, #tpu.memory_space<vmem>> -> memref<64x128xf32, #tpu.memory_space<vmem>>
      %dma_wait3A_101 = arith.constant 0 : i32
      %dma_wait3A_102 = tpu.memref_slice %arg7[%add3A_93, %dma_wait3A_101] : memref<40x128xi32, #tpu.memory_space<vmem>> -> memref<1x64xi32, #tpu.memory_space<vmem>>
      %dma_wait3A_103 = tpu.memref_squeeze %dma_wait3A_102 : memref<1x64xi32, #tpu.memory_space<vmem>> -> memref<64xi32, #tpu.memory_space<vmem>>
      %dma_wait3A_104 = arith.constant 0 : i32
      %dma_wait3A_105 = arith.constant 0 : i32
      %dma_wait3A_106 = tpu.memref_slice %arg2[%dma_wait3A_104, %dma_wait3A_105] : memref<10240x128xf32, #tpu.memory_space<hbm>> -> memref<10240x128xf32, #tpu.memory_space<hbm>>
      tpu.wait_indirect_dma semaphore(%arg12 : memref<!tpu.dma_semaphore, #tpu.memory_space<semaphore_mem>>) src(%dma_wait3A_106 : memref<10240x128xf32, #tpu.memory_space<hbm>>) dst(%dma_wait3A_100 : memref<64x128xf32, #tpu.memory_space<vmem>>)
      %dma_wait3A_107 = arith.constant 64 : i32
      %dma_wait3A_108 = arith.constant 0 : i32
      %dma_wait3A_109 = tpu.memref_slice %arg10[%dma_wait3A_107, %dma_wait3A_108] : memref<128x128xf32, #tpu.memory_space<vmem>> -> memref<64x128xf32, #tpu.memory_space<vmem>>
      %dma_wait3A_110 = arith.constant 64 : i32
      %dma_wait3A_111 = tpu.memref_slice %arg7[%add3A_93, %dma_wait3A_110] : memref<40x128xi32, #tpu.memory_space<vmem>> -> memref<1x64xi32, #tpu.memory_space<vmem>>
      %dma_wait3A_112 = tpu.memref_squeeze %dma_wait3A_111 : memref<1x64xi32, #tpu.memory_space<vmem>> -> memref<64xi32, #tpu.memory_space<vmem>>
      %dma_wait3A_113 = arith.constant 0 : i32
      %dma_wait3A_114 = arith.constant 0 : i32
      %dma_wait3A_115 = tpu.memref_slice %arg2[%dma_wait3A_113, %dma_wait3A_114] : memref<10240x128xf32, #tpu.memory_space<hbm>> -> memref<10240x128xf32, #tpu.memory_space<hbm>>
      tpu.wait_indirect_dma semaphore(%arg12 : memref<!tpu.dma_semaphore, #tpu.memory_space<semaphore_mem>>) src(%dma_wait3A_115 : memref<10240x128xf32, #tpu.memory_space<hbm>>) dst(%dma_wait3A_109 : memref<64x128xf32, #tpu.memory_space<vmem>>)
      %dma_start3A_116 = arith.constant 0 : i32
      %dma_start3A_117 = tpu.memref_slice %arg8[%add3A_93, %dma_start3A_116] : memref<40x128xi32, #tpu.memory_space<vmem>> -> memref<1x128xi32, #tpu.memory_space<vmem>>
      %dma_start3A_118 = tpu.memref_squeeze %dma_start3A_117 : memref<1x128xi32, #tpu.memory_space<vmem>> -> memref<128xi32, #tpu.memory_space<vmem>>
      %dma_start3A_119 = arith.constant 0 : i32
      %dma_start3A_120 = arith.constant 0 : i32
      %dma_start3A_121 = tpu.memref_slice %arg9[%dma_start3A_119, %dma_start3A_120] : memref<10240x128xf32, #tpu.memory_space<vmem_shared>> -> memref<10240x128xf32, #tpu.memory_space<vmem_shared>>
      tpu.enqueue_indirect_dma source(%arg10 : memref<128x128xf32, #tpu.memory_space<vmem>>) target(%dma_start3A_121 : memref<10240x128xf32, #tpu.memory_space<vmem_shared>>) offsets(%dma_start3A_118 : memref<128xi32, #tpu.memory_space<vmem>>) semaphore(%arg14 : memref<!tpu.dma_semaphore, #tpu.memory_space<semaphore_mem>>) {add = true}
      %add3A_122 = arith.constant 1 : i32
      %add3A_123 = arith.addi %add3A_91, %add3A_122 : i32
      %add3A_124 = arith.constant 1 : i32
      %add3A_125 = arith.addi %add3A_123, %add3A_124 : i32
      %lt3A_126 = arith.constant 40 : i32
      %lt3A_127 = arith.cmpi slt, %add3A_125, %lt3A_126 : i32
      %convert_element_type3A_128 = arith.extui %lt3A_127 : i1 to i32
      %cond3A_129 = arith.constant 0 : i32
      %cond3A_130 = arith.cmpi ne, %convert_element_type3A_128, %cond3A_129 : i32
      scf.if %cond3A_130 {
        %ge3A = arith.constant 1 : i32
        %ge3A_155 = arith.cmpi sge, %add3A_123, %ge3A : i32
        %convert_element_type3A_156 = arith.extui %ge3A_155 : i1 to i32
        %cond3A_157 = arith.constant 0 : i32
        %cond3A_158 = arith.cmpi ne, %convert_element_type3A_156, %cond3A_157 : i32
        scf.if %cond3A_158 {
          %sub3A = arith.constant 1 : i32
          %sub3A_177 = arith.subi %add3A_123, %sub3A : i32
          %dma_wait3A_178 = arith.constant 0 : i32
          %dma_wait3A_179 = tpu.memref_slice %arg8[%sub3A_177, %dma_wait3A_178] : memref<40x128xi32, #tpu.memory_space<vmem>> -> memref<1x128xi32, #tpu.memory_space<vmem>>
          %dma_wait3A_180 = tpu.memref_squeeze %dma_wait3A_179 : memref<1x128xi32, #tpu.memory_space<vmem>> -> memref<128xi32, #tpu.memory_space<vmem>>
          %dma_wait3A_181 = arith.constant 0 : i32
          %dma_wait3A_182 = arith.constant 0 : i32
          %dma_wait3A_183 = tpu.memref_slice %arg9[%dma_wait3A_181, %dma_wait3A_182] : memref<10240x128xf32, #tpu.memory_space<vmem_shared>> -> memref<10240x128xf32, #tpu.memory_space<vmem_shared>>
          tpu.wait_indirect_dma semaphore(%arg14 : memref<!tpu.dma_semaphore, #tpu.memory_space<semaphore_mem>>) src(%arg10 : memref<128x128xf32, #tpu.memory_space<vmem>>) dst(%dma_wait3A_183 : memref<10240x128xf32, #tpu.memory_space<vmem_shared>>)
        } else {
        }
        %dma_start3A_159 = arith.constant 0 : i32
        %dma_start3A_160 = arith.constant 0 : i32
        %dma_start3A_161 = tpu.memref_slice %arg10[%dma_start3A_159, %dma_start3A_160] : memref<128x128xf32, #tpu.memory_space<vmem>> -> memref<64x128xf32, #tpu.memory_space<vmem>>
        %dma_start3A_162 = arith.constant 0 : i32
        %dma_start3A_163 = tpu.memref_slice %arg7[%add3A_125, %dma_start3A_162] : memref<40x128xi32, #tpu.memory_space<vmem>> -> memref<1x64xi32, #tpu.memory_space<vmem>>
        %dma_start3A_164 = tpu.memref_squeeze %dma_start3A_163 : memref<1x64xi32, #tpu.memory_space<vmem>> -> memref<64xi32, #tpu.memory_space<vmem>>
        %dma_start3A_165 = arith.constant 0 : i32
        %dma_start3A_166 = arith.constant 0 : i32
        %dma_start3A_167 = tpu.memref_slice %arg2[%dma_start3A_165, %dma_start3A_166] : memref<10240x128xf32, #tpu.memory_space<hbm>> -> memref<10240x128xf32, #tpu.memory_space<hbm>>
        tpu.enqueue_indirect_dma source(%dma_start3A_167 : memref<10240x128xf32, #tpu.memory_space<hbm>>) target(%dma_start3A_161 : memref<64x128xf32, #tpu.memory_space<vmem>>) offsets(%dma_start3A_164 : memref<64xi32, #tpu.memory_space<vmem>>) semaphore(%arg12 : memref<!tpu.dma_semaphore, #tpu.memory_space<semaphore_mem>>)
        %dma_start3A_168 = arith.constant 64 : i32
        %dma_start3A_169 = arith.constant 0 : i32
        %dma_start3A_170 = tpu.memref_slice %arg10[%dma_start3A_168, %dma_start3A_169] : memref<128x128xf32, #tpu.memory_space<vmem>> -> memref<64x128xf32, #tpu.memory_space<vmem>>
        %dma_start3A_171 = arith.constant 64 : i32
        %dma_start3A_172 = tpu.memref_slice %arg7[%add3A_125, %dma_start3A_171] : memref<40x128xi32, #tpu.memory_space<vmem>> -> memref<1x64xi32, #tpu.memory_space<vmem>>
        %dma_start3A_173 = tpu.memref_squeeze %dma_start3A_172 : memref<1x64xi32, #tpu.memory_space<vmem>> -> memref<64xi32, #tpu.memory_space<vmem>>
        %dma_start3A_174 = arith.constant 0 : i32
        %dma_start3A_175 = arith.constant 0 : i32
        %dma_start3A_176 = tpu.memref_slice %arg2[%dma_start3A_174, %dma_start3A_175] : memref<10240x128xf32, #tpu.memory_space<hbm>> -> memref<10240x128xf32, #tpu.memory_space<hbm>>
        tpu.enqueue_indirect_dma source(%dma_start3A_176 : memref<10240x128xf32, #tpu.memory_space<hbm>>) target(%dma_start3A_170 : memref<64x128xf32, #tpu.memory_space<vmem>>) offsets(%dma_start3A_173 : memref<64xi32, #tpu.memory_space<vmem>>) semaphore(%arg12 : memref<!tpu.dma_semaphore, #tpu.memory_space<semaphore_mem>>)
      } else {
      }
      %dma_wait3A_131 = arith.constant 0 : i32
      %dma_wait3A_132 = arith.constant 0 : i32
      %dma_wait3A_133 = tpu.memref_slice %arg11[%dma_wait3A_131, %dma_wait3A_132] : memref<128x128xf32, #tpu.memory_space<vmem>> -> memref<64x128xf32, #tpu.memory_space<vmem>>
      %dma_wait3A_134 = arith.constant 0 : i32
      %dma_wait3A_135 = tpu.memref_slice %arg7[%add3A_123, %dma_wait3A_134] : memref<40x128xi32, #tpu.memory_space<vmem>> -> memref<1x64xi32, #tpu.memory_space<vmem>>
      %dma_wait3A_136 = tpu.memref_squeeze %dma_wait3A_135 : memref<1x64xi32, #tpu.memory_space<vmem>> -> memref<64xi32, #tpu.memory_space<vmem>>
      %dma_wait3A_137 = arith.constant 0 : i32
      %dma_wait3A_138 = arith.constant 0 : i32
      %dma_wait3A_139 = tpu.memref_slice %arg2[%dma_wait3A_137, %dma_wait3A_138] : memref<10240x128xf32, #tpu.memory_space<hbm>> -> memref<10240x128xf32, #tpu.memory_space<hbm>>
      tpu.wait_indirect_dma semaphore(%arg13 : memref<!tpu.dma_semaphore, #tpu.memory_space<semaphore_mem>>) src(%dma_wait3A_139 : memref<10240x128xf32, #tpu.memory_space<hbm>>) dst(%dma_wait3A_133 : memref<64x128xf32, #tpu.memory_space<vmem>>)
      %dma_wait3A_140 = arith.constant 64 : i32
      %dma_wait3A_141 = arith.constant 0 : i32
      %dma_wait3A_142 = tpu.memref_slice %arg11[%dma_wait3A_140, %dma_wait3A_141] : memref<128x128xf32, #tpu.memory_space<vmem>> -> memref<64x128xf32, #tpu.memory_space<vmem>>
      %dma_wait3A_143 = arith.constant 64 : i32
      %dma_wait3A_144 = tpu.memref_slice %arg7[%add3A_123, %dma_wait3A_143] : memref<40x128xi32, #tpu.memory_space<vmem>> -> memref<1x64xi32, #tpu.memory_space<vmem>>
      %dma_wait3A_145 = tpu.memref_squeeze %dma_wait3A_144 : memref<1x64xi32, #tpu.memory_space<vmem>> -> memref<64xi32, #tpu.memory_space<vmem>>
      %dma_wait3A_146 = arith.constant 0 : i32
      %dma_wait3A_147 = arith.constant 0 : i32
      %dma_wait3A_148 = tpu.memref_slice %arg2[%dma_wait3A_146, %dma_wait3A_147] : memref<10240x128xf32, #tpu.memory_space<hbm>> -> memref<10240x128xf32, #tpu.memory_space<hbm>>
      tpu.wait_indirect_dma semaphore(%arg13 : memref<!tpu.dma_semaphore, #tpu.memory_space<semaphore_mem>>) src(%dma_wait3A_148 : memref<10240x128xf32, #tpu.memory_space<hbm>>) dst(%dma_wait3A_142 : memref<64x128xf32, #tpu.memory_space<vmem>>)
      %dma_start3A_149 = arith.constant 0 : i32
      %dma_start3A_150 = tpu.memref_slice %arg8[%add3A_123, %dma_start3A_149] : memref<40x128xi32, #tpu.memory_space<vmem>> -> memref<1x128xi32, #tpu.memory_space<vmem>>
      %dma_start3A_151 = tpu.memref_squeeze %dma_start3A_150 : memref<1x128xi32, #tpu.memory_space<vmem>> -> memref<128xi32, #tpu.memory_space<vmem>>
      %dma_start3A_152 = arith.constant 0 : i32
      %dma_start3A_153 = arith.constant 0 : i32
      %dma_start3A_154 = tpu.memref_slice %arg9[%dma_start3A_152, %dma_start3A_153] : memref<10240x128xf32, #tpu.memory_space<vmem_shared>> -> memref<10240x128xf32, #tpu.memory_space<vmem_shared>>
      tpu.enqueue_indirect_dma source(%arg11 : memref<128x128xf32, #tpu.memory_space<vmem>>) target(%dma_start3A_154 : memref<10240x128xf32, #tpu.memory_space<vmem_shared>>) offsets(%dma_start3A_151 : memref<128xi32, #tpu.memory_space<vmem>>) semaphore(%arg15 : memref<!tpu.dma_semaphore, #tpu.memory_space<semaphore_mem>>) {add = true}
    }
    %scan3A_71 = arith.constant 20 : i32
    %dma_wait3A_72 = arith.constant 38 : i32
    %dma_wait3A_73 = arith.constant 0 : i32
    %dma_wait3A_74 = tpu.memref_slice %arg8[%dma_wait3A_72, %dma_wait3A_73] : memref<40x128xi32, #tpu.memory_space<vmem>> -> memref<1x128xi32, #tpu.memory_space<vmem>>
    %dma_wait3A_75 = tpu.memref_squeeze %dma_wait3A_74 : memref<1x128xi32, #tpu.memory_space<vmem>> -> memref<128xi32, #tpu.memory_space<vmem>>
    %dma_wait3A_76 = arith.constant 0 : i32
    %dma_wait3A_77 = arith.constant 0 : i32
    %dma_wait3A_78 = tpu.memref_slice %arg9[%dma_wait3A_76, %dma_wait3A_77] : memref<10240x128xf32, #tpu.memory_space<vmem_shared>> -> memref<10240x128xf32, #tpu.memory_space<vmem_shared>>
    tpu.wait_indirect_dma semaphore(%arg14 : memref<!tpu.dma_semaphore, #tpu.memory_space<semaphore_mem>>) src(%arg10 : memref<128x128xf32, #tpu.memory_space<vmem>>) dst(%dma_wait3A_78 : memref<10240x128xf32, #tpu.memory_space<vmem_shared>>)
    %dma_wait3A_79 = arith.constant 39 : i32
    %dma_wait3A_80 = arith.constant 0 : i32
    %dma_wait3A_81 = tpu.memref_slice %arg8[%dma_wait3A_79, %dma_wait3A_80] : memref<40x128xi32, #tpu.memory_space<vmem>> -> memref<1x128xi32, #tpu.memory_space<vmem>>
    %dma_wait3A_82 = tpu.memref_squeeze %dma_wait3A_81 : memref<1x128xi32, #tpu.memory_space<vmem>> -> memref<128xi32, #tpu.memory_space<vmem>>
    %dma_wait3A_83 = arith.constant 0 : i32
    %dma_wait3A_84 = arith.constant 0 : i32
    %dma_wait3A_85 = tpu.memref_slice %arg9[%dma_wait3A_83, %dma_wait3A_84] : memref<10240x128xf32, #tpu.memory_space<vmem_shared>> -> memref<10240x128xf32, #tpu.memory_space<vmem_shared>>
    tpu.wait_indirect_dma semaphore(%arg15 : memref<!tpu.dma_semaphore, #tpu.memory_space<semaphore_mem>>) src(%arg11 : memref<128x128xf32, #tpu.memory_space<vmem>>) dst(%dma_wait3A_85 : memref<10240x128xf32, #tpu.memory_space<vmem_shared>>)
    %barrier3A_86 = arith.constant 0 : index
    tpu.barrier barrier_id(%barrier3A_86)
    "tpu.region"() ({
      %run_scoped3A = tpu.sem_alloc : memref<!tpu.dma_semaphore, #tpu.memory_space<semaphore_mem>>
      %dma_start3A_87 = arith.constant 0 : i32
      %dma_start3A_88 = tpu.memref_slice %arg6[%arg0, %mul3A_2, %dma_start3A_87] : memref<2x10240x128xf32, #tpu.memory_space<hbm>> -> memref<1x640x128xf32, #tpu.memory_space<hbm>>
      %dma_start3A_89 = tpu.memref_squeeze %dma_start3A_88 : memref<1x640x128xf32, #tpu.memory_space<hbm>> -> memref<640x128xf32, #tpu.memory_space<hbm>>
      %dma_start3A_90 = arith.constant 0 : i32
      %dma_start3A_91 = tpu.memref_slice %arg9[%mul3A_2, %dma_start3A_90] : memref<10240x128xf32, #tpu.memory_space<vmem_shared>> -> memref<640x128xf32, #tpu.memory_space<vmem_shared>>
      tpu.enqueue_dma source(%dma_start3A_91 : memref<640x128xf32, #tpu.memory_space<vmem_shared>>) target(%dma_start3A_89 : memref<640x128xf32, #tpu.memory_space<hbm>>) target_semaphore(%run_scoped3A : memref<!tpu.dma_semaphore, #tpu.memory_space<semaphore_mem>>)
      %dma_wait3A_92 = arith.constant 0 : i32
      %dma_wait3A_93 = tpu.memref_slice %arg6[%arg0, %mul3A_2, %dma_wait3A_92] : memref<2x10240x128xf32, #tpu.memory_space<hbm>> -> memref<1x640x128xf32, #tpu.memory_space<hbm>>
      %dma_wait3A_94 = tpu.memref_squeeze %dma_wait3A_93 : memref<1x640x128xf32, #tpu.memory_space<hbm>> -> memref<640x128xf32, #tpu.memory_space<hbm>>
      %dma_wait3A_95 = arith.constant 0 : i32
      %dma_wait3A_96 = tpu.memref_slice %arg9[%mul3A_2, %dma_wait3A_95] : memref<10240x128xf32, #tpu.memory_space<vmem_shared>> -> memref<640x128xf32, #tpu.memory_space<vmem_shared>>
      tpu.wait_dma2 semaphore(%run_scoped3A : memref<!tpu.dma_semaphore, #tpu.memory_space<semaphore_mem>>) src(%dma_wait3A_96 : memref<640x128xf32, #tpu.memory_space<vmem_shared>>) dst(%dma_wait3A_94 : memref<640x128xf32, #tpu.memory_space<hbm>>)
      tpu.yield
    }) : () -> ()
    return
  }
}

#map = affine_map<(d0, d1) -> (0, 0)>
#map1 = affine_map<(d0, d1) -> (0, 0, 0)>
module attributes {stable_mosaic.version = 14 : i64} {
  func.func @_seg_sum(%arg0: i32, %arg1: i32, %arg2: memref<10240x128xf32, #tpu.memory_space<hbm>>, %arg3: memref<2560x128xi32, #tpu.memory_space<hbm>>, %arg4: memref<2560x128xi32, #tpu.memory_space<hbm>>, %arg5: memref<10240x128xf32, #tpu.memory_space<hbm>>, %arg6: memref<2x10240x128xf32, #tpu.memory_space<hbm>>, %arg7: memref<40x128xi32, #tpu.memory_space<vmem>>, %arg8: memref<40x128xi32, #tpu.memory_space<vmem>>, %arg9: memref<10240x128xf32, #tpu.memory_space<vmem_shared>>, %arg10: memref<128x128xf32, #tpu.memory_space<vmem>>, %arg11: memref<128x128xf32, #tpu.memory_space<vmem>>, %arg12: memref<!tpu.dma_semaphore, #tpu.memory_space<semaphore_mem>>, %arg13: memref<!tpu.dma_semaphore, #tpu.memory_space<semaphore_mem>>, %arg14: memref<!tpu.dma_semaphore, #tpu.memory_space<semaphore_mem>>, %arg15: memref<!tpu.dma_semaphore, #tpu.memory_space<semaphore_mem>>) attributes {dimension_semantics = [#tpu.dimension_semantics<core_parallel>, #tpu.dimension_semantics<subcore_parallel>], iteration_bounds = array<i64: 2, 16>, scalar_prefetch = 0 : i64, scratch_operands = 9 : i64, tpu.core_type = #tpu.core_type<sc_vector_subcore>, window_params = [{transform_indices = #map}, {transform_indices = #map}, {transform_indices = #map}, {transform_indices = #map}, {transform_indices = #map1}]} {
    %mul3A = arith.constant 16 : i32
    %mul3A_0 = arith.muli %arg0, %mul3A : i32
    %add3A = arith.addi %mul3A_0, %arg1 : i32
    %mul3A_1 = arith.constant 640 : i32
    %mul3A_2 = arith.muli %arg1, %mul3A_1 : i32
    "tpu.region"() ({
      %run_scoped3A = tpu.sem_alloc : memref<!tpu.dma_semaphore, #tpu.memory_space<semaphore_mem>>
      %dma_start3A_87 = arith.constant 0 : i32
      %dma_start3A_88 = tpu.memref_slice %arg9[%mul3A_2, %dma_start3A_87] : memref<10240x128xf32, #tpu.memory_space<vmem_shared>> -> memref<640x128xf32, #tpu.memory_space<vmem_shared>>
      %dma_start3A_89 = arith.constant 0 : i32
      %dma_start3A_90 = tpu.memref_slice %arg5[%mul3A_2, %dma_start3A_89] : memref<10240x128xf32, #tpu.memory_space<hbm>> -> memref<640x128xf32, #tpu.memory_space<hbm>>
      tpu.enqueue_dma source(%dma_start3A_90 : memref<640x128xf32, #tpu.memory_space<hbm>>) target(%dma_start3A_88 : memref<640x128xf32, #tpu.memory_space<vmem_shared>>) target_semaphore(%run_scoped3A : memref<!tpu.dma_semaphore, #tpu.memory_space<semaphore_mem>>)
      %dma_wait3A_91 = arith.constant 0 : i32
      %dma_wait3A_92 = tpu.memref_slice %arg9[%mul3A_2, %dma_wait3A_91] : memref<10240x128xf32, #tpu.memory_space<vmem_shared>> -> memref<640x128xf32, #tpu.memory_space<vmem_shared>>
      %dma_wait3A_93 = arith.constant 0 : i32
      %dma_wait3A_94 = tpu.memref_slice %arg5[%mul3A_2, %dma_wait3A_93] : memref<10240x128xf32, #tpu.memory_space<hbm>> -> memref<640x128xf32, #tpu.memory_space<hbm>>
      tpu.wait_dma2 semaphore(%run_scoped3A : memref<!tpu.dma_semaphore, #tpu.memory_space<semaphore_mem>>) src(%dma_wait3A_94 : memref<640x128xf32, #tpu.memory_space<hbm>>) dst(%dma_wait3A_92 : memref<640x128xf32, #tpu.memory_space<vmem_shared>>)
      tpu.yield
    }) : () -> ()
    %barrier3A = arith.constant 0 : index
    tpu.barrier barrier_id(%barrier3A)
    %mul3A_3 = arith.constant 80 : i32
    %mul3A_4 = arith.muli %add3A, %mul3A_3 : i32
    %add3A_5 = arith.constant 0 : i32
    %add3A_6 = arith.addi %mul3A_4, %add3A_5 : i32
    "tpu.region"() ({
      %run_scoped3A = tpu.sem_alloc : memref<!tpu.dma_semaphore, #tpu.memory_space<semaphore_mem>>
      %dma_start3A_87 = arith.constant 0 : i32
      %dma_start3A_88 = tpu.memref_slice %arg3[%add3A_6, %dma_start3A_87] : memref<2560x128xi32, #tpu.memory_space<hbm>> -> memref<40x128xi32, #tpu.memory_space<hbm>>
      %dma_start3A_89 = arith.constant 0 : i32
      %dma_start3A_90 = tpu.memref_slice %arg3[%add3A_6, %dma_start3A_89] : memref<2560x128xi32, #tpu.memory_space<hbm>> -> memref<40x128xi32, #tpu.memory_space<hbm>>
      tpu.enqueue_dma source(%dma_start3A_90 : memref<40x128xi32, #tpu.memory_space<hbm>>) target(%arg7 : memref<40x128xi32, #tpu.memory_space<vmem>>) target_semaphore(%run_scoped3A : memref<!tpu.dma_semaphore, #tpu.memory_space<semaphore_mem>>)
      %dma_wait3A_91 = arith.constant 0 : i32
      %dma_wait3A_92 = tpu.memref_slice %arg3[%add3A_6, %dma_wait3A_91] : memref<2560x128xi32, #tpu.memory_space<hbm>> -> memref<40x128xi32, #tpu.memory_space<hbm>>
      %dma_wait3A_93 = arith.constant 0 : i32
      %dma_wait3A_94 = tpu.memref_slice %arg3[%add3A_6, %dma_wait3A_93] : memref<2560x128xi32, #tpu.memory_space<hbm>> -> memref<40x128xi32, #tpu.memory_space<hbm>>
      tpu.wait_dma2 semaphore(%run_scoped3A : memref<!tpu.dma_semaphore, #tpu.memory_space<semaphore_mem>>) src(%dma_wait3A_94 : memref<40x128xi32, #tpu.memory_space<hbm>>) dst(%arg7 : memref<40x128xi32, #tpu.memory_space<vmem>>)
      tpu.yield
    }) : () -> ()
    "tpu.region"() ({
      %run_scoped3A = tpu.sem_alloc : memref<!tpu.dma_semaphore, #tpu.memory_space<semaphore_mem>>
      %dma_start3A_87 = arith.constant 0 : i32
      %dma_start3A_88 = tpu.memref_slice %arg4[%add3A_6, %dma_start3A_87] : memref<2560x128xi32, #tpu.memory_space<hbm>> -> memref<40x128xi32, #tpu.memory_space<hbm>>
      %dma_start3A_89 = arith.constant 0 : i32
      %dma_start3A_90 = tpu.memref_slice %arg4[%add3A_6, %dma_start3A_89] : memref<2560x128xi32, #tpu.memory_space<hbm>> -> memref<40x128xi32, #tpu.memory_space<hbm>>
      tpu.enqueue_dma source(%dma_start3A_90 : memref<40x128xi32, #tpu.memory_space<hbm>>) target(%arg8 : memref<40x128xi32, #tpu.memory_space<vmem>>) target_semaphore(%run_scoped3A : memref<!tpu.dma_semaphore, #tpu.memory_space<semaphore_mem>>)
      %dma_wait3A_91 = arith.constant 0 : i32
      %dma_wait3A_92 = tpu.memref_slice %arg4[%add3A_6, %dma_wait3A_91] : memref<2560x128xi32, #tpu.memory_space<hbm>> -> memref<40x128xi32, #tpu.memory_space<hbm>>
      %dma_wait3A_93 = arith.constant 0 : i32
      %dma_wait3A_94 = tpu.memref_slice %arg4[%add3A_6, %dma_wait3A_93] : memref<2560x128xi32, #tpu.memory_space<hbm>> -> memref<40x128xi32, #tpu.memory_space<hbm>>
      tpu.wait_dma2 semaphore(%run_scoped3A : memref<!tpu.dma_semaphore, #tpu.memory_space<semaphore_mem>>) src(%dma_wait3A_94 : memref<40x128xi32, #tpu.memory_space<hbm>>) dst(%arg8 : memref<40x128xi32, #tpu.memory_space<vmem>>)
      tpu.yield
    }) : () -> ()
    %dma_start3A = arith.constant 0 : i32
    %dma_start3A_7 = arith.constant 0 : i32
    %dma_start3A_8 = arith.constant 0 : i32
    %dma_start3A_9 = tpu.memref_slice %arg10[%dma_start3A_7, %dma_start3A_8] : memref<128x128xf32, #tpu.memory_space<vmem>> -> memref<64x128xf32, #tpu.memory_space<vmem>>
    %dma_start3A_10 = arith.constant 0 : i32
    %dma_start3A_11 = tpu.memref_slice %arg7[%dma_start3A, %dma_start3A_10] : memref<40x128xi32, #tpu.memory_space<vmem>> -> memref<1x64xi32, #tpu.memory_space<vmem>>
    %dma_start3A_12 = tpu.memref_squeeze %dma_start3A_11 : memref<1x64xi32, #tpu.memory_space<vmem>> -> memref<64xi32, #tpu.memory_space<vmem>>
    %dma_start3A_13 = arith.constant 0 : i32
    %dma_start3A_14 = arith.constant 0 : i32
    %dma_start3A_15 = tpu.memref_slice %arg2[%dma_start3A_13, %dma_start3A_14] : memref<10240x128xf32, #tpu.memory_space<hbm>> -> memref<10240x128xf32, #tpu.memory_space<hbm>>
    tpu.enqueue_indirect_dma source(%dma_start3A_15 : memref<10240x128xf32, #tpu.memory_space<hbm>>) target(%dma_start3A_9 : memref<64x128xf32, #tpu.memory_space<vmem>>) offsets(%dma_start3A_12 : memref<64xi32, #tpu.memory_space<vmem>>) semaphore(%arg12 : memref<!tpu.dma_semaphore, #tpu.memory_space<semaphore_mem>>)
    %dma_start3A_16 = arith.constant 0 : i32
    %dma_start3A_17 = arith.constant 64 : i32
    %dma_start3A_18 = arith.constant 0 : i32
    %dma_start3A_19 = tpu.memref_slice %arg10[%dma_start3A_17, %dma_start3A_18] : memref<128x128xf32, #tpu.memory_space<vmem>> -> memref<64x128xf32, #tpu.memory_space<vmem>>
    %dma_start3A_20 = arith.constant 64 : i32
    %dma_start3A_21 = tpu.memref_slice %arg7[%dma_start3A_16, %dma_start3A_20] : memref<40x128xi32, #tpu.memory_space<vmem>> -> memref<1x64xi32, #tpu.memory_space<vmem>>
    %dma_start3A_22 = tpu.memref_squeeze %dma_start3A_21 : memref<1x64xi32, #tpu.memory_space<vmem>> -> memref<64xi32, #tpu.memory_space<vmem>>
    %dma_start3A_23 = arith.constant 0 : i32
    %dma_start3A_24 = arith.constant 0 : i32
    %dma_start3A_25 = tpu.memref_slice %arg2[%dma_start3A_23, %dma_start3A_24] : memref<10240x128xf32, #tpu.memory_space<hbm>> -> memref<10240x128xf32, #tpu.memory_space<hbm>>
    tpu.enqueue_indirect_dma source(%dma_start3A_25 : memref<10240x128xf32, #tpu.memory_space<hbm>>) target(%dma_start3A_19 : memref<64x128xf32, #tpu.memory_space<vmem>>) offsets(%dma_start3A_22 : memref<64xi32, #tpu.memory_space<vmem>>) semaphore(%arg12 : memref<!tpu.dma_semaphore, #tpu.memory_space<semaphore_mem>>)
    %scan3A = arith.constant 0 : i32
    %scan3A_26 = arith.constant 20 : i32
    %scan3A_27 = arith.addi %scan3A, %scan3A_26 : i32
    %scan3A_28 = arith.constant 1 : i32
    scf.for %scan3A_87 = %scan3A to %scan3A_27 step %scan3A_28  : i32 {
      %mul3A_88 = arith.constant 2 : i32
      %mul3A_89 = arith.muli %scan3A_87, %mul3A_88 : i32
      %add3A_90 = arith.constant 0 : i32
      %add3A_91 = arith.addi %add3A_90, %mul3A_89 : i32
      %add3A_92 = arith.constant 0 : i32
      %add3A_93 = arith.addi %add3A_91, %add3A_92 : i32
      %add3A_94 = arith.constant 1 : i32
      %add3A_95 = arith.addi %add3A_93, %add3A_94 : i32
      %lt3A = arith.constant 40 : i32
      %lt3A_96 = arith.cmpi slt, %add3A_95, %lt3A : i32
      %convert_element_type3A = arith.extui %lt3A_96 : i1 to i32
      %cond3A = arith.constant 0 : i32
      %cond3A_97 = arith.cmpi ne, %convert_element_type3A, %cond3A : i32
      scf.if %cond3A_97 {
        %ge3A = arith.constant 1 : i32
        %ge3A_155 = arith.cmpi sge, %add3A_93, %ge3A : i32
        %convert_element_type3A_156 = arith.extui %ge3A_155 : i1 to i32
        %cond3A_157 = arith.constant 0 : i32
        %cond3A_158 = arith.cmpi ne, %convert_element_type3A_156, %cond3A_157 : i32
        scf.if %cond3A_158 {
          %sub3A = arith.constant 1 : i32
          %sub3A_177 = arith.subi %add3A_93, %sub3A : i32
          %dma_wait3A_178 = arith.constant 0 : i32
          %dma_wait3A_179 = tpu.memref_slice %arg8[%sub3A_177, %dma_wait3A_178] : memref<40x128xi32, #tpu.memory_space<vmem>> -> memref<1x128xi32, #tpu.memory_space<vmem>>
          %dma_wait3A_180 = tpu.memref_squeeze %dma_wait3A_179 : memref<1x128xi32, #tpu.memory_space<vmem>> -> memref<128xi32, #tpu.memory_space<vmem>>
          %dma_wait3A_181 = arith.constant 0 : i32
          %dma_wait3A_182 = arith.constant 0 : i32
          %dma_wait3A_183 = tpu.memref_slice %arg9[%dma_wait3A_181, %dma_wait3A_182] : memref<10240x128xf32, #tpu.memory_space<vmem_shared>> -> memref<10240x128xf32, #tpu.memory_space<vmem_shared>>
          tpu.wait_indirect_dma semaphore(%arg15 : memref<!tpu.dma_semaphore, #tpu.memory_space<semaphore_mem>>) src(%arg11 : memref<128x128xf32, #tpu.memory_space<vmem>>) dst(%dma_wait3A_183 : memref<10240x128xf32, #tpu.memory_space<vmem_shared>>)
        } else {
        }
        %dma_start3A_159 = arith.constant 0 : i32
        %dma_start3A_160 = arith.constant 0 : i32
        %dma_start3A_161 = tpu.memref_slice %arg11[%dma_start3A_159, %dma_start3A_160] : memref<128x128xf32, #tpu.memory_space<vmem>> -> memref<64x128xf32, #tpu.memory_space<vmem>>
        %dma_start3A_162 = arith.constant 0 : i32
        %dma_start3A_163 = tpu.memref_slice %arg7[%add3A_95, %dma_start3A_162] : memref<40x128xi32, #tpu.memory_space<vmem>> -> memref<1x64xi32, #tpu.memory_space<vmem>>
        %dma_start3A_164 = tpu.memref_squeeze %dma_start3A_163 : memref<1x64xi32, #tpu.memory_space<vmem>> -> memref<64xi32, #tpu.memory_space<vmem>>
        %dma_start3A_165 = arith.constant 0 : i32
        %dma_start3A_166 = arith.constant 0 : i32
        %dma_start3A_167 = tpu.memref_slice %arg2[%dma_start3A_165, %dma_start3A_166] : memref<10240x128xf32, #tpu.memory_space<hbm>> -> memref<10240x128xf32, #tpu.memory_space<hbm>>
        tpu.enqueue_indirect_dma source(%dma_start3A_167 : memref<10240x128xf32, #tpu.memory_space<hbm>>) target(%dma_start3A_161 : memref<64x128xf32, #tpu.memory_space<vmem>>) offsets(%dma_start3A_164 : memref<64xi32, #tpu.memory_space<vmem>>) semaphore(%arg13 : memref<!tpu.dma_semaphore, #tpu.memory_space<semaphore_mem>>)
        %dma_start3A_168 = arith.constant 64 : i32
        %dma_start3A_169 = arith.constant 0 : i32
        %dma_start3A_170 = tpu.memref_slice %arg11[%dma_start3A_168, %dma_start3A_169] : memref<128x128xf32, #tpu.memory_space<vmem>> -> memref<64x128xf32, #tpu.memory_space<vmem>>
        %dma_start3A_171 = arith.constant 64 : i32
        %dma_start3A_172 = tpu.memref_slice %arg7[%add3A_95, %dma_start3A_171] : memref<40x128xi32, #tpu.memory_space<vmem>> -> memref<1x64xi32, #tpu.memory_space<vmem>>
        %dma_start3A_173 = tpu.memref_squeeze %dma_start3A_172 : memref<1x64xi32, #tpu.memory_space<vmem>> -> memref<64xi32, #tpu.memory_space<vmem>>
        %dma_start3A_174 = arith.constant 0 : i32
        %dma_start3A_175 = arith.constant 0 : i32
        %dma_start3A_176 = tpu.memref_slice %arg2[%dma_start3A_174, %dma_start3A_175] : memref<10240x128xf32, #tpu.memory_space<hbm>> -> memref<10240x128xf32, #tpu.memory_space<hbm>>
        tpu.enqueue_indirect_dma source(%dma_start3A_176 : memref<10240x128xf32, #tpu.memory_space<hbm>>) target(%dma_start3A_170 : memref<64x128xf32, #tpu.memory_space<vmem>>) offsets(%dma_start3A_173 : memref<64xi32, #tpu.memory_space<vmem>>) semaphore(%arg13 : memref<!tpu.dma_semaphore, #tpu.memory_space<semaphore_mem>>)
      } else {
      }
      %dma_wait3A_98 = arith.constant 0 : i32
      %dma_wait3A_99 = arith.constant 0 : i32
      %dma_wait3A_100 = tpu.memref_slice %arg10[%dma_wait3A_98, %dma_wait3A_99] : memref<128x128xf32, #tpu.memory_space<vmem>> -> memref<64x128xf32, #tpu.memory_space<vmem>>
      %dma_wait3A_101 = arith.constant 0 : i32
      %dma_wait3A_102 = tpu.memref_slice %arg7[%add3A_93, %dma_wait3A_101] : memref<40x128xi32, #tpu.memory_space<vmem>> -> memref<1x64xi32, #tpu.memory_space<vmem>>
      %dma_wait3A_103 = tpu.memref_squeeze %dma_wait3A_102 : memref<1x64xi32, #tpu.memory_space<vmem>> -> memref<64xi32, #tpu.memory_space<vmem>>
      %dma_wait3A_104 = arith.constant 0 : i32
      %dma_wait3A_105 = arith.constant 0 : i32
      %dma_wait3A_106 = tpu.memref_slice %arg2[%dma_wait3A_104, %dma_wait3A_105] : memref<10240x128xf32, #tpu.memory_space<hbm>> -> memref<10240x128xf32, #tpu.memory_space<hbm>>
      tpu.wait_indirect_dma semaphore(%arg12 : memref<!tpu.dma_semaphore, #tpu.memory_space<semaphore_mem>>) src(%dma_wait3A_106 : memref<10240x128xf32, #tpu.memory_space<hbm>>) dst(%dma_wait3A_100 : memref<64x128xf32, #tpu.memory_space<vmem>>)
      %dma_wait3A_107 = arith.constant 64 : i32
      %dma_wait3A_108 = arith.constant 0 : i32
      %dma_wait3A_109 = tpu.memref_slice %arg10[%dma_wait3A_107, %dma_wait3A_108] : memref<128x128xf32, #tpu.memory_space<vmem>> -> memref<64x128xf32, #tpu.memory_space<vmem>>
      %dma_wait3A_110 = arith.constant 64 : i32
      %dma_wait3A_111 = tpu.memref_slice %arg7[%add3A_93, %dma_wait3A_110] : memref<40x128xi32, #tpu.memory_space<vmem>> -> memref<1x64xi32, #tpu.memory_space<vmem>>
      %dma_wait3A_112 = tpu.memref_squeeze %dma_wait3A_111 : memref<1x64xi32, #tpu.memory_space<vmem>> -> memref<64xi32, #tpu.memory_space<vmem>>
      %dma_wait3A_113 = arith.constant 0 : i32
      %dma_wait3A_114 = arith.constant 0 : i32
      %dma_wait3A_115 = tpu.memref_slice %arg2[%dma_wait3A_113, %dma_wait3A_114] : memref<10240x128xf32, #tpu.memory_space<hbm>> -> memref<10240x128xf32, #tpu.memory_space<hbm>>
      tpu.wait_indirect_dma semaphore(%arg12 : memref<!tpu.dma_semaphore, #tpu.memory_space<semaphore_mem>>) src(%dma_wait3A_115 : memref<10240x128xf32, #tpu.memory_space<hbm>>) dst(%dma_wait3A_109 : memref<64x128xf32, #tpu.memory_space<vmem>>)
      %dma_start3A_116 = arith.constant 0 : i32
      %dma_start3A_117 = tpu.memref_slice %arg8[%add3A_93, %dma_start3A_116] : memref<40x128xi32, #tpu.memory_space<vmem>> -> memref<1x128xi32, #tpu.memory_space<vmem>>
      %dma_start3A_118 = tpu.memref_squeeze %dma_start3A_117 : memref<1x128xi32, #tpu.memory_space<vmem>> -> memref<128xi32, #tpu.memory_space<vmem>>
      %dma_start3A_119 = arith.constant 0 : i32
      %dma_start3A_120 = arith.constant 0 : i32
      %dma_start3A_121 = tpu.memref_slice %arg9[%dma_start3A_119, %dma_start3A_120] : memref<10240x128xf32, #tpu.memory_space<vmem_shared>> -> memref<10240x128xf32, #tpu.memory_space<vmem_shared>>
      tpu.enqueue_indirect_dma source(%arg10 : memref<128x128xf32, #tpu.memory_space<vmem>>) target(%dma_start3A_121 : memref<10240x128xf32, #tpu.memory_space<vmem_shared>>) offsets(%dma_start3A_118 : memref<128xi32, #tpu.memory_space<vmem>>) semaphore(%arg14 : memref<!tpu.dma_semaphore, #tpu.memory_space<semaphore_mem>>) {add = true}
      %add3A_122 = arith.constant 1 : i32
      %add3A_123 = arith.addi %add3A_91, %add3A_122 : i32
      %add3A_124 = arith.constant 1 : i32
      %add3A_125 = arith.addi %add3A_123, %add3A_124 : i32
      %lt3A_126 = arith.constant 40 : i32
      %lt3A_127 = arith.cmpi slt, %add3A_125, %lt3A_126 : i32
      %convert_element_type3A_128 = arith.extui %lt3A_127 : i1 to i32
      %cond3A_129 = arith.constant 0 : i32
      %cond3A_130 = arith.cmpi ne, %convert_element_type3A_128, %cond3A_129 : i32
      scf.if %cond3A_130 {
        %ge3A = arith.constant 1 : i32
        %ge3A_155 = arith.cmpi sge, %add3A_123, %ge3A : i32
        %convert_element_type3A_156 = arith.extui %ge3A_155 : i1 to i32
        %cond3A_157 = arith.constant 0 : i32
        %cond3A_158 = arith.cmpi ne, %convert_element_type3A_156, %cond3A_157 : i32
        scf.if %cond3A_158 {
          %sub3A = arith.constant 1 : i32
          %sub3A_177 = arith.subi %add3A_123, %sub3A : i32
          %dma_wait3A_178 = arith.constant 0 : i32
          %dma_wait3A_179 = tpu.memref_slice %arg8[%sub3A_177, %dma_wait3A_178] : memref<40x128xi32, #tpu.memory_space<vmem>> -> memref<1x128xi32, #tpu.memory_space<vmem>>
          %dma_wait3A_180 = tpu.memref_squeeze %dma_wait3A_179 : memref<1x128xi32, #tpu.memory_space<vmem>> -> memref<128xi32, #tpu.memory_space<vmem>>
          %dma_wait3A_181 = arith.constant 0 : i32
          %dma_wait3A_182 = arith.constant 0 : i32
          %dma_wait3A_183 = tpu.memref_slice %arg9[%dma_wait3A_181, %dma_wait3A_182] : memref<10240x128xf32, #tpu.memory_space<vmem_shared>> -> memref<10240x128xf32, #tpu.memory_space<vmem_shared>>
          tpu.wait_indirect_dma semaphore(%arg14 : memref<!tpu.dma_semaphore, #tpu.memory_space<semaphore_mem>>) src(%arg10 : memref<128x128xf32, #tpu.memory_space<vmem>>) dst(%dma_wait3A_183 : memref<10240x128xf32, #tpu.memory_space<vmem_shared>>)
        } else {
        }
        %dma_start3A_159 = arith.constant 0 : i32
        %dma_start3A_160 = arith.constant 0 : i32
        %dma_start3A_161 = tpu.memref_slice %arg10[%dma_start3A_159, %dma_start3A_160] : memref<128x128xf32, #tpu.memory_space<vmem>> -> memref<64x128xf32, #tpu.memory_space<vmem>>
        %dma_start3A_162 = arith.constant 0 : i32
        %dma_start3A_163 = tpu.memref_slice %arg7[%add3A_125, %dma_start3A_162] : memref<40x128xi32, #tpu.memory_space<vmem>> -> memref<1x64xi32, #tpu.memory_space<vmem>>
        %dma_start3A_164 = tpu.memref_squeeze %dma_start3A_163 : memref<1x64xi32, #tpu.memory_space<vmem>> -> memref<64xi32, #tpu.memory_space<vmem>>
        %dma_start3A_165 = arith.constant 0 : i32
        %dma_start3A_166 = arith.constant 0 : i32
        %dma_start3A_167 = tpu.memref_slice %arg2[%dma_start3A_165, %dma_start3A_166] : memref<10240x128xf32, #tpu.memory_space<hbm>> -> memref<10240x128xf32, #tpu.memory_space<hbm>>
        tpu.enqueue_indirect_dma source(%dma_start3A_167 : memref<10240x128xf32, #tpu.memory_space<hbm>>) target(%dma_start3A_161 : memref<64x128xf32, #tpu.memory_space<vmem>>) offsets(%dma_start3A_164 : memref<64xi32, #tpu.memory_space<vmem>>) semaphore(%arg12 : memref<!tpu.dma_semaphore, #tpu.memory_space<semaphore_mem>>)
        %dma_start3A_168 = arith.constant 64 : i32
        %dma_start3A_169 = arith.constant 0 : i32
        %dma_start3A_170 = tpu.memref_slice %arg10[%dma_start3A_168, %dma_start3A_169] : memref<128x128xf32, #tpu.memory_space<vmem>> -> memref<64x128xf32, #tpu.memory_space<vmem>>
        %dma_start3A_171 = arith.constant 64 : i32
        %dma_start3A_172 = tpu.memref_slice %arg7[%add3A_125, %dma_start3A_171] : memref<40x128xi32, #tpu.memory_space<vmem>> -> memref<1x64xi32, #tpu.memory_space<vmem>>
        %dma_start3A_173 = tpu.memref_squeeze %dma_start3A_172 : memref<1x64xi32, #tpu.memory_space<vmem>> -> memref<64xi32, #tpu.memory_space<vmem>>
        %dma_start3A_174 = arith.constant 0 : i32
        %dma_start3A_175 = arith.constant 0 : i32
        %dma_start3A_176 = tpu.memref_slice %arg2[%dma_start3A_174, %dma_start3A_175] : memref<10240x128xf32, #tpu.memory_space<hbm>> -> memref<10240x128xf32, #tpu.memory_space<hbm>>
        tpu.enqueue_indirect_dma source(%dma_start3A_176 : memref<10240x128xf32, #tpu.memory_space<hbm>>) target(%dma_start3A_170 : memref<64x128xf32, #tpu.memory_space<vmem>>) offsets(%dma_start3A_173 : memref<64xi32, #tpu.memory_space<vmem>>) semaphore(%arg12 : memref<!tpu.dma_semaphore, #tpu.memory_space<semaphore_mem>>)
      } else {
      }
      %dma_wait3A_131 = arith.constant 0 : i32
      %dma_wait3A_132 = arith.constant 0 : i32
      %dma_wait3A_133 = tpu.memref_slice %arg11[%dma_wait3A_131, %dma_wait3A_132] : memref<128x128xf32, #tpu.memory_space<vmem>> -> memref<64x128xf32, #tpu.memory_space<vmem>>
      %dma_wait3A_134 = arith.constant 0 : i32
      %dma_wait3A_135 = tpu.memref_slice %arg7[%add3A_123, %dma_wait3A_134] : memref<40x128xi32, #tpu.memory_space<vmem>> -> memref<1x64xi32, #tpu.memory_space<vmem>>
      %dma_wait3A_136 = tpu.memref_squeeze %dma_wait3A_135 : memref<1x64xi32, #tpu.memory_space<vmem>> -> memref<64xi32, #tpu.memory_space<vmem>>
      %dma_wait3A_137 = arith.constant 0 : i32
      %dma_wait3A_138 = arith.constant 0 : i32
      %dma_wait3A_139 = tpu.memref_slice %arg2[%dma_wait3A_137, %dma_wait3A_138] : memref<10240x128xf32, #tpu.memory_space<hbm>> -> memref<10240x128xf32, #tpu.memory_space<hbm>>
      tpu.wait_indirect_dma semaphore(%arg13 : memref<!tpu.dma_semaphore, #tpu.memory_space<semaphore_mem>>) src(%dma_wait3A_139 : memref<10240x128xf32, #tpu.memory_space<hbm>>) dst(%dma_wait3A_133 : memref<64x128xf32, #tpu.memory_space<vmem>>)
      %dma_wait3A_140 = arith.constant 64 : i32
      %dma_wait3A_141 = arith.constant 0 : i32
      %dma_wait3A_142 = tpu.memref_slice %arg11[%dma_wait3A_140, %dma_wait3A_141] : memref<128x128xf32, #tpu.memory_space<vmem>> -> memref<64x128xf32, #tpu.memory_space<vmem>>
      %dma_wait3A_143 = arith.constant 64 : i32
      %dma_wait3A_144 = tpu.memref_slice %arg7[%add3A_123, %dma_wait3A_143] : memref<40x128xi32, #tpu.memory_space<vmem>> -> memref<1x64xi32, #tpu.memory_space<vmem>>
      %dma_wait3A_145 = tpu.memref_squeeze %dma_wait3A_144 : memref<1x64xi32, #tpu.memory_space<vmem>> -> memref<64xi32, #tpu.memory_space<vmem>>
      %dma_wait3A_146 = arith.constant 0 : i32
      %dma_wait3A_147 = arith.constant 0 : i32
      %dma_wait3A_148 = tpu.memref_slice %arg2[%dma_wait3A_146, %dma_wait3A_147] : memref<10240x128xf32, #tpu.memory_space<hbm>> -> memref<10240x128xf32, #tpu.memory_space<hbm>>
      tpu.wait_indirect_dma semaphore(%arg13 : memref<!tpu.dma_semaphore, #tpu.memory_space<semaphore_mem>>) src(%dma_wait3A_148 : memref<10240x128xf32, #tpu.memory_space<hbm>>) dst(%dma_wait3A_142 : memref<64x128xf32, #tpu.memory_space<vmem>>)
      %dma_start3A_149 = arith.constant 0 : i32
      %dma_start3A_150 = tpu.memref_slice %arg8[%add3A_123, %dma_start3A_149] : memref<40x128xi32, #tpu.memory_space<vmem>> -> memref<1x128xi32, #tpu.memory_space<vmem>>
      %dma_start3A_151 = tpu.memref_squeeze %dma_start3A_150 : memref<1x128xi32, #tpu.memory_space<vmem>> -> memref<128xi32, #tpu.memory_space<vmem>>
      %dma_start3A_152 = arith.constant 0 : i32
      %dma_start3A_153 = arith.constant 0 : i32
      %dma_start3A_154 = tpu.memref_slice %arg9[%dma_start3A_152, %dma_start3A_153] : memref<10240x128xf32, #tpu.memory_space<vmem_shared>> -> memref<10240x128xf32, #tpu.memory_space<vmem_shared>>
      tpu.enqueue_indirect_dma source(%arg11 : memref<128x128xf32, #tpu.memory_space<vmem>>) target(%dma_start3A_154 : memref<10240x128xf32, #tpu.memory_space<vmem_shared>>) offsets(%dma_start3A_151 : memref<128xi32, #tpu.memory_space<vmem>>) semaphore(%arg15 : memref<!tpu.dma_semaphore, #tpu.memory_space<semaphore_mem>>) {add = true}
    }
    %scan3A_29 = arith.constant 20 : i32
    %dma_wait3A = arith.constant 38 : i32
    %dma_wait3A_30 = arith.constant 0 : i32
    %dma_wait3A_31 = tpu.memref_slice %arg8[%dma_wait3A, %dma_wait3A_30] : memref<40x128xi32, #tpu.memory_space<vmem>> -> memref<1x128xi32, #tpu.memory_space<vmem>>
    %dma_wait3A_32 = tpu.memref_squeeze %dma_wait3A_31 : memref<1x128xi32, #tpu.memory_space<vmem>> -> memref<128xi32, #tpu.memory_space<vmem>>
    %dma_wait3A_33 = arith.constant 0 : i32
    %dma_wait3A_34 = arith.constant 0 : i32
    %dma_wait3A_35 = tpu.memref_slice %arg9[%dma_wait3A_33, %dma_wait3A_34] : memref<10240x128xf32, #tpu.memory_space<vmem_shared>> -> memref<10240x128xf32, #tpu.memory_space<vmem_shared>>
    tpu.wait_indirect_dma semaphore(%arg14 : memref<!tpu.dma_semaphore, #tpu.memory_space<semaphore_mem>>) src(%arg10 : memref<128x128xf32, #tpu.memory_space<vmem>>) dst(%dma_wait3A_35 : memref<10240x128xf32, #tpu.memory_space<vmem_shared>>)
    %dma_wait3A_36 = arith.constant 39 : i32
    %dma_wait3A_37 = arith.constant 0 : i32
    %dma_wait3A_38 = tpu.memref_slice %arg8[%dma_wait3A_36, %dma_wait3A_37] : memref<40x128xi32, #tpu.memory_space<vmem>> -> memref<1x128xi32, #tpu.memory_space<vmem>>
    %dma_wait3A_39 = tpu.memref_squeeze %dma_wait3A_38 : memref<1x128xi32, #tpu.memory_space<vmem>> -> memref<128xi32, #tpu.memory_space<vmem>>
    %dma_wait3A_40 = arith.constant 0 : i32
    %dma_wait3A_41 = arith.constant 0 : i32
    %dma_wait3A_42 = tpu.memref_slice %arg9[%dma_wait3A_40, %dma_wait3A_41] : memref<10240x128xf32, #tpu.memory_space<vmem_shared>> -> memref<10240x128xf32, #tpu.memory_space<vmem_shared>>
    tpu.wait_indirect_dma semaphore(%arg15 : memref<!tpu.dma_semaphore, #tpu.memory_space<semaphore_mem>>) src(%arg11 : memref<128x128xf32, #tpu.memory_space<vmem>>) dst(%dma_wait3A_42 : memref<10240x128xf32, #tpu.memory_space<vmem_shared>>)
    %mul3A_43 = arith.constant 80 : i32
    %mul3A_44 = arith.muli %add3A, %mul3A_43 : i32
    %add3A_45 = arith.constant 40 : i32
    %add3A_46 = arith.addi %mul3A_44, %add3A_45 : i32
    "tpu.region"() ({
      %run_scoped3A = tpu.sem_alloc : memref<!tpu.dma_semaphore, #tpu.memory_space<semaphore_mem>>
      %dma_start3A_87 = arith.constant 0 : i32
      %dma_start3A_88 = tpu.memref_slice %arg3[%add3A_46, %dma_start3A_87] : memref<2560x128xi32, #tpu.memory_space<hbm>> -> memref<40x128xi32, #tpu.memory_space<hbm>>
      %dma_start3A_89 = arith.constant 0 : i32
      %dma_start3A_90 = tpu.memref_slice %arg3[%add3A_46, %dma_start3A_89] : memref<2560x128xi32, #tpu.memory_space<hbm>> -> memref<40x128xi32, #tpu.memory_space<hbm>>
      tpu.enqueue_dma source(%dma_start3A_90 : memref<40x128xi32, #tpu.memory_space<hbm>>) target(%arg7 : memref<40x128xi32, #tpu.memory_space<vmem>>) target_semaphore(%run_scoped3A : memref<!tpu.dma_semaphore, #tpu.memory_space<semaphore_mem>>)
      %dma_wait3A_91 = arith.constant 0 : i32
      %dma_wait3A_92 = tpu.memref_slice %arg3[%add3A_46, %dma_wait3A_91] : memref<2560x128xi32, #tpu.memory_space<hbm>> -> memref<40x128xi32, #tpu.memory_space<hbm>>
      %dma_wait3A_93 = arith.constant 0 : i32
      %dma_wait3A_94 = tpu.memref_slice %arg3[%add3A_46, %dma_wait3A_93] : memref<2560x128xi32, #tpu.memory_space<hbm>> -> memref<40x128xi32, #tpu.memory_space<hbm>>
      tpu.wait_dma2 semaphore(%run_scoped3A : memref<!tpu.dma_semaphore, #tpu.memory_space<semaphore_mem>>) src(%dma_wait3A_94 : memref<40x128xi32, #tpu.memory_space<hbm>>) dst(%arg7 : memref<40x128xi32, #tpu.memory_space<vmem>>)
      tpu.yield
    }) : () -> ()
    "tpu.region"() ({
      %run_scoped3A = tpu.sem_alloc : memref<!tpu.dma_semaphore, #tpu.memory_space<semaphore_mem>>
      %dma_start3A_87 = arith.constant 0 : i32
      %dma_start3A_88 = tpu.memref_slice %arg4[%add3A_46, %dma_start3A_87] : memref<2560x128xi32, #tpu.memory_space<hbm>> -> memref<40x128xi32, #tpu.memory_space<hbm>>
      %dma_start3A_89 = arith.constant 0 : i32
      %dma_start3A_90 = tpu.memref_slice %arg4[%add3A_46, %dma_start3A_89] : memref<2560x128xi32, #tpu.memory_space<hbm>> -> memref<40x128xi32, #tpu.memory_space<hbm>>
      tpu.enqueue_dma source(%dma_start3A_90 : memref<40x128xi32, #tpu.memory_space<hbm>>) target(%arg8 : memref<40x128xi32, #tpu.memory_space<vmem>>) target_semaphore(%run_scoped3A : memref<!tpu.dma_semaphore, #tpu.memory_space<semaphore_mem>>)
      %dma_wait3A_91 = arith.constant 0 : i32
      %dma_wait3A_92 = tpu.memref_slice %arg4[%add3A_46, %dma_wait3A_91] : memref<2560x128xi32, #tpu.memory_space<hbm>> -> memref<40x128xi32, #tpu.memory_space<hbm>>
      %dma_wait3A_93 = arith.constant 0 : i32
      %dma_wait3A_94 = tpu.memref_slice %arg4[%add3A_46, %dma_wait3A_93] : memref<2560x128xi32, #tpu.memory_space<hbm>> -> memref<40x128xi32, #tpu.memory_space<hbm>>
      tpu.wait_dma2 semaphore(%run_scoped3A : memref<!tpu.dma_semaphore, #tpu.memory_space<semaphore_mem>>) src(%dma_wait3A_94 : memref<40x128xi32, #tpu.memory_space<hbm>>) dst(%arg8 : memref<40x128xi32, #tpu.memory_space<vmem>>)
      tpu.yield
    }) : () -> ()
    %dma_start3A_47 = arith.constant 0 : i32
    %dma_start3A_48 = arith.constant 0 : i32
    %dma_start3A_49 = arith.constant 0 : i32
    %dma_start3A_50 = tpu.memref_slice %arg10[%dma_start3A_48, %dma_start3A_49] : memref<128x128xf32, #tpu.memory_space<vmem>> -> memref<64x128xf32, #tpu.memory_space<vmem>>
    %dma_start3A_51 = arith.constant 0 : i32
    %dma_start3A_52 = tpu.memref_slice %arg7[%dma_start3A_47, %dma_start3A_51] : memref<40x128xi32, #tpu.memory_space<vmem>> -> memref<1x64xi32, #tpu.memory_space<vmem>>
    %dma_start3A_53 = tpu.memref_squeeze %dma_start3A_52 : memref<1x64xi32, #tpu.memory_space<vmem>> -> memref<64xi32, #tpu.memory_space<vmem>>
    %dma_start3A_54 = arith.constant 0 : i32
    %dma_start3A_55 = arith.constant 0 : i32
    %dma_start3A_56 = tpu.memref_slice %arg2[%dma_start3A_54, %dma_start3A_55] : memref<10240x128xf32, #tpu.memory_space<hbm>> -> memref<10240x128xf32, #tpu.memory_space<hbm>>
    tpu.enqueue_indirect_dma source(%dma_start3A_56 : memref<10240x128xf32, #tpu.memory_space<hbm>>) target(%dma_start3A_50 : memref<64x128xf32, #tpu.memory_space<vmem>>) offsets(%dma_start3A_53 : memref<64xi32, #tpu.memory_space<vmem>>) semaphore(%arg12 : memref<!tpu.dma_semaphore, #tpu.memory_space<semaphore_mem>>)
    %dma_start3A_57 = arith.constant 0 : i32
    %dma_start3A_58 = arith.constant 64 : i32
    %dma_start3A_59 = arith.constant 0 : i32
    %dma_start3A_60 = tpu.memref_slice %arg10[%dma_start3A_58, %dma_start3A_59] : memref<128x128xf32, #tpu.memory_space<vmem>> -> memref<64x128xf32, #tpu.memory_space<vmem>>
    %dma_start3A_61 = arith.constant 64 : i32
    %dma_start3A_62 = tpu.memref_slice %arg7[%dma_start3A_57, %dma_start3A_61] : memref<40x128xi32, #tpu.memory_space<vmem>> -> memref<1x64xi32, #tpu.memory_space<vmem>>
    %dma_start3A_63 = tpu.memref_squeeze %dma_start3A_62 : memref<1x64xi32, #tpu.memory_space<vmem>> -> memref<64xi32, #tpu.memory_space<vmem>>
    %dma_start3A_64 = arith.constant 0 : i32
    %dma_start3A_65 = arith.constant 0 : i32
    %dma_start3A_66 = tpu.memref_slice %arg2[%dma_start3A_64, %dma_start3A_65] : memref<10240x128xf32, #tpu.memory_space<hbm>> -> memref<10240x128xf32, #tpu.memory_space<hbm>>
    tpu.enqueue_indirect_dma source(%dma_start3A_66 : memref<10240x128xf32, #tpu.memory_space<hbm>>) target(%dma_start3A_60 : memref<64x128xf32, #tpu.memory_space<vmem>>) offsets(%dma_start3A_63 : memref<64xi32, #tpu.memory_space<vmem>>) semaphore(%arg12 : memref<!tpu.dma_semaphore, #tpu.memory_space<semaphore_mem>>)
    %scan3A_67 = arith.constant 0 : i32
    %scan3A_68 = arith.constant 20 : i32
    %scan3A_69 = arith.addi %scan3A_67, %scan3A_68 : i32
    %scan3A_70 = arith.constant 1 : i32
    scf.for %scan3A_87 = %scan3A_67 to %scan3A_69 step %scan3A_70  : i32 {
      %mul3A_88 = arith.constant 2 : i32
      %mul3A_89 = arith.muli %scan3A_87, %mul3A_88 : i32
      %add3A_90 = arith.constant 0 : i32
      %add3A_91 = arith.addi %add3A_90, %mul3A_89 : i32
      %add3A_92 = arith.constant 0 : i32
      %add3A_93 = arith.addi %add3A_91, %add3A_92 : i32
      %add3A_94 = arith.constant 1 : i32
      %add3A_95 = arith.addi %add3A_93, %add3A_94 : i32
      %lt3A = arith.constant 40 : i32
      %lt3A_96 = arith.cmpi slt, %add3A_95, %lt3A : i32
      %convert_element_type3A = arith.extui %lt3A_96 : i1 to i32
      %cond3A = arith.constant 0 : i32
      %cond3A_97 = arith.cmpi ne, %convert_element_type3A, %cond3A : i32
      scf.if %cond3A_97 {
        %ge3A = arith.constant 1 : i32
        %ge3A_155 = arith.cmpi sge, %add3A_93, %ge3A : i32
        %convert_element_type3A_156 = arith.extui %ge3A_155 : i1 to i32
        %cond3A_157 = arith.constant 0 : i32
        %cond3A_158 = arith.cmpi ne, %convert_element_type3A_156, %cond3A_157 : i32
        scf.if %cond3A_158 {
          %sub3A = arith.constant 1 : i32
          %sub3A_177 = arith.subi %add3A_93, %sub3A : i32
          %dma_wait3A_178 = arith.constant 0 : i32
          %dma_wait3A_179 = tpu.memref_slice %arg8[%sub3A_177, %dma_wait3A_178] : memref<40x128xi32, #tpu.memory_space<vmem>> -> memref<1x128xi32, #tpu.memory_space<vmem>>
          %dma_wait3A_180 = tpu.memref_squeeze %dma_wait3A_179 : memref<1x128xi32, #tpu.memory_space<vmem>> -> memref<128xi32, #tpu.memory_space<vmem>>
          %dma_wait3A_181 = arith.constant 0 : i32
          %dma_wait3A_182 = arith.constant 0 : i32
          %dma_wait3A_183 = tpu.memref_slice %arg9[%dma_wait3A_181, %dma_wait3A_182] : memref<10240x128xf32, #tpu.memory_space<vmem_shared>> -> memref<10240x128xf32, #tpu.memory_space<vmem_shared>>
          tpu.wait_indirect_dma semaphore(%arg15 : memref<!tpu.dma_semaphore, #tpu.memory_space<semaphore_mem>>) src(%arg11 : memref<128x128xf32, #tpu.memory_space<vmem>>) dst(%dma_wait3A_183 : memref<10240x128xf32, #tpu.memory_space<vmem_shared>>)
        } else {
        }
        %dma_start3A_159 = arith.constant 0 : i32
        %dma_start3A_160 = arith.constant 0 : i32
        %dma_start3A_161 = tpu.memref_slice %arg11[%dma_start3A_159, %dma_start3A_160] : memref<128x128xf32, #tpu.memory_space<vmem>> -> memref<64x128xf32, #tpu.memory_space<vmem>>
        %dma_start3A_162 = arith.constant 0 : i32
        %dma_start3A_163 = tpu.memref_slice %arg7[%add3A_95, %dma_start3A_162] : memref<40x128xi32, #tpu.memory_space<vmem>> -> memref<1x64xi32, #tpu.memory_space<vmem>>
        %dma_start3A_164 = tpu.memref_squeeze %dma_start3A_163 : memref<1x64xi32, #tpu.memory_space<vmem>> -> memref<64xi32, #tpu.memory_space<vmem>>
        %dma_start3A_165 = arith.constant 0 : i32
        %dma_start3A_166 = arith.constant 0 : i32
        %dma_start3A_167 = tpu.memref_slice %arg2[%dma_start3A_165, %dma_start3A_166] : memref<10240x128xf32, #tpu.memory_space<hbm>> -> memref<10240x128xf32, #tpu.memory_space<hbm>>
        tpu.enqueue_indirect_dma source(%dma_start3A_167 : memref<10240x128xf32, #tpu.memory_space<hbm>>) target(%dma_start3A_161 : memref<64x128xf32, #tpu.memory_space<vmem>>) offsets(%dma_start3A_164 : memref<64xi32, #tpu.memory_space<vmem>>) semaphore(%arg13 : memref<!tpu.dma_semaphore, #tpu.memory_space<semaphore_mem>>)
        %dma_start3A_168 = arith.constant 64 : i32
        %dma_start3A_169 = arith.constant 0 : i32
        %dma_start3A_170 = tpu.memref_slice %arg11[%dma_start3A_168, %dma_start3A_169] : memref<128x128xf32, #tpu.memory_space<vmem>> -> memref<64x128xf32, #tpu.memory_space<vmem>>
        %dma_start3A_171 = arith.constant 64 : i32
        %dma_start3A_172 = tpu.memref_slice %arg7[%add3A_95, %dma_start3A_171] : memref<40x128xi32, #tpu.memory_space<vmem>> -> memref<1x64xi32, #tpu.memory_space<vmem>>
        %dma_start3A_173 = tpu.memref_squeeze %dma_start3A_172 : memref<1x64xi32, #tpu.memory_space<vmem>> -> memref<64xi32, #tpu.memory_space<vmem>>
        %dma_start3A_174 = arith.constant 0 : i32
        %dma_start3A_175 = arith.constant 0 : i32
        %dma_start3A_176 = tpu.memref_slice %arg2[%dma_start3A_174, %dma_start3A_175] : memref<10240x128xf32, #tpu.memory_space<hbm>> -> memref<10240x128xf32, #tpu.memory_space<hbm>>
        tpu.enqueue_indirect_dma source(%dma_start3A_176 : memref<10240x128xf32, #tpu.memory_space<hbm>>) target(%dma_start3A_170 : memref<64x128xf32, #tpu.memory_space<vmem>>) offsets(%dma_start3A_173 : memref<64xi32, #tpu.memory_space<vmem>>) semaphore(%arg13 : memref<!tpu.dma_semaphore, #tpu.memory_space<semaphore_mem>>)
      } else {
      }
      %dma_wait3A_98 = arith.constant 0 : i32
      %dma_wait3A_99 = arith.constant 0 : i32
      %dma_wait3A_100 = tpu.memref_slice %arg10[%dma_wait3A_98, %dma_wait3A_99] : memref<128x128xf32, #tpu.memory_space<vmem>> -> memref<64x128xf32, #tpu.memory_space<vmem>>
      %dma_wait3A_101 = arith.constant 0 : i32
      %dma_wait3A_102 = tpu.memref_slice %arg7[%add3A_93, %dma_wait3A_101] : memref<40x128xi32, #tpu.memory_space<vmem>> -> memref<1x64xi32, #tpu.memory_space<vmem>>
      %dma_wait3A_103 = tpu.memref_squeeze %dma_wait3A_102 : memref<1x64xi32, #tpu.memory_space<vmem>> -> memref<64xi32, #tpu.memory_space<vmem>>
      %dma_wait3A_104 = arith.constant 0 : i32
      %dma_wait3A_105 = arith.constant 0 : i32
      %dma_wait3A_106 = tpu.memref_slice %arg2[%dma_wait3A_104, %dma_wait3A_105] : memref<10240x128xf32, #tpu.memory_space<hbm>> -> memref<10240x128xf32, #tpu.memory_space<hbm>>
      tpu.wait_indirect_dma semaphore(%arg12 : memref<!tpu.dma_semaphore, #tpu.memory_space<semaphore_mem>>) src(%dma_wait3A_106 : memref<10240x128xf32, #tpu.memory_space<hbm>>) dst(%dma_wait3A_100 : memref<64x128xf32, #tpu.memory_space<vmem>>)
      %dma_wait3A_107 = arith.constant 64 : i32
      %dma_wait3A_108 = arith.constant 0 : i32
      %dma_wait3A_109 = tpu.memref_slice %arg10[%dma_wait3A_107, %dma_wait3A_108] : memref<128x128xf32, #tpu.memory_space<vmem>> -> memref<64x128xf32, #tpu.memory_space<vmem>>
      %dma_wait3A_110 = arith.constant 64 : i32
      %dma_wait3A_111 = tpu.memref_slice %arg7[%add3A_93, %dma_wait3A_110] : memref<40x128xi32, #tpu.memory_space<vmem>> -> memref<1x64xi32, #tpu.memory_space<vmem>>
      %dma_wait3A_112 = tpu.memref_squeeze %dma_wait3A_111 : memref<1x64xi32, #tpu.memory_space<vmem>> -> memref<64xi32, #tpu.memory_space<vmem>>
      %dma_wait3A_113 = arith.constant 0 : i32
      %dma_wait3A_114 = arith.constant 0 : i32
      %dma_wait3A_115 = tpu.memref_slice %arg2[%dma_wait3A_113, %dma_wait3A_114] : memref<10240x128xf32, #tpu.memory_space<hbm>> -> memref<10240x128xf32, #tpu.memory_space<hbm>>
      tpu.wait_indirect_dma semaphore(%arg12 : memref<!tpu.dma_semaphore, #tpu.memory_space<semaphore_mem>>) src(%dma_wait3A_115 : memref<10240x128xf32, #tpu.memory_space<hbm>>) dst(%dma_wait3A_109 : memref<64x128xf32, #tpu.memory_space<vmem>>)
      %dma_start3A_116 = arith.constant 0 : i32
      %dma_start3A_117 = tpu.memref_slice %arg8[%add3A_93, %dma_start3A_116] : memref<40x128xi32, #tpu.memory_space<vmem>> -> memref<1x128xi32, #tpu.memory_space<vmem>>
      %dma_start3A_118 = tpu.memref_squeeze %dma_start3A_117 : memref<1x128xi32, #tpu.memory_space<vmem>> -> memref<128xi32, #tpu.memory_space<vmem>>
      %dma_start3A_119 = arith.constant 0 : i32
      %dma_start3A_120 = arith.constant 0 : i32
      %dma_start3A_121 = tpu.memref_slice %arg9[%dma_start3A_119, %dma_start3A_120] : memref<10240x128xf32, #tpu.memory_space<vmem_shared>> -> memref<10240x128xf32, #tpu.memory_space<vmem_shared>>
      tpu.enqueue_indirect_dma source(%arg10 : memref<128x128xf32, #tpu.memory_space<vmem>>) target(%dma_start3A_121 : memref<10240x128xf32, #tpu.memory_space<vmem_shared>>) offsets(%dma_start3A_118 : memref<128xi32, #tpu.memory_space<vmem>>) semaphore(%arg14 : memref<!tpu.dma_semaphore, #tpu.memory_space<semaphore_mem>>) {add = true}
      %add3A_122 = arith.constant 1 : i32
      %add3A_123 = arith.addi %add3A_91, %add3A_122 : i32
      %add3A_124 = arith.constant 1 : i32
      %add3A_125 = arith.addi %add3A_123, %add3A_124 : i32
      %lt3A_126 = arith.constant 40 : i32
      %lt3A_127 = arith.cmpi slt, %add3A_125, %lt3A_126 : i32
      %convert_element_type3A_128 = arith.extui %lt3A_127 : i1 to i32
      %cond3A_129 = arith.constant 0 : i32
      %cond3A_130 = arith.cmpi ne, %convert_element_type3A_128, %cond3A_129 : i32
      scf.if %cond3A_130 {
        %ge3A = arith.constant 1 : i32
        %ge3A_155 = arith.cmpi sge, %add3A_123, %ge3A : i32
        %convert_element_type3A_156 = arith.extui %ge3A_155 : i1 to i32
        %cond3A_157 = arith.constant 0 : i32
        %cond3A_158 = arith.cmpi ne, %convert_element_type3A_156, %cond3A_157 : i32
        scf.if %cond3A_158 {
          %sub3A = arith.constant 1 : i32
          %sub3A_177 = arith.subi %add3A_123, %sub3A : i32
          %dma_wait3A_178 = arith.constant 0 : i32
          %dma_wait3A_179 = tpu.memref_slice %arg8[%sub3A_177, %dma_wait3A_178] : memref<40x128xi32, #tpu.memory_space<vmem>> -> memref<1x128xi32, #tpu.memory_space<vmem>>
          %dma_wait3A_180 = tpu.memref_squeeze %dma_wait3A_179 : memref<1x128xi32, #tpu.memory_space<vmem>> -> memref<128xi32, #tpu.memory_space<vmem>>
          %dma_wait3A_181 = arith.constant 0 : i32
          %dma_wait3A_182 = arith.constant 0 : i32
          %dma_wait3A_183 = tpu.memref_slice %arg9[%dma_wait3A_181, %dma_wait3A_182] : memref<10240x128xf32, #tpu.memory_space<vmem_shared>> -> memref<10240x128xf32, #tpu.memory_space<vmem_shared>>
          tpu.wait_indirect_dma semaphore(%arg14 : memref<!tpu.dma_semaphore, #tpu.memory_space<semaphore_mem>>) src(%arg10 : memref<128x128xf32, #tpu.memory_space<vmem>>) dst(%dma_wait3A_183 : memref<10240x128xf32, #tpu.memory_space<vmem_shared>>)
        } else {
        }
        %dma_start3A_159 = arith.constant 0 : i32
        %dma_start3A_160 = arith.constant 0 : i32
        %dma_start3A_161 = tpu.memref_slice %arg10[%dma_start3A_159, %dma_start3A_160] : memref<128x128xf32, #tpu.memory_space<vmem>> -> memref<64x128xf32, #tpu.memory_space<vmem>>
        %dma_start3A_162 = arith.constant 0 : i32
        %dma_start3A_163 = tpu.memref_slice %arg7[%add3A_125, %dma_start3A_162] : memref<40x128xi32, #tpu.memory_space<vmem>> -> memref<1x64xi32, #tpu.memory_space<vmem>>
        %dma_start3A_164 = tpu.memref_squeeze %dma_start3A_163 : memref<1x64xi32, #tpu.memory_space<vmem>> -> memref<64xi32, #tpu.memory_space<vmem>>
        %dma_start3A_165 = arith.constant 0 : i32
        %dma_start3A_166 = arith.constant 0 : i32
        %dma_start3A_167 = tpu.memref_slice %arg2[%dma_start3A_165, %dma_start3A_166] : memref<10240x128xf32, #tpu.memory_space<hbm>> -> memref<10240x128xf32, #tpu.memory_space<hbm>>
        tpu.enqueue_indirect_dma source(%dma_start3A_167 : memref<10240x128xf32, #tpu.memory_space<hbm>>) target(%dma_start3A_161 : memref<64x128xf32, #tpu.memory_space<vmem>>) offsets(%dma_start3A_164 : memref<64xi32, #tpu.memory_space<vmem>>) semaphore(%arg12 : memref<!tpu.dma_semaphore, #tpu.memory_space<semaphore_mem>>)
        %dma_start3A_168 = arith.constant 64 : i32
        %dma_start3A_169 = arith.constant 0 : i32
        %dma_start3A_170 = tpu.memref_slice %arg10[%dma_start3A_168, %dma_start3A_169] : memref<128x128xf32, #tpu.memory_space<vmem>> -> memref<64x128xf32, #tpu.memory_space<vmem>>
        %dma_start3A_171 = arith.constant 64 : i32
        %dma_start3A_172 = tpu.memref_slice %arg7[%add3A_125, %dma_start3A_171] : memref<40x128xi32, #tpu.memory_space<vmem>> -> memref<1x64xi32, #tpu.memory_space<vmem>>
        %dma_start3A_173 = tpu.memref_squeeze %dma_start3A_172 : memref<1x64xi32, #tpu.memory_space<vmem>> -> memref<64xi32, #tpu.memory_space<vmem>>
        %dma_start3A_174 = arith.constant 0 : i32
        %dma_start3A_175 = arith.constant 0 : i32
        %dma_start3A_176 = tpu.memref_slice %arg2[%dma_start3A_174, %dma_start3A_175] : memref<10240x128xf32, #tpu.memory_space<hbm>> -> memref<10240x128xf32, #tpu.memory_space<hbm>>
        tpu.enqueue_indirect_dma source(%dma_start3A_176 : memref<10240x128xf32, #tpu.memory_space<hbm>>) target(%dma_start3A_170 : memref<64x128xf32, #tpu.memory_space<vmem>>) offsets(%dma_start3A_173 : memref<64xi32, #tpu.memory_space<vmem>>) semaphore(%arg12 : memref<!tpu.dma_semaphore, #tpu.memory_space<semaphore_mem>>)
      } else {
      }
      %dma_wait3A_131 = arith.constant 0 : i32
      %dma_wait3A_132 = arith.constant 0 : i32
      %dma_wait3A_133 = tpu.memref_slice %arg11[%dma_wait3A_131, %dma_wait3A_132] : memref<128x128xf32, #tpu.memory_space<vmem>> -> memref<64x128xf32, #tpu.memory_space<vmem>>
      %dma_wait3A_134 = arith.constant 0 : i32
      %dma_wait3A_135 = tpu.memref_slice %arg7[%add3A_123, %dma_wait3A_134] : memref<40x128xi32, #tpu.memory_space<vmem>> -> memref<1x64xi32, #tpu.memory_space<vmem>>
      %dma_wait3A_136 = tpu.memref_squeeze %dma_wait3A_135 : memref<1x64xi32, #tpu.memory_space<vmem>> -> memref<64xi32, #tpu.memory_space<vmem>>
      %dma_wait3A_137 = arith.constant 0 : i32
      %dma_wait3A_138 = arith.constant 0 : i32
      %dma_wait3A_139 = tpu.memref_slice %arg2[%dma_wait3A_137, %dma_wait3A_138] : memref<10240x128xf32, #tpu.memory_space<hbm>> -> memref<10240x128xf32, #tpu.memory_space<hbm>>
      tpu.wait_indirect_dma semaphore(%arg13 : memref<!tpu.dma_semaphore, #tpu.memory_space<semaphore_mem>>) src(%dma_wait3A_139 : memref<10240x128xf32, #tpu.memory_space<hbm>>) dst(%dma_wait3A_133 : memref<64x128xf32, #tpu.memory_space<vmem>>)
      %dma_wait3A_140 = arith.constant 64 : i32
      %dma_wait3A_141 = arith.constant 0 : i32
      %dma_wait3A_142 = tpu.memref_slice %arg11[%dma_wait3A_140, %dma_wait3A_141] : memref<128x128xf32, #tpu.memory_space<vmem>> -> memref<64x128xf32, #tpu.memory_space<vmem>>
      %dma_wait3A_143 = arith.constant 64 : i32
      %dma_wait3A_144 = tpu.memref_slice %arg7[%add3A_123, %dma_wait3A_143] : memref<40x128xi32, #tpu.memory_space<vmem>> -> memref<1x64xi32, #tpu.memory_space<vmem>>
      %dma_wait3A_145 = tpu.memref_squeeze %dma_wait3A_144 : memref<1x64xi32, #tpu.memory_space<vmem>> -> memref<64xi32, #tpu.memory_space<vmem>>
      %dma_wait3A_146 = arith.constant 0 : i32
      %dma_wait3A_147 = arith.constant 0 : i32
      %dma_wait3A_148 = tpu.memref_slice %arg2[%dma_wait3A_146, %dma_wait3A_147] : memref<10240x128xf32, #tpu.memory_space<hbm>> -> memref<10240x128xf32, #tpu.memory_space<hbm>>
      tpu.wait_indirect_dma semaphore(%arg13 : memref<!tpu.dma_semaphore, #tpu.memory_space<semaphore_mem>>) src(%dma_wait3A_148 : memref<10240x128xf32, #tpu.memory_space<hbm>>) dst(%dma_wait3A_142 : memref<64x128xf32, #tpu.memory_space<vmem>>)
      %dma_start3A_149 = arith.constant 0 : i32
      %dma_start3A_150 = tpu.memref_slice %arg8[%add3A_123, %dma_start3A_149] : memref<40x128xi32, #tpu.memory_space<vmem>> -> memref<1x128xi32, #tpu.memory_space<vmem>>
      %dma_start3A_151 = tpu.memref_squeeze %dma_start3A_150 : memref<1x128xi32, #tpu.memory_space<vmem>> -> memref<128xi32, #tpu.memory_space<vmem>>
      %dma_start3A_152 = arith.constant 0 : i32
      %dma_start3A_153 = arith.constant 0 : i32
      %dma_start3A_154 = tpu.memref_slice %arg9[%dma_start3A_152, %dma_start3A_153] : memref<10240x128xf32, #tpu.memory_space<vmem_shared>> -> memref<10240x128xf32, #tpu.memory_space<vmem_shared>>
      tpu.enqueue_indirect_dma source(%arg11 : memref<128x128xf32, #tpu.memory_space<vmem>>) target(%dma_start3A_154 : memref<10240x128xf32, #tpu.memory_space<vmem_shared>>) offsets(%dma_start3A_151 : memref<128xi32, #tpu.memory_space<vmem>>) semaphore(%arg15 : memref<!tpu.dma_semaphore, #tpu.memory_space<semaphore_mem>>) {add = true}
    }
    %scan3A_71 = arith.constant 20 : i32
    %dma_wait3A_72 = arith.constant 38 : i32
    %dma_wait3A_73 = arith.constant 0 : i32
    %dma_wait3A_74 = tpu.memref_slice %arg8[%dma_wait3A_72, %dma_wait3A_73] : memref<40x128xi32, #tpu.memory_space<vmem>> -> memref<1x128xi32, #tpu.memory_space<vmem>>
    %dma_wait3A_75 = tpu.memref_squeeze %dma_wait3A_74 : memref<1x128xi32, #tpu.memory_space<vmem>> -> memref<128xi32, #tpu.memory_space<vmem>>
    %dma_wait3A_76 = arith.constant 0 : i32
    %dma_wait3A_77 = arith.constant 0 : i32
    %dma_wait3A_78 = tpu.memref_slice %arg9[%dma_wait3A_76, %dma_wait3A_77] : memref<10240x128xf32, #tpu.memory_space<vmem_shared>> -> memref<10240x128xf32, #tpu.memory_space<vmem_shared>>
    tpu.wait_indirect_dma semaphore(%arg14 : memref<!tpu.dma_semaphore, #tpu.memory_space<semaphore_mem>>) src(%arg10 : memref<128x128xf32, #tpu.memory_space<vmem>>) dst(%dma_wait3A_78 : memref<10240x128xf32, #tpu.memory_space<vmem_shared>>)
    %dma_wait3A_79 = arith.constant 39 : i32
    %dma_wait3A_80 = arith.constant 0 : i32
    %dma_wait3A_81 = tpu.memref_slice %arg8[%dma_wait3A_79, %dma_wait3A_80] : memref<40x128xi32, #tpu.memory_space<vmem>> -> memref<1x128xi32, #tpu.memory_space<vmem>>
    %dma_wait3A_82 = tpu.memref_squeeze %dma_wait3A_81 : memref<1x128xi32, #tpu.memory_space<vmem>> -> memref<128xi32, #tpu.memory_space<vmem>>
    %dma_wait3A_83 = arith.constant 0 : i32
    %dma_wait3A_84 = arith.constant 0 : i32
    %dma_wait3A_85 = tpu.memref_slice %arg9[%dma_wait3A_83, %dma_wait3A_84] : memref<10240x128xf32, #tpu.memory_space<vmem_shared>> -> memref<10240x128xf32, #tpu.memory_space<vmem_shared>>
    tpu.wait_indirect_dma semaphore(%arg15 : memref<!tpu.dma_semaphore, #tpu.memory_space<semaphore_mem>>) src(%arg11 : memref<128x128xf32, #tpu.memory_space<vmem>>) dst(%dma_wait3A_85 : memref<10240x128xf32, #tpu.memory_space<vmem_shared>>)
    %barrier3A_86 = arith.constant 0 : index
    tpu.barrier barrier_id(%barrier3A_86)
    "tpu.region"() ({
      %run_scoped3A = tpu.sem_alloc : memref<!tpu.dma_semaphore, #tpu.memory_space<semaphore_mem>>
      %dma_start3A_87 = arith.constant 0 : i32
      %dma_start3A_88 = tpu.memref_slice %arg6[%arg0, %mul3A_2, %dma_start3A_87] : memref<2x10240x128xf32, #tpu.memory_space<hbm>> -> memref<1x640x128xf32, #tpu.memory_space<hbm>>
      %dma_start3A_89 = tpu.memref_squeeze %dma_start3A_88 : memref<1x640x128xf32, #tpu.memory_space<hbm>> -> memref<640x128xf32, #tpu.memory_space<hbm>>
      %dma_start3A_90 = arith.constant 0 : i32
      %dma_start3A_91 = tpu.memref_slice %arg9[%mul3A_2, %dma_start3A_90] : memref<10240x128xf32, #tpu.memory_space<vmem_shared>> -> memref<640x128xf32, #tpu.memory_space<vmem_shared>>
      tpu.enqueue_dma source(%dma_start3A_91 : memref<640x128xf32, #tpu.memory_space<vmem_shared>>) target(%dma_start3A_89 : memref<640x128xf32, #tpu.memory_space<hbm>>) target_semaphore(%run_scoped3A : memref<!tpu.dma_semaphore, #tpu.memory_space<semaphore_mem>>)
      %dma_wait3A_92 = arith.constant 0 : i32
      %dma_wait3A_93 = tpu.memref_slice %arg6[%arg0, %mul3A_2, %dma_wait3A_92] : memref<2x10240x128xf32, #tpu.memory_space<hbm>> -> memref<1x640x128xf32, #tpu.memory_space<hbm>>
      %dma_wait3A_94 = tpu.memref_squeeze %dma_wait3A_93 : memref<1x640x128xf32, #tpu.memory_space<hbm>> -> memref<640x128xf32, #tpu.memory_space<hbm>>
      %dma_wait3A_95 = arith.constant 0 : i32
      %dma_wait3A_96 = tpu.memref_slice %arg9[%mul3A_2, %dma_wait3A_95] : memref<10240x128xf32, #tpu.memory_space<vmem_shared>> -> memref<640x128xf32, #tpu.memory_space<vmem_shared>>
      tpu.wait_dma2 semaphore(%run_scoped3A : memref<!tpu.dma_semaphore, #tpu.memory_space<semaphore_mem>>) src(%dma_wait3A_96 : memref<640x128xf32, #tpu.memory_space<vmem_shared>>) dst(%dma_wait3A_94 : memref<640x128xf32, #tpu.memory_space<hbm>>)
      tpu.yield
    }) : () -> ()
    return
  }
}

module attributes {stable_mosaic.version = 14 : i64} {
  func.func @_gcn_dense_body(%arg0: i32, %arg1: memref<512x128xf32, #tpu.memory_space<vmem>>, %arg2: memref<512x128xf32, #tpu.memory_space<vmem>>, %arg3: memref<512x128xf32, #tpu.memory_space<vmem>>, %arg4: memref<128x128xf32, #tpu.memory_space<vmem>>, %arg5: memref<1x128xf32, #tpu.memory_space<vmem>>, %arg6: memref<128x128xf32, #tpu.memory_space<vmem>>, %arg7: memref<1x128xf32, #tpu.memory_space<vmem>>, %arg8: memref<1x128xf32, #tpu.memory_space<vmem>>, %arg9: memref<1x128xf32, #tpu.memory_space<vmem>>, %arg10: memref<512x128xf32, #tpu.memory_space<vmem>>) attributes {dimension_semantics = [#tpu.dimension_semantics<arbitrary>], iteration_bounds = array<i64: 20>, scalar_prefetch = 0 : i64, scratch_operands = 0 : i64, tpu.core_type = #tpu.core_type<tc>, window_params = [{transform_indices = @transform_0, window_bounds = array<i64: 512, 128>}, {transform_indices = @transform_1, window_bounds = array<i64: 512, 128>}, {transform_indices = @transform_2, window_bounds = array<i64: 512, 128>}, {pipeline_mode = #tpu.pipeline_mode<synchronous>, transform_indices = @transform_3, window_bounds = array<i64: 128, 128>}, {pipeline_mode = #tpu.pipeline_mode<synchronous>, transform_indices = @transform_4, window_bounds = array<i64: 1, 128>}, {pipeline_mode = #tpu.pipeline_mode<synchronous>, transform_indices = @transform_5, window_bounds = array<i64: 128, 128>}, {pipeline_mode = #tpu.pipeline_mode<synchronous>, transform_indices = @transform_6, window_bounds = array<i64: 1, 128>}, {pipeline_mode = #tpu.pipeline_mode<synchronous>, transform_indices = @transform_7, window_bounds = array<i64: 1, 128>}, {pipeline_mode = #tpu.pipeline_mode<synchronous>, transform_indices = @transform_8, window_bounds = array<i64: 1, 128>}, {transform_indices = @transform_9, window_bounds = array<i64: 512, 128>}]} {
    %get3A = arith.constant 0 : index
    %get3A_0 = arith.constant 0 : index
    %get3A_1 = vector.load %arg2[%get3A, %get3A_0] : memref<512x128xf32, #tpu.memory_space<vmem>>, vector<512x128xf32>
    %get3A_2 = arith.constant 0 : index
    %get3A_3 = arith.constant 0 : index
    %get3A_4 = vector.load %arg3[%get3A_2, %get3A_3] : memref<512x128xf32, #tpu.memory_space<vmem>>, vector<512x128xf32>
    %add3A = arith.addf %get3A_1, %get3A_4 : vector<512x128xf32>
    %get3A_5 = arith.constant 0 : index
    %get3A_6 = arith.constant 0 : index
    %get3A_7 = vector.load %arg1[%get3A_5, %get3A_6] : memref<512x128xf32, #tpu.memory_space<vmem>>, vector<512x128xf32>
    %get3A_8 = arith.constant 0 : index
    %get3A_9 = arith.constant 0 : index
    %get3A_10 = vector.load %arg4[%get3A_8, %get3A_9] : memref<128x128xf32, #tpu.memory_space<vmem>>, vector<128x128xf32>
    %dot_general3A = arith.constant dense<0.000000e+00> : vector<512x128xf32>
    %dot_general3A_11 = tpu.matmul %add3A, %get3A_10, %dot_general3A {dimension_numbers = #tpu.dot_dimension_numbers<[1], [0], [0], [1], [0, 0, 1, 1], [], []>, transpose_lhs_hint = false} : vector<512x128xf32>, vector<128x128xf32>, vector<512x128xf32> -> vector<512x128xf32>
    %get3A_12 = arith.constant 0 : index
    %get3A_13 = arith.constant 0 : index
    %get3A_14 = vector.load %arg5[%get3A_12, %get3A_13] : memref<1x128xf32, #tpu.memory_space<vmem>>, vector<1x128xf32>
    %add3A_15 = vector.broadcast %get3A_14 : vector<1x128xf32> to vector<512x128xf32>
    %add3A_16 = arith.addf %dot_general3A_11, %add3A_15 : vector<512x128xf32>
    %max3A = arith.constant 0.000000e+00 : f32
    %max3A_17 = vector.broadcast %max3A : f32 to vector<512x128xf32>
    %max3A_18 = arith.maximumf %add3A_16, %max3A_17 : vector<512x128xf32>
    %get3A_19 = arith.constant 0 : index
    %get3A_20 = arith.constant 0 : index
    %get3A_21 = vector.load %arg6[%get3A_19, %get3A_20] : memref<128x128xf32, #tpu.memory_space<vmem>>, vector<128x128xf32>
    %dot_general3A_22 = arith.constant dense<0.000000e+00> : vector<512x128xf32>
    %dot_general3A_23 = tpu.matmul %get3A_7, %get3A_21, %dot_general3A_22 {dimension_numbers = #tpu.dot_dimension_numbers<[1], [0], [0], [1], [0, 0, 1, 1], [], []>, transpose_lhs_hint = false} : vector<512x128xf32>, vector<128x128xf32>, vector<512x128xf32> -> vector<512x128xf32>
    %get3A_24 = arith.constant 0 : index
    %get3A_25 = arith.constant 0 : index
    %get3A_26 = vector.load %arg7[%get3A_24, %get3A_25] : memref<1x128xf32, #tpu.memory_space<vmem>>, vector<1x128xf32>
    %add3A_27 = vector.broadcast %get3A_26 : vector<1x128xf32> to vector<512x128xf32>
    %add3A_28 = arith.addf %dot_general3A_23, %add3A_27 : vector<512x128xf32>
    %max3A_29 = arith.constant 0.000000e+00 : f32
    %max3A_30 = vector.broadcast %max3A_29 : f32 to vector<512x128xf32>
    %max3A_31 = arith.maximumf %add3A_28, %max3A_30 : vector<512x128xf32>
    %add3A_32 = arith.addf %max3A_18, %max3A_31 : vector<512x128xf32>
    %get3A_33 = arith.constant 0 : index
    %get3A_34 = arith.constant 0 : index
    %get3A_35 = vector.load %arg8[%get3A_33, %get3A_34] : memref<1x128xf32, #tpu.memory_space<vmem>>, vector<1x128xf32>
    %mul3A = arith.constant 0.999994993 : f32
    %mul3A_36 = vector.broadcast %mul3A : f32 to vector<1x128xf32>
    %mul3A_37 = arith.mulf %mul3A_36, %get3A_35 : vector<1x128xf32>
    %mul3A_38 = vector.broadcast %mul3A_37 : vector<1x128xf32> to vector<512x128xf32>
    %mul3A_39 = arith.mulf %add3A_32, %mul3A_38 : vector<512x128xf32>
    %get3A_40 = arith.constant 0 : index
    %get3A_41 = arith.constant 0 : index
    %get3A_42 = vector.load %arg9[%get3A_40, %get3A_41] : memref<1x128xf32, #tpu.memory_space<vmem>>, vector<1x128xf32>
    %add3A_43 = vector.broadcast %get3A_42 : vector<1x128xf32> to vector<512x128xf32>
    %add3A_44 = arith.addf %mul3A_39, %add3A_43 : vector<512x128xf32>
    %swap3A = arith.constant 0 : index
    %swap3A_45 = arith.constant 0 : index
    %swap3A_46 = vector.load %arg10[%swap3A, %swap3A_45] : memref<512x128xf32, #tpu.memory_space<vmem>>, vector<512x128xf32>
    tpu.vector_store %arg10[%swap3A, %swap3A_45], %add3A_44 {strides = array<i32>} : memref<512x128xf32, #tpu.memory_space<vmem>>, vector<512x128xf32>,
    return
  }
  func.func @transform_0(%arg0: i32) -> (i32, i32) {
    %c0_i32 = arith.constant 0 : i32
    %c0_i32_0 = arith.constant 0 : i32
    return %arg0, %c0_i32 : i32, i32
  }
  func.func @transform_1(%arg0: i32) -> (i32, i32) {
    %c0_i32 = arith.constant 0 : i32
    %c0_i32_0 = arith.constant 0 : i32
    return %arg0, %c0_i32 : i32, i32
  }
  func.func @transform_2(%arg0: i32) -> (i32, i32) {
    %c0_i32 = arith.constant 0 : i32
    %c0_i32_0 = arith.constant 0 : i32
    return %arg0, %c0_i32 : i32, i32
  }
  func.func @transform_3(%arg0: i32) -> (i32, i32) {
    %c0_i32 = arith.constant 0 : i32
    %c0_i32_0 = arith.constant 0 : i32
    %c0_i32_1 = arith.constant 0 : i32
    return %c0_i32, %c0_i32_0 : i32, i32
  }
  func.func @transform_4(%arg0: i32) -> (i32, i32) {
    %c0_i32 = arith.constant 0 : i32
    %c0_i32_0 = arith.constant 0 : i32
    %c0_i32_1 = arith.constant 0 : i32
    return %c0_i32, %c0_i32_0 : i32, i32
  }
  func.func @transform_5(%arg0: i32) -> (i32, i32) {
    %c0_i32 = arith.constant 0 : i32
    %c0_i32_0 = arith.constant 0 : i32
    %c0_i32_1 = arith.constant 0 : i32
    return %c0_i32, %c0_i32_0 : i32, i32
  }
  func.func @transform_6(%arg0: i32) -> (i32, i32) {
    %c0_i32 = arith.constant 0 : i32
    %c0_i32_0 = arith.constant 0 : i32
    %c0_i32_1 = arith.constant 0 : i32
    return %c0_i32, %c0_i32_0 : i32, i32
  }
  func.func @transform_7(%arg0: i32) -> (i32, i32) {
    %c0_i32 = arith.constant 0 : i32
    %c0_i32_0 = arith.constant 0 : i32
    %c0_i32_1 = arith.constant 0 : i32
    return %c0_i32, %c0_i32_0 : i32, i32
  }
  func.func @transform_8(%arg0: i32) -> (i32, i32) {
    %c0_i32 = arith.constant 0 : i32
    %c0_i32_0 = arith.constant 0 : i32
    %c0_i32_1 = arith.constant 0 : i32
    return %c0_i32, %c0_i32_0 : i32, i32
  }
  func.func @transform_9(%arg0: i32) -> (i32, i32) {
    %c0_i32 = arith.constant 0 : i32
    %c0_i32_0 = arith.constant 0 : i32
    return %arg0, %c0_i32 : i32, i32
  }
}

module attributes {stable_mosaic.version = 14 : i64} {
  func.func @_head_body(%arg0: i32, %arg1: memref<512x128xf32, #tpu.memory_space<vmem>>, %arg2: memref<512x128xf32, #tpu.memory_space<vmem>>, %arg3: memref<512x128xf32, #tpu.memory_space<vmem>>, %arg4: memref<128x128xf32, #tpu.memory_space<vmem>>, %arg5: memref<1x128xf32, #tpu.memory_space<vmem>>, %arg6: memref<128x128xf32, #tpu.memory_space<vmem>>, %arg7: memref<1x128xf32, #tpu.memory_space<vmem>>, %arg8: memref<1x128xf32, #tpu.memory_space<vmem>>, %arg9: memref<1x128xf32, #tpu.memory_space<vmem>>, %arg10: memref<1x128xf32, #tpu.memory_space<vmem>>, %arg11: memref<1x1xf32, #tpu.memory_space<vmem>>, %arg12: memref<256x128xf32, #tpu.memory_space<vmem>>, %arg13: memref<1x128xf32, #tpu.memory_space<vmem>>, %arg14: memref<1x128xf32, #tpu.memory_space<vmem>>, %arg15: memref<1x128xf32, #tpu.memory_space<vmem>>, %arg16: memref<128x128xf32, #tpu.memory_space<vmem>>, %arg17: memref<1x128xf32, #tpu.memory_space<vmem>>, %arg18: memref<1x128xf32, #tpu.memory_space<vmem>>, %arg19: memref<1x128xf32, #tpu.memory_space<vmem>>, %arg20: memref<1x128xf32, #tpu.memory_space<vmem>>) attributes {dimension_semantics = [#tpu.dimension_semantics<arbitrary>], iteration_bounds = array<i64: 20>, scalar_prefetch = 0 : i64, scratch_operands = 2 : i64, tpu.core_type = #tpu.core_type<tc>, window_params = [{transform_indices = @transform_0, window_bounds = array<i64: 512, 128>}, {transform_indices = @transform_1, window_bounds = array<i64: 512, 128>}, {transform_indices = @transform_2, window_bounds = array<i64: 512, 128>}, {pipeline_mode = #tpu.pipeline_mode<synchronous>, transform_indices = @transform_3, window_bounds = array<i64: 128, 128>}, {pipeline_mode = #tpu.pipeline_mode<synchronous>, transform_indices = @transform_4, window_bounds = array<i64: 1, 128>}, {pipeline_mode = #tpu.pipeline_mode<synchronous>, transform_indices = @transform_5, window_bounds = array<i64: 128, 128>}, {pipeline_mode = #tpu.pipeline_mode<synchronous>, transform_indices = @transform_6, window_bounds = array<i64: 1, 128>}, {pipeline_mode = #tpu.pipeline_mode<synchronous>, transform_indices = @transform_7, window_bounds = array<i64: 1, 128>}, {pipeline_mode = #tpu.pipeline_mode<synchronous>, transform_indices = @transform_8, window_bounds = array<i64: 1, 128>}, {pipeline_mode = #tpu.pipeline_mode<synchronous>, transform_indices = @transform_9, window_bounds = array<i64: 1, 128>}, {pipeline_mode = #tpu.pipeline_mode<synchronous>, transform_indices = @transform_10, window_bounds = array<i64: 1, 1>}, {pipeline_mode = #tpu.pipeline_mode<synchronous>, transform_indices = @transform_11, window_bounds = array<i64: 256, 128>}, {pipeline_mode = #tpu.pipeline_mode<synchronous>, transform_indices = @transform_12, window_bounds = array<i64: 1, 128>}, {pipeline_mode = #tpu.pipeline_mode<synchronous>, transform_indices = @transform_13, window_bounds = array<i64: 1, 128>}, {pipeline_mode = #tpu.pipeline_mode<synchronous>, transform_indices = @transform_14, window_bounds = array<i64: 1, 128>}, {pipeline_mode = #tpu.pipeline_mode<synchronous>, transform_indices = @transform_15, window_bounds = array<i64: 128, 128>}, {pipeline_mode = #tpu.pipeline_mode<synchronous>, transform_indices = @transform_16, window_bounds = array<i64: 1, 128>}, {pipeline_mode = #tpu.pipeline_mode<synchronous>, transform_indices = @transform_17, window_bounds = array<i64: 1, 128>}]} {
    %get3A = arith.constant 0 : index
    %get3A_0 = arith.constant 0 : index
    %get3A_1 = vector.load %arg1[%get3A, %get3A_0] : memref<512x128xf32, #tpu.memory_space<vmem>>, vector<512x128xf32>
    %get3A_2 = arith.constant 0 : index
    %get3A_3 = arith.constant 0 : index
    %get3A_4 = vector.load %arg2[%get3A_2, %get3A_3] : memref<512x128xf32, #tpu.memory_space<vmem>>, vector<512x128xf32>
    %add3A = arith.addf %get3A_1, %get3A_4 : vector<512x128xf32>
    %get3A_5 = arith.constant 0 : index
    %get3A_6 = arith.constant 0 : index
    %get3A_7 = vector.load %arg3[%get3A_5, %get3A_6] : memref<512x128xf32, #tpu.memory_space<vmem>>, vector<512x128xf32>
    %get3A_8 = arith.constant 0 : index
    %get3A_9 = arith.constant 0 : index
    %get3A_10 = vector.load %arg4[%get3A_8, %get3A_9] : memref<128x128xf32, #tpu.memory_space<vmem>>, vector<128x128xf32>
    %dot_general3A = arith.constant dense<0.000000e+00> : vector<512x128xf32>
    %dot_general3A_11 = tpu.matmul %add3A, %get3A_10, %dot_general3A {dimension_numbers = #tpu.dot_dimension_numbers<[1], [0], [0], [1], [0, 0, 1, 1], [], []>, transpose_lhs_hint = false} : vector<512x128xf32>, vector<128x128xf32>, vector<512x128xf32> -> vector<512x128xf32>
    %get3A_12 = arith.constant 0 : index
    %get3A_13 = arith.constant 0 : index
    %get3A_14 = vector.load %arg5[%get3A_12, %get3A_13] : memref<1x128xf32, #tpu.memory_space<vmem>>, vector<1x128xf32>
    %add3A_15 = vector.broadcast %get3A_14 : vector<1x128xf32> to vector<512x128xf32>
    %add3A_16 = arith.addf %dot_general3A_11, %add3A_15 : vector<512x128xf32>
    %max3A = arith.constant 0.000000e+00 : f32
    %max3A_17 = vector.broadcast %max3A : f32 to vector<512x128xf32>
    %max3A_18 = arith.maximumf %add3A_16, %max3A_17 : vector<512x128xf32>
    %get3A_19 = arith.constant 0 : index
    %get3A_20 = arith.constant 0 : index
    %get3A_21 = vector.load %arg6[%get3A_19, %get3A_20] : memref<128x128xf32, #tpu.memory_space<vmem>>, vector<128x128xf32>
    %dot_general3A_22 = arith.constant dense<0.000000e+00> : vector<512x128xf32>
    %dot_general3A_23 = tpu.matmul %get3A_7, %get3A_21, %dot_general3A_22 {dimension_numbers = #tpu.dot_dimension_numbers<[1], [0], [0], [1], [0, 0, 1, 1], [], []>, transpose_lhs_hint = false} : vector<512x128xf32>, vector<128x128xf32>, vector<512x128xf32> -> vector<512x128xf32>
    %get3A_24 = arith.constant 0 : index
    %get3A_25 = arith.constant 0 : index
    %get3A_26 = vector.load %arg7[%get3A_24, %get3A_25] : memref<1x128xf32, #tpu.memory_space<vmem>>, vector<1x128xf32>
    %add3A_27 = vector.broadcast %get3A_26 : vector<1x128xf32> to vector<512x128xf32>
    %add3A_28 = arith.addf %dot_general3A_23, %add3A_27 : vector<512x128xf32>
    %max3A_29 = arith.constant 0.000000e+00 : f32
    %max3A_30 = vector.broadcast %max3A_29 : f32 to vector<512x128xf32>
    %max3A_31 = arith.maximumf %add3A_28, %max3A_30 : vector<512x128xf32>
    %add3A_32 = arith.addf %max3A_18, %max3A_31 : vector<512x128xf32>
    %get3A_33 = arith.constant 0 : index
    %get3A_34 = arith.constant 0 : index
    %get3A_35 = vector.load %arg8[%get3A_33, %get3A_34] : memref<1x128xf32, #tpu.memory_space<vmem>>, vector<1x128xf32>
    %mul3A = arith.constant 0.999994993 : f32
    %mul3A_36 = vector.broadcast %mul3A : f32 to vector<1x128xf32>
    %mul3A_37 = arith.mulf %mul3A_36, %get3A_35 : vector<1x128xf32>
    %mul3A_38 = vector.broadcast %mul3A_37 : vector<1x128xf32> to vector<512x128xf32>
    %mul3A_39 = arith.mulf %add3A_32, %mul3A_38 : vector<512x128xf32>
    %get3A_40 = arith.constant 0 : index
    %get3A_41 = arith.constant 0 : index
    %get3A_42 = vector.load %arg9[%get3A_40, %get3A_41] : memref<1x128xf32, #tpu.memory_space<vmem>>, vector<1x128xf32>
    %add3A_43 = vector.broadcast %get3A_42 : vector<1x128xf32> to vector<512x128xf32>
    %add3A_44 = arith.addf %mul3A_39, %add3A_43 : vector<512x128xf32>
    %mul3A_45 = arith.constant 512 : i32
    %mul3A_46 = arith.muli %arg0, %mul3A_45 : i32
    %iota3A = tpu.iota {dimensions = array<i32: 0>} : vector<512x1xi32>
    %add3A_47 = vector.broadcast %mul3A_46 : i32 to vector<512x1xi32>
    %add3A_48 = arith.addi %add3A_47, %iota3A : vector<512x1xi32>
    %lt3A = arith.constant 10000 : i32
    %lt3A_49 = vector.broadcast %lt3A : i32 to vector<512x1xi32>
    %lt3A_50 = arith.cmpi slt, %add3A_48, %lt3A_49 : vector<512x1xi32>
    %get3A_51 = arith.constant 0 : index
    %get3A_52 = arith.constant 0 : index
    %get3A_53 = vector.load %arg10[%get3A_51, %get3A_52] : memref<1x128xf32, #tpu.memory_space<vmem>>, vector<1x128xf32>
    %mul3A_54 = vector.broadcast %get3A_53 : vector<1x128xf32> to vector<512x128xf32>
    %mul3A_55 = arith.mulf %add3A_44, %mul3A_54 : vector<512x128xf32>
    %reduce_sum3A = arith.constant dense<0.000000e+00> : vector<512xf32>
    %reduce_sum3A_56 = vector.multi_reduction <add>, %mul3A_55, %reduce_sum3A [1] : vector<512x128xf32> to vector<512xf32>
    %broadcast_in_dim3A = vector.shape_cast %reduce_sum3A_56 : vector<512xf32> to vector<512x1xf32>
    %get3A_57 = arith.constant 0 : index
    %get3A_58 = arith.constant 0 : index
    %get3A_59 = vector.load %arg11[%get3A_57, %get3A_58] : memref<1x1xf32, #tpu.memory_space<vmem>>, vector<1x1xf32>
    %get3A_60 = vector.extract %get3A_59[0, 0] : f32 from vector<1x1xf32>
    %add3A_61 = vector.broadcast %get3A_60 : f32 to vector<512x1xf32>
    %add3A_62 = arith.addf %broadcast_in_dim3A, %add3A_61 : vector<512x1xf32>
    %neg3A = arith.constant 0.000000e+00 : f32
    %neg3A_63 = vector.broadcast %neg3A : f32 to vector<512x1xf32>
    %neg3A_64 = arith.subf %neg3A_63, %add3A_62 : vector<512x1xf32>
    %exp3A = math.exp %neg3A_64 : vector<512x1xf32>
    %add3A_65 = arith.constant 1.000000e+00 : f32
    %add3A_66 = vector.broadcast %add3A_65 : f32 to vector<512x1xf32>
    %add3A_67 = arith.addf %add3A_66, %exp3A : vector<512x1xf32>
    %div3A = arith.constant 1.000000e+00 : f32
    %div3A_68 = vector.broadcast %div3A : f32 to vector<512x1xf32>
    %div3A_69 = arith.divf %div3A_68, %add3A_67 : vector<512x1xf32>
    %mul3A_70 = vector.broadcast %div3A_69 : vector<512x1xf32> to vector<512x128xf32>
    %mul3A_71 = arith.mulf %mul3A_70, %add3A_44 : vector<512x128xf32>
    %jit3A = arith.constant 0.000000e+00 : f32
    %broadcast_in_dim3A_72 = vector.shape_cast %lt3A_50 : vector<512x1xi1> to vector<512x1xi1>
    %broadcast_in_dim3A_73 = vector.broadcast %broadcast_in_dim3A_72 : vector<512x1xi1> to vector<512x128xi1>
    %broadcast_in_dim3A_74 = vector.broadcast %jit3A : f32 to vector<512x128xf32>
    %select_n3A = arith.select %broadcast_in_dim3A_73, %mul3A_71, %broadcast_in_dim3A_74 : vector<512x128xi1>, vector<512x128xf32>
    %reduce_sum3A_75 = arith.constant dense<0.000000e+00> : vector<128xf32>
    %reduce_sum3A_76 = vector.multi_reduction <add>, %select_n3A, %reduce_sum3A_75 [0] : vector<512x128xf32> to vector<128xf32>
    %broadcast_in_dim3A_77 = vector.shape_cast %reduce_sum3A_76 : vector<128xf32> to vector<1x128xf32>
    %jit3A_78 = arith.constant 0xFF800000 : f32
    %broadcast_in_dim3A_79 = vector.shape_cast %lt3A_50 : vector<512x1xi1> to vector<512x1xi1>
    %broadcast_in_dim3A_80 = vector.broadcast %broadcast_in_dim3A_79 : vector<512x1xi1> to vector<512x128xi1>
    %broadcast_in_dim3A_81 = vector.broadcast %jit3A_78 : f32 to vector<512x128xf32>
    %select_n3A_82 = arith.select %broadcast_in_dim3A_80, %add3A_44, %broadcast_in_dim3A_81 : vector<512x128xi1>, vector<512x128xf32>
    %reduce_max3A = arith.constant dense<0xFF800000> : vector<128xf32>
    %reduce_max3A_83 = vector.multi_reduction <maximumf>, %select_n3A_82, %reduce_max3A [0] : vector<512x128xf32> to vector<128xf32>
    %broadcast_in_dim3A_84 = vector.shape_cast %reduce_max3A_83 : vector<128xf32> to vector<1x128xf32>
    %eq3A = arith.constant 0 : i32
    %eq3A_85 = arith.cmpi eq, %arg0, %eq3A : i32
    %convert_element_type3A = arith.extui %eq3A_85 : i1 to i32
    %cond3A = arith.constant 0 : i32
    %cond3A_86 = arith.cmpi ne, %convert_element_type3A, %cond3A : i32
    scf.if %cond3A_86 {
      %swap3A = arith.constant 0 : index
      %swap3A_96 = arith.constant 0 : index
      %swap3A_97 = vector.load %arg19[%swap3A, %swap3A_96] : memref<1x128xf32, #tpu.memory_space<vmem>>, vector<1x128xf32>
      tpu.vector_store %arg19[%swap3A, %swap3A_96], %broadcast_in_dim3A_77 {strides = array<i32>} : memref<1x128xf32, #tpu.memory_space<vmem>>, vector<1x128xf32>,
      %swap3A_98 = arith.constant 0 : index
      %swap3A_99 = arith.constant 0 : index
      %swap3A_100 = vector.load %arg20[%swap3A_98, %swap3A_99] : memref<1x128xf32, #tpu.memory_space<vmem>>, vector<1x128xf32>
      tpu.vector_store %arg20[%swap3A_98, %swap3A_99], %broadcast_in_dim3A_84 {strides = array<i32>} : memref<1x128xf32, #tpu.memory_space<vmem>>, vector<1x128xf32>,
    } else {
    }
    %gt3A = arith.constant 0 : i32
    %gt3A_87 = arith.cmpi sgt, %arg0, %gt3A : i32
    %convert_element_type3A_88 = arith.extui %gt3A_87 : i1 to i32
    %cond3A_89 = arith.constant 0 : i32
    %cond3A_90 = arith.cmpi ne, %convert_element_type3A_88, %cond3A_89 : i32
    scf.if %cond3A_90 {
      %get3A_96 = arith.constant 0 : index
      %get3A_97 = arith.constant 0 : index
      %get3A_98 = vector.load %arg19[%get3A_96, %get3A_97] : memref<1x128xf32, #tpu.memory_space<vmem>>, vector<1x128xf32>
      %add3A_99 = arith.addf %get3A_98, %broadcast_in_dim3A_77 : vector<1x128xf32>
      %swap3A = arith.constant 0 : index
      %swap3A_100 = arith.constant 0 : index
      %swap3A_101 = vector.load %arg19[%swap3A, %swap3A_100] : memref<1x128xf32, #tpu.memory_space<vmem>>, vector<1x128xf32>
      tpu.vector_store %arg19[%swap3A, %swap3A_100], %add3A_99 {strides = array<i32>} : memref<1x128xf32, #tpu.memory_space<vmem>>, vector<1x128xf32>,
      %get3A_102 = arith.constant 0 : index
      %get3A_103 = arith.constant 0 : index
      %get3A_104 = vector.load %arg20[%get3A_102, %get3A_103] : memref<1x128xf32, #tpu.memory_space<vmem>>, vector<1x128xf32>
      %max3A_105 = arith.maximumf %get3A_104, %broadcast_in_dim3A_84 : vector<1x128xf32>
      %swap3A_106 = arith.constant 0 : index
      %swap3A_107 = arith.constant 0 : index
      %swap3A_108 = vector.load %arg20[%swap3A_106, %swap3A_107] : memref<1x128xf32, #tpu.memory_space<vmem>>, vector<1x128xf32>
      tpu.vector_store %arg20[%swap3A_106, %swap3A_107], %max3A_105 {strides = array<i32>} : memref<1x128xf32, #tpu.memory_space<vmem>>, vector<1x128xf32>,
    } else {
    }
    %eq3A_91 = arith.constant 19 : i32
    %eq3A_92 = arith.cmpi eq, %arg0, %eq3A_91 : i32
    %convert_element_type3A_93 = arith.extui %eq3A_92 : i1 to i32
    %cond3A_94 = arith.constant 0 : i32
    %cond3A_95 = arith.cmpi ne, %convert_element_type3A_93, %cond3A_94 : i32
    scf.if %cond3A_95 {
      %get3A_96 = arith.constant 0 : index
      %get3A_97 = arith.constant 0 : index
      %get3A_98 = vector.load %arg19[%get3A_96, %get3A_97] : memref<1x128xf32, #tpu.memory_space<vmem>>, vector<1x128xf32>
      %get3A_99 = arith.constant 0 : index
      %get3A_100 = arith.constant 0 : index
      %get3A_101 = vector.load %arg20[%get3A_99, %get3A_100] : memref<1x128xf32, #tpu.memory_space<vmem>>, vector<1x128xf32>
      %concatenate3A = tpu.concatenate %get3A_98, %get3A_101 in 1 : vector<1x128xf32>, vector<1x128xf32> -> vector<1x256xf32>
      %get3A_102 = arith.constant 0 : index
      %get3A_103 = arith.constant 0 : index
      %get3A_104 = vector.load %arg12[%get3A_102, %get3A_103] : memref<256x128xf32, #tpu.memory_space<vmem>>, vector<256x128xf32>
      %dot_general3A_105 = arith.constant dense<0.000000e+00> : vector<1x128xf32>
      %dot_general3A_106 = tpu.matmul %concatenate3A, %get3A_104, %dot_general3A_105 {dimension_numbers = #tpu.dot_dimension_numbers<[1], [0], [0], [1], [0, 0, 1, 1], [], []>, transpose_lhs_hint = false} : vector<1x256xf32>, vector<256x128xf32>, vector<1x128xf32> -> vector<1x128xf32>
      %get3A_107 = arith.constant 0 : index
      %get3A_108 = arith.constant 0 : index
      %get3A_109 = vector.load %arg13[%get3A_107, %get3A_108] : memref<1x128xf32, #tpu.memory_space<vmem>>, vector<1x128xf32>
      %add3A_110 = arith.addf %dot_general3A_106, %get3A_109 : vector<1x128xf32>
      %max3A_111 = arith.constant 0.000000e+00 : f32
      %max3A_112 = vector.broadcast %max3A_111 : f32 to vector<1x128xf32>
      %max3A_113 = arith.maximumf %add3A_110, %max3A_112 : vector<1x128xf32>
      %get3A_114 = arith.constant 0 : index
      %get3A_115 = arith.constant 0 : index
      %get3A_116 = vector.load %arg14[%get3A_114, %get3A_115] : memref<1x128xf32, #tpu.memory_space<vmem>>, vector<1x128xf32>
      %mul3A_117 = arith.constant 0.999994993 : f32
      %mul3A_118 = vector.broadcast %mul3A_117 : f32 to vector<1x128xf32>
      %mul3A_119 = arith.mulf %mul3A_118, %get3A_116 : vector<1x128xf32>
      %mul3A_120 = arith.mulf %max3A_113, %mul3A_119 : vector<1x128xf32>
      %get3A_121 = arith.constant 0 : index
      %get3A_122 = arith.constant 0 : index
      %get3A_123 = vector.load %arg15[%get3A_121, %get3A_122] : memref<1x128xf32, #tpu.memory_space<vmem>>, vector<1x128xf32>
      %add3A_124 = arith.addf %mul3A_120, %get3A_123 : vector<1x128xf32>
      %get3A_125 = arith.constant 0 : index
      %get3A_126 = arith.constant 0 : index
      %get3A_127 = vector.load %arg16[%get3A_125, %get3A_126] : memref<128x128xf32, #tpu.memory_space<vmem>>, vector<128x128xf32>
      %dot_general3A_128 = arith.constant dense<0.000000e+00> : vector<1x128xf32>
      %dot_general3A_129 = tpu.matmul %add3A_124, %get3A_127, %dot_general3A_128 {dimension_numbers = #tpu.dot_dimension_numbers<[1], [0], [0], [1], [0, 0, 1, 1], [], []>, transpose_lhs_hint = false} : vector<1x128xf32>, vector<128x128xf32>, vector<1x128xf32> -> vector<1x128xf32>
      %get3A_130 = arith.constant 0 : index
      %get3A_131 = arith.constant 0 : index
      %get3A_132 = vector.load %arg17[%get3A_130, %get3A_131] : memref<1x128xf32, #tpu.memory_space<vmem>>, vector<1x128xf32>
      %add3A_133 = arith.addf %dot_general3A_129, %get3A_132 : vector<1x128xf32>
      %swap3A = arith.constant 0 : index
      %swap3A_134 = arith.constant 0 : index
      %swap3A_135 = vector.load %arg18[%swap3A, %swap3A_134] : memref<1x128xf32, #tpu.memory_space<vmem>>, vector<1x128xf32>
      tpu.vector_store %arg18[%swap3A, %swap3A_134], %add3A_133 {strides = array<i32>} : memref<1x128xf32, #tpu.memory_space<vmem>>, vector<1x128xf32>,
    } else {
    }
    return
  }
  func.func @transform_0(%arg0: i32) -> (i32, i32) {
    %c0_i32 = arith.constant 0 : i32
    %c0_i32_0 = arith.constant 0 : i32
    return %arg0, %c0_i32 : i32, i32
  }
  func.func @transform_1(%arg0: i32) -> (i32, i32) {
    %c0_i32 = arith.constant 0 : i32
    %c0_i32_0 = arith.constant 0 : i32
    return %arg0, %c0_i32 : i32, i32
  }
  func.func @transform_2(%arg0: i32) -> (i32, i32) {
    %c0_i32 = arith.constant 0 : i32
    %c0_i32_0 = arith.constant 0 : i32
    return %arg0, %c0_i32 : i32, i32
  }
  func.func @transform_3(%arg0: i32) -> (i32, i32) {
    %c0_i32 = arith.constant 0 : i32
    %c0_i32_0 = arith.constant 0 : i32
    %c0_i32_1 = arith.constant 0 : i32
    return %c0_i32, %c0_i32_0 : i32, i32
  }
  func.func @transform_4(%arg0: i32) -> (i32, i32) {
    %c0_i32 = arith.constant 0 : i32
    %c0_i32_0 = arith.constant 0 : i32
    %c0_i32_1 = arith.constant 0 : i32
    return %c0_i32, %c0_i32_0 : i32, i32
  }
  func.func @transform_5(%arg0: i32) -> (i32, i32) {
    %c0_i32 = arith.constant 0 : i32
    %c0_i32_0 = arith.constant 0 : i32
    %c0_i32_1 = arith.constant 0 : i32
    return %c0_i32, %c0_i32_0 : i32, i32
  }
  func.func @transform_6(%arg0: i32) -> (i32, i32) {
    %c0_i32 = arith.constant 0 : i32
    %c0_i32_0 = arith.constant 0 : i32
    %c0_i32_1 = arith.constant 0 : i32
    return %c0_i32, %c0_i32_0 : i32, i32
  }
  func.func @transform_7(%arg0: i32) -> (i32, i32) {
    %c0_i32 = arith.constant 0 : i32
    %c0_i32_0 = arith.constant 0 : i32
    %c0_i32_1 = arith.constant 0 : i32
    return %c0_i32, %c0_i32_0 : i32, i32
  }
  func.func @transform_8(%arg0: i32) -> (i32, i32) {
    %c0_i32 = arith.constant 0 : i32
    %c0_i32_0 = arith.constant 0 : i32
    %c0_i32_1 = arith.constant 0 : i32
    return %c0_i32, %c0_i32_0 : i32, i32
  }
  func.func @transform_9(%arg0: i32) -> (i32, i32) {
    %c0_i32 = arith.constant 0 : i32
    %c0_i32_0 = arith.constant 0 : i32
    %c0_i32_1 = arith.constant 0 : i32
    return %c0_i32, %c0_i32_0 : i32, i32
  }
  func.func @transform_10(%arg0: i32) -> (i32, i32) {
    %c0_i32 = arith.constant 0 : i32
    %c0_i32_0 = arith.constant 0 : i32
    %c0_i32_1 = arith.constant 0 : i32
    return %c0_i32, %c0_i32_0 : i32, i32
  }
  func.func @transform_11(%arg0: i32) -> (i32, i32) {
    %c0_i32 = arith.constant 0 : i32
    %c0_i32_0 = arith.constant 0 : i32
    %c0_i32_1 = arith.constant 0 : i32
    return %c0_i32, %c0_i32_0 : i32, i32
  }
  func.func @transform_12(%arg0: i32) -> (i32, i32) {
    %c0_i32 = arith.constant 0 : i32
    %c0_i32_0 = arith.constant 0 : i32
    %c0_i32_1 = arith.constant 0 : i32
    return %c0_i32, %c0_i32_0 : i32, i32
  }
  func.func @transform_13(%arg0: i32) -> (i32, i32) {
    %c0_i32 = arith.constant 0 : i32
    %c0_i32_0 = arith.constant 0 : i32
    %c0_i32_1 = arith.constant 0 : i32
    return %c0_i32, %c0_i32_0 : i32, i32
  }
  func.func @transform_14(%arg0: i32) -> (i32, i32) {
    %c0_i32 = arith.constant 0 : i32
    %c0_i32_0 = arith.constant 0 : i32
    %c0_i32_1 = arith.constant 0 : i32
    return %c0_i32, %c0_i32_0 : i32, i32
  }
  func.func @transform_15(%arg0: i32) -> (i32, i32) {
    %c0_i32 = arith.constant 0 : i32
    %c0_i32_0 = arith.constant 0 : i32
    %c0_i32_1 = arith.constant 0 : i32
    return %c0_i32, %c0_i32_0 : i32, i32
  }
  func.func @transform_16(%arg0: i32) -> (i32, i32) {
    %c0_i32 = arith.constant 0 : i32
    %c0_i32_0 = arith.constant 0 : i32
    %c0_i32_1 = arith.constant 0 : i32
    return %c0_i32, %c0_i32_0 : i32, i32
  }
  func.func @transform_17(%arg0: i32) -> (i32, i32) {
    %c0_i32 = arith.constant 0 : i32
    %c0_i32_0 = arith.constant 0 : i32
    %c0_i32_1 = arith.constant 0 : i32
    return %c0_i32, %c0_i32_0 : i32, i32
  }
}

</mosaic_0001>

<sc_bundles>
// kernel: kernel.6.cloned.1.call-start
scs
__scs_entry_jumppad:
0x0: {  	(pc) =	sbr.rel $0x88, $3  }
0x1: {  	(tag) =	ssettag $0x0;
	lr =	simm.s32 $0x1  }
0x2: {  	[smem:$0x3F8B] =	sst lr;
	_ =	strace $0xD0000000  }
0x3: {  	_ = 	snop  }
0x4: {  	_ = 	snop  }
0x5: {  	_ = 	snop  }
0x6: {  	_ = 	snop  }
0x7: {  	_ = 	snop  }
__scs_overlays_trampoline_lowered:
0x8: {  	[smem:$0x3F9A] =	sst s0  }
0x9: {  	[smem:$0x3F9B] =	sst s1  }
0xa: {  	[smem:$0x3F9C] =	sst s2  }
0xb: {  	[smem:$0x3F9D] =	sst s3  }
0xc: {  	[smem:$0x3F9E] =	sst s4  }
0xd: {  	[smem:$0x3F9F] =	sst s5  }
0xe: {  	[smem:$0x3FA0] =	sst s6  }
0xf: {  	[smem:$0x3FA1] =	sst s7  }
0x10: {  	[smem:$0x3FA2] =	sst s8  }
0x11: {  	[smem:$0x3FA3] =	sst s9;
	s0 =	simm.s32 @!p0 $0x0  }
0x12: {  	s1 =	sld [smem:$0x3F89];
	s0 =	simm.s32 @p0 $0x1  }
0x13: {  	[smem:$0x3FA4] =	sst s0;
	s0 =	simm.s32 @!p1 $0x0  }
0x14: {  	s2 =	sld [smem:$0x3F88];
	s0 =	simm.s32 @p1 $0x1  }
0x15: {  	[smem:$0x3FA5] =	sst s0;
	s0 =	simm.s32 @!p2 $0x0  }
0x16: {  	s3 =	sld [smem:$0x3FDB];
	s0 =	simm.s32 @p2 $0x1  }
0x17: {  	s4 =	simm.s32 $0x1BF5;
	[smem:$0x3FA7] =	sst s0  }
0x18: {  	s0 =	sld [smem:$0x3F8A];
	_ =	swait.ge [sflag:s4], $0x0  }
0x19: {  	s7 =	sld [smem:$0x3F8B]  }
0x1a: {  	s8 =	sadd.s32 $0xFFFFE003, lr  }
0x1b: {  	s9 =	sadd.s32 $0xFFFFFEF7, lr;
	s5 =	simm.s32 $0xFFFFFFFF;
	p2 =	slt.u32 s8, $0xFFFFF086  }
0x1c: {  	p1 =	slt.u32 s9, $0xF7A;
	s5 =	simm.s32 @!p2 $0x0  }
0x1d: {  	s5 =	simm.s32 @p1 $0x1;
	p0 =	seq.s32 s7, s2  }
0x1e: {  	s7 =	smul.u32 @!p0 $0xF7A, s2;
	p2 =	seq.s32 @!p0 s5, $0x0  }
0x1f: {  	s9 =	smul.u32 $0xF7A, s1;
	s8 =	simm.s32 @!p0 $0x1BF5;
	p2 =	por !p2, p0  }
0x20: {  	[sflag:s8] =	ssyncset.s32 @!p0 $0xFFFFF086;
	s6 =	sadd.s32 @!p0 s3, s7;
	s7 =	simm.s32 @!p0 $0x108  }
0x21: {  	s3 =	sadd.s32 s3, s9;
	s6 =	sadd.s32 @!p0 $0x88, s6;
	s7 =	simm.s32 @p2 $0x1082  }
0x22: {  	[simem:s7], [sflag:s8] =	dma.local @!p0 [hbm:s6], $0xF7A  }
0x23: {  	s9 =	sor.u32 $0xD0000000, s2;
	s6 =	simm.s32 $0x108;
	_ =	swait.ge @!p0 [sflag:s8], $0x0  }
0x24: {  	s3 =	sadd.s32 $0x88, s3;
	s6 =	simm.s32 @!p1 $0x1082;
	[sflag:s4] =	ssyncset.s32 $0xFFFFF086  }
0x25: {  	[simem:s6], [sflag:s4] =	dma.local [hbm:s3], $0xF7A  }
0x26: {  	[smem:$0x3F8B] =	sst s1;
	(tag) =	ssettag s2;
	_ =	strace s9  }
0x27: {  	s1 =	sld [smem:$0x3F9B]  }
0x28: {  	s2 =	sld [smem:$0x3F9C]  }
0x29: {  	s4 =	sld [smem:$0x3F9E]  }
0x2a: {  	p0 =	seq.s32 s5, $0x0;
	s5 =	sld [smem:$0x3F9F]  }
0x2b: {  	s6 =	sld [smem:$0x3FA0]  }
0x2c: {  	s7 =	sld [smem:$0x3FA1]  }
0x2d: {  	s3 =	simm.s32 $0x108;
	s8 =	sld [smem:$0x3FA2]  }
0x2e: {  	s3 =	simm.s32 @!p0 $0x1082;
	s9 =	sld [smem:$0x3FA3]  }
0x2f: {  	lr =	sadd.s32 s0, s3;
	s0 =	sld [smem:$0x3F9A]  }
0x30: {  	s3 =	sld [smem:$0x3F9D]  }
0x31: {  	[smem:$0x3FA6] =	sst s10  }
0x32: {  	s10 =	sld [smem:$0x3FA4];
	_ =	sdelay $0x3  }
0x33: {  	p0 =	seq.s32 s10, $0x1;
	s10 =	sld [smem:$0x3FA6];
	_ =	sdelay $0x3  }
0x34: {  	[smem:$0x3FA6] =	sst s10  }
0x35: {  	s10 =	sld [smem:$0x3FA5];
	_ =	sdelay $0x3  }
0x36: {  	p1 =	seq.s32 s10, $0x1;
	s10 =	sld [smem:$0x3FA6];
	_ =	sdelay $0x3  }
0x37: {  	[smem:$0x3FA6] =	sst s10  }
0x38: {  	s10 =	sld [smem:$0x3FA7]  }
0x39: {  	_ = 	snop;
	(pc) =	sbr.ind lr, $3  }
0x3a: {  	_ = 	snop  }
0x3b: {  	_ = 	snop  }
0x3c: {  	p2 =	seq.s32 s10, $0x1;
	s10 =	sld [smem:$0x3FA6]  }
0x3d: {  	_ =	shalt  }
0x3e: {  	_ =	shalt  }
0x3f: {  	_ =	shalt  }
0x40: {  	_ =	shalt  }
0x41: {  	_ =	shalt  }
0x42: {  	_ =	shalt  }
0x43: {  	_ =	shalt  }
0x44: {  	_ =	shalt  }
0x45: {  	_ =	shalt  }
0x46: {  	_ =	shalt  }
0x47: {  	_ =	shalt  }
0x48: {  	_ =	shalt  }
0x49: {  	_ =	shalt  }
0x4a: {  	_ =	shalt  }
0x4b: {  	_ =	shalt  }
0x4c: {  	_ =	shalt  }
0x4d: {  	_ =	shalt  }
0x4e: {  	_ =	shalt  }
0x4f: {  	_ =	shalt  }
0x50: {  	_ =	shalt  }
0x51: {  	_ =	shalt  }
0x52: {  	_ =	shalt  }
0x53: {  	_ =	shalt  }
0x54: {  	_ =	shalt  }
0x55: {  	_ =	shalt  }
0x56: {  	_ =	shalt  }
0x57: {  	_ =	shalt  }
0x58: {  	_ =	shalt  }
0x59: {  	_ =	shalt  }
0x5a: {  	_ =	shalt  }
0x5b: {  	_ =	shalt  }
0x5c: {  	_ =	shalt  }
0x5d: {  	_ =	shalt  }
0x5e: {  	_ =	shalt  }
0x5f: {  	_ =	shalt  }
0x60: {  	_ =	shalt  }
0x61: {  	_ =	shalt  }
0x62: {  	_ =	shalt  }
0x63: {  	_ =	shalt  }
0x64: {  	_ =	shalt  }
0x65: {  	_ =	shalt  }
0x66: {  	_ =	shalt  }
0x67: {  	_ =	shalt  }
0x68: {  	_ =	shalt  }
0x69: {  	_ =	shalt  }
0x6a: {  	_ =	shalt  }
0x6b: {  	_ =	shalt  }
0x6c: {  	_ =	shalt  }
0x6d: {  	_ =	shalt  }
0x6e: {  	_ =	shalt  }
0x6f: {  	_ =	shalt  }
0x70: {  	_ =	shalt  }
0x71: {  	_ =	shalt  }
0x72: {  	_ =	shalt  }
0x73: {  	_ =	shalt  }
0x74: {  	_ =	shalt  }
0x75: {  	_ =	shalt  }
0x76: {  	_ =	shalt  }
0x77: {  	_ =	shalt  }
0x78: {  	_ =	shalt  }
0x79: {  	_ =	shalt  }
0x7a: {  	_ =	shalt  }
0x7b: {  	_ =	shalt  }
0x7c: {  	_ =	shalt  }
0x7d: {  	_ =	shalt  }
0x7e: {  	_ =	shalt  }
0x7f: {  	_ =	shalt  }
0x80: {  	_ =	shalt  }
0x81: {  	_ =	shalt  }
0x82: {  	_ =	shalt  }
0x83: {  	_ =	shalt  }
0x84: {  	_ =	shalt  }
0x85: {  	_ =	shalt  }
0x86: {  	_ =	shalt  }
0x87: {  	_ =	shalt  }
.Lfunc_end0:
.L_simem_size_0:
called_computation_lowered:
.L_overlay_start_0:
0x88: {  	s2 =	sld [smem:$0x3FD9]  }
0x89: {  	s3 =	sld [smem:$0x3FFE];
	_ =	sdelay $0x1  }
0x8a: {  	s1 =	srdreg.scid  }
0x8b: {  	s0 =	sand.u32 $0x1, s1  }
0x8c: {  	s16 =	sshll.u32 s0, $0xA;
	s2 =	sadd.s32 s3, s2  }
0x8d: {  	s2 =	sadd.s32 s2, s16  }
0x8e: {  	[smem:$0x3FB2] =	sst s2  }
0x8f: {  	_ = 	snop  }
0x90: {  	(tm) =	ssettm $0x1  }
0x91: {  	s17 =	sld [smem:$0x3FFB];
	_ =	sdelay $0x3  }
0x92: {  	_ =	strace s17  }
0x93: {  	s2 =	sld [smem:$0x3FFC];
	_ =	sdelay $0x3  }
0x94: {  	_ =	strace s2  }
0x95: {  	s2 =	sld [smem:$0x3FFD];
	_ =	sdelay $0x3  }
0x96: {  	_ =	strace s2  }
0x97: {  	_ =	strace $0x8FFFFFFF  }
0x98: {  	s18 =	sld [smem:$0x3FDB];
	_ =	sdelay $0x1  }
0x99: {  	s19 =	simm.s32 $_scs_section_size  }
0x9a: {  	s4 =	simm.s32 $_size__tile_overlayer_lowered;
	s5 =	simm.s32 $_tile_overlayer_lowered  }
0x9b: {  	s22 =	simm.s32 $0x1BFF;
	s21 =	sshll.u32 s5, $0x1;
	s2 =	sadd.s32 s19, s18  }
0x9c: {  	s6 =	simm.s32 $0x0;
	s20 =	sshll.u32 s4, $0x1;
	s4 =	sadd.s32 s21, s2  }
0x9d: {  	[timem:s6], [sflag:s22] =	dma.local [hbm:s4], s20  }
0x9e: {  	_ =	swait.ge [sflag:s22], s20  }
0x9f: {  	s3 =	ssub.s32 $0x0, s20;
	[sflag:s22] =	ssyncset.done $0x0  }
0xa0: {  	[sflag:s22] =	ssyncadd.s32 s3;
	_ =	sdelay $0x1  }
0xa1: {  	s23 =	simm.s32 $0x1B8B  }
0xa2: {  	_ =	swait.ge [sflag:s23], $0x1  }
0xa3: {  	[sflag:s23] =	ssyncset.done $0x0  }
0xa4: {  	s25 =	simm.s32 $0x1B8E;
	s24 =	sld [smem:$0x3FFE];
	[sflag:s23] =	ssyncadd.s32 $0xFFFFFFFF  }
0xa5: {  	s26 =	simm.s32 $execute0_lowered;
	[smem:$0x3FD2] =	sst s25  }
0xa6: {  	s4 =	sshll.u32 s26, $0x1;
	_ =	strace $0x80000046;
	[dreg:$0x1] =	wrdreg $0xFFFFFFFF  }
0xa7: {  	s28 =	simm.s32 $_size_execute0_lowered;
	s2 =	sadd.s32 s2, s4;
	[dreg:$0x0] =	wrdreg $0x0  }
0xa8: {  	s4 =	sshll.u32 s28, $0x1;
	[dreg:$0x2] =	wrdreg s2  }
0xa9: {  	[dreg:$0x3] =	wrdreg s4  }
0xaa: {  	[dreg:$0x4] =	wrdreg $0xC0  }
0xab: {  	_ =	task [dreg:s6], $0x5FFFF  }
0xac: {  	[dreg:$0x1] =	wrdreg $0xFFFFFFFF  }
0xad: {  	[dreg:$0x0] =	wrdreg $0x60  }
0xae: {  	[dreg:$0x2] =	wrdreg s24  }
0xaf: {  	[dreg:$0x3] =	wrdreg $0x28000  }
0xb0: {  	[dreg:$0x4] =	wrdreg $0x9  }
0xb1: {  	_ =	task.clear_ibuf [dreg:s6], $0x5FFFF;
	_ =	strace $0x90000046  }
0xb2: {  	s29 =	simm.s32 $0x9;
	_ =	strace $0x80000048  }
0xb3: {  	_ =	swait.ge [sflag:s29], $0x1  }
0xb4: {  	[sflag:s29] =	ssyncadd.s32 $0xFFFFFFFF  }
0xb5: {  	_ =	strace $0x90000048  }
0xb6: {  	_ =	sfence  }
0xb7: {  	s30 =	sld [smem:$0x0];
	_ =	sdelay $0x2  }
0xb8: {  	s31 =	sshll.u32 s1, $0xD;
	s1 =	sshrl.u32 s1, $0x2  }
0xb9: {  	s3 =	sand.u32 $0x4000, s31;
	s1 =	sadd.s32 s1, s30  }
0xba: {  	s0 =	sor.u32 s3, s0;
	s1 =	sshll.u32 s1, $0x11  }
0xbb: {  	s0 =	sor.u32 s1, s0  }
0xbc: {  	s0 =	sadd.s32 $0x8F2B, s0  }
0xbd: {  	[sflag:s0] =	ssyncadd.remote.s32 $0x1  }
0xbe: {  	_ =	sfence.sel $0xFFFF  }
0xbf: {  	[dreg:$0x0] =	wrdreg $0xFFFFFFFF;
	(pc) =	sbr.abs _section_cstart, $3  }
0xc0: {  	[dreg:$0x1] =	wrdreg $0xFFFFFFFF  }
0xc1: {  	_ =	task.clear_ibuf [dreg:s6], $0x2FFFF;
	_ =	strace $0x9FFFFFFF  }
0xc2: {  	(tm) =	ssettm $0x7FFFFFFF  }
0xc3: {  	_ =	shalt  }
tec
execute0_lowered:
.L_overlay_start_1:
0x0: {  	(tag) =	ssettag $0x1  }
0x1: {  	s0 =	rddreg [dreg:$0x0]  }
0x2: {  	s2 =	rddreg [dreg:$0x1];
	s3 =	simm.s32 $0x0  }
0x3: {  	s12 =	stileid.u32;
	s1 =	srdreg.scid;
	s14 =	simm.s32 $0x5  }
0x4: {  	s15 =	simm.s32 $0x1400;
	s16 =	simm.s32 $0x40;
	s17 =	simm.s32 $0x16800  }
0x5: {  	s28 =	simm.s32 $0x2;
	s29 =	simm.s32 $0x1480;
	s30 =	simm.s32 $0x4  }
0x6: {  	s31 =	simm.s32 $0x1380;
	[smem:$0x7FF] =	sst s3;
	s5 =	smul.u32 $0x14000, s12  }
0x7: {  	s1 =	sand.u32 $0x1, s1;
	s4 =	sadd.s32 $0x17A00, s0;
	s7 =	sadd.s32 $0xDA00, s0  }
0x8: {  	s9 =	sadd.s32 $0x3A00, s0;
	s10 =	smul.u32 $0x50000, s12;
	s22 =	sshll.u32 s12, $0x6  }
0x9: {  	_ =	strace $0x80000047;
	s6 =	smul.u32 $0x140000, s1;
	s18 =	sshll.u32 s1, $0x4  }
0xa: {  	s1 =	ssub.s32 $0x2, s1;
	s8 =	sshrl.u32 s5, $0x3;
	s19 =	sor.u32 s12, s18  }
0xb: {  	s20 =	sshrl.u32 s1, $0x1;
	s10 =	sshrl.u32 s10, $0x2;
	s18 =	simm.s32 $0x18800  }
0xc: {  	s8 =	sadd.s32 s8, s0;
	s5 =	sadd.s32 s5, s6;
	s11 =	smul.u32 $0x2800, s19  }
0xd: {  	s1 =	ssub.s32 s1, s20;
	s13 =	sadd.s32 s10, s2;
	s6 =	sor.u32 $0x1C05, s22  }
0xe: {  	s20 =	simm.s32 $0x1A800;
	s22 =	simm.s32 $0x1C800;
	s5 =	sshrl.u32 s5, $0x3  }
0xf: {  	s21 =	sadd.s32 $0x3FA00, s8;
	s12 =	smax.u32 s1, $0x1;
	s13 =	sshrl.u32 s13, $0x3  }
0x10: {  	s1 =	simm.s32 $0x2700;
	s0 =	sadd.s32 s5, s0;
	s5 =	smul.u32 $0x500, s19  }
0x11: {  	[dreg:$0x3] =	wrdreg s21;
	s23 =	sshrl.u32 s11, $0x3;
	s19 =	simm.s32 $0x80  }
0x12: {  	s21 =	simm.s32 $0xC0;
	s8 =	sadd.s32 $0x280, s23;
	s24 =	sadd.s32 s7, s5  }
0x13: {  	s11 =	sadd.s32 $0x67A00, s0;
	s5 =	sadd.s32 s9, s5;
	[dreg:$0x4] =	wrdreg s24  }
0x14: {  	s23 =	simm.s32 $0x1;
	s25 =	sadd.s32 s7, s8;
	[dreg:$0x5] =	wrdreg s5  }
0x15: {  	s0 =	simm.s32 $0x13C0;
	s26 =	sadd.s32 s9, s8;
	[dreg:$0x6] =	wrdreg s25  }
0x16: {  	s7 =	simm.s32 $0x0;
	[dreg:$0x7] =	wrdreg s26;
	s24 =	simm.s32 $0x3  }
0x17: {  	s25 =	simm.s32 $0x100;
	s26 =	simm.s32 $0x140;
	s5 =	simm.s32 $0x2780  }
.LBB2_1:
0x18: {  	s8 =	rddreg [dreg:$0x3]  }
0x19: {  	[spmem:s13], [sflag:s6] =	dma.local [hbm:s8], $0x2800  }
0x1a: {  	_ =	swait.ge [sflag:s14], $0x2800  }
0x1b: {  	[sflag:s14] =	ssyncset.done $0x0  }
0x1c: {  	[sflag:s14] =	ssyncadd.s32 $0xFFFFD800  }
0x1d: {  	[bflag:$0x0] =	sbarrier.arrive $0xFFFF  }
0x1e: {  	s10 =	rddreg [dreg:$0x4]  }
0x1f: {  	[tilespmem:s3], [sflag:$0x5] =	stream.linear.gather [hbm4b:s10+s3], $0x1400, $0x38;
	[tilespmem:$0x1E800] =	vst v63  }
0x20: {  	_ =	swait.ge [sflag:s14], $0x1400  }
0x21: {  	[sflag:s14] =	ssyncset.done $0x0  }
0x22: {  	s9 =	rddreg [dreg:$0x5];
	[sflag:s14] =	ssyncadd.s32 $0xFFFFEC00  }
0x23: {  	[tilespmem:s15], [sflag:$0x5] =	stream.linear.gather [hbm4b:s9+s3], $0x1400, $0x38;
	[tilespmem:$0x1E800] =	vst v63  }
0x24: {  	_ =	swait.ge [sflag:s14], $0x1400  }
0x25: {  	[sflag:s14] =	ssyncset.done $0x0  }
0x26: {  	[sflag:s14] =	ssyncadd.s32 $0xFFFFEC00  }
0x27: {  	[tilespmem:s17], [sflag:$0x1] =	stream.indirect.gather [hbm4b:s4+s16], $0x80, s3, s16, $0xb8;
	[tilespmem:$0x1E800] =	vst v63  }
0x28: {  	_ = 	snop  }
0x29: {  	[tilespmem:s18], [sflag:$0x1] =	stream.indirect.gather [hbm4b:s4+s16], $0x80, s16, s16, $0xb8;
	[tilespmem:$0x1E800] =	vst v63  }
0x2a: {  	_ = 	snop  }
0x2b: {  	[tilespmem:s20], [sflag:$0x2] =	stream.indirect.gather [hbm4b:s4+s16], $0x80, s19, s16, $0xb8;
	[tilespmem:$0x1E800] =	vst v63  }
0x2c: {  	_ = 	snop  }
0x2d: {  	[tilespmem:s22], [sflag:$0x2] =	stream.indirect.gather [hbm4b:s4+s16], $0x80, s21, s16, $0xb8;
	[tilespmem:$0x1E800] =	vst v63  }
0x2e: {  	_ =	swait.ge [sflag:s23], $0x2000  }
0x2f: {  	[sflag:s23] =	ssyncset.done $0x0  }
0x30: {  	[sflag:s23] =	ssyncadd.s32 $0xFFFFE000  }
0x31: {  	_ =	swait.ge [sflag:s23], $0x2000  }
0x32: {  	[sflag:s23] =	ssyncset.done $0x0  }
0x33: {  	[sflag:s23] =	ssyncadd.s32 $0xFFFFE000  }
0x34: {  	[spmem:s2] =	stream.indirect.scatter.add.f32 [tilespmem:s17], [sflag:$0x3], $0x80, s15, s19, $0xb8;
	[tilespmem:$0x1E800] =	vst v63  }
0x35: {  	_ =	swait.ge [sflag:s24], $0x4000  }
0x36: {  	[sflag:s24] =	ssyncset.done $0x0  }
0x37: {  	[sflag:s24] =	ssyncadd.s32 $0xFFFFC000  }
0x38: {  	[tilespmem:s17], [sflag:$0x1] =	stream.indirect.gather [hbm4b:s4+s16], $0x80, s25, s16, $0xb8;
	[tilespmem:$0x1E800] =	vst v63  }
0x39: {  	_ = 	snop  }
0x3a: {  	[tilespmem:s18], [sflag:$0x1] =	stream.indirect.gather [hbm4b:s4+s16], $0x80, s26, s16, $0xb8;
	[tilespmem:$0x1E800] =	vst v63  }
0x3b: {  	_ =	swait.ge [sflag:s28], $0x2000  }
0x3c: {  	[sflag:s28] =	ssyncset.done $0x0  }
0x3d: {  	[sflag:s28] =	ssyncadd.s32 $0xFFFFE000  }
0x3e: {  	_ =	swait.ge [sflag:s28], $0x2000  }
0x3f: {  	[sflag:s28] =	ssyncset.done $0x0  }
0x40: {  	[sflag:s28] =	ssyncadd.s32 $0xFFFFE000  }
0x41: {  	[spmem:s2] =	stream.indirect.scatter.add.f32 [tilespmem:s20], [sflag:$0x4], $0x80, s29, s19, $0xb8;
	[tilespmem:$0x1E800] =	vst v63  }
0x42: {  	_ =	swait.ge [sflag:s30], $0x4000  }
0x43: {  	[sflag:s30] =	ssyncset.done $0x0  }
0x44: {  	s10 =	simm.s32 $0x180;
	[sflag:s30] =	ssyncadd.s32 $0xFFFFC000  }
0x45: {  	[tilespmem:s20], [sflag:$0x2] =	stream.indirect.gather [hbm4b:s4+s16], $0x80, s10, s16, $0xb8;
	[tilespmem:$0x1E800] =	vst v63  }
0x46: {  	s9 =	simm.s32 $0x1C0  }
0x47: {  	[tilespmem:s22], [sflag:$0x2] =	stream.indirect.gather [hbm4b:s4+s16], $0x80, s9, s16, $0xb8;
	[tilespmem:$0x1E800] =	vst v63  }
0x48: {  	_ =	swait.ge [sflag:s23], $0x2000  }
0x49: {  	[sflag:s23] =	ssyncset.done $0x0  }
0x4a: {  	[sflag:s23] =	ssyncadd.s32 $0xFFFFE000  }
0x4b: {  	_ =	swait.ge [sflag:s23], $0x2000  }
0x4c: {  	[sflag:s23] =	ssyncset.done $0x0  }
0x4d: {  	s10 =	simm.s32 $0x1500;
	[sflag:s23] =	ssyncadd.s32 $0xFFFFE000  }
0x4e: {  	[spmem:s2] =	stream.indirect.scatter.add.f32 [tilespmem:s17], [sflag:$0x3], $0x80, s10, s19, $0xb8;
	[tilespmem:$0x1E800] =	vst v63  }
0x4f: {  	_ =	swait.ge [sflag:s24], $0x4000  }
0x50: {  	[sflag:s24] =	ssyncset.done $0x0  }
0x51: {  	s9 =	simm.s32 $0x200;
	[sflag:s24] =	ssyncadd.s32 $0xFFFFC000  }
0x52: {  	[tilespmem:s17], [sflag:$0x1] =	stream.indirect.gather [hbm4b:s4+s16], $0x80, s9, s16, $0xb8;
	[tilespmem:$0x1E800] =	vst v63  }
0x53: {  	s10 =	simm.s32 $0x240  }
0x54: {  	[tilespmem:s18], [sflag:$0x1] =	stream.indirect.gather [hbm4b:s4+s16], $0x80, s10, s16, $0xb8;
	[tilespmem:$0x1E800] =	vst v63  }
0x55: {  	_ =	swait.ge [sflag:s28], $0x2000  }
0x56: {  	[sflag:s28] =	ssyncset.done $0x0  }
0x57: {  	[sflag:s28] =	ssyncadd.s32 $0xFFFFE000  }
0x58: {  	_ =	swait.ge [sflag:s28], $0x2000  }
0x59: {  	[sflag:s28] =	ssyncset.done $0x0  }
0x5a: {  	s8 =	simm.s32 $0x400;
	s9 =	simm.s32 $0x1580;
	[sflag:s28] =	ssyncadd.s32 $0xFFFFE000  }
.LBB2_2:
0x5b: {  	[spmem:s2] =	stream.indirect.scatter.add.f32 [tilespmem:s20], [sflag:$0x4], $0x80, s9, s19, $0xb8;
	[tilespmem:$0x1E800] =	vst v63  }
0x5c: {  	s9 =	smov.u32 s8  }
0x5d: {  	p0 =	sne.s32 s8, $0x4400;
	s8 =	sadd.s32 $0x400, s8;
	_ =	swait.ge [sflag:s30], $0x4000  }
0x5e: {  	s9 =	sshra.s32 s9, $0x2;
	[sflag:s30] =	ssyncset.done $0x0  }
0x5f: {  	s10 =	sadd.s32 $0x180, s9;
	[sflag:s30] =	ssyncadd.s32 $0xFFFFC000  }
0x60: {  	[tilespmem:s20], [sflag:$0x2] =	stream.indirect.gather [hbm4b:s4+s16], $0x80, s10, s16, $0xb8;
	[tilespmem:$0x1E800] =	vst v63  }
0x61: {  	s10 =	sadd.s32 $0x1C0, s9  }
0x62: {  	[tilespmem:s22], [sflag:$0x2] =	stream.indirect.gather [hbm4b:s4+s16], $0x80, s10, s16, $0xb8;
	[tilespmem:$0x1E800] =	vst v63  }
0x63: {  	_ =	swait.ge [sflag:s23], $0x2000  }
0x64: {  	[sflag:s23] =	ssyncset.done $0x0  }
0x65: {  	[sflag:s23] =	ssyncadd.s32 $0xFFFFE000  }
0x66: {  	_ =	swait.ge [sflag:s23], $0x2000  }
0x67: {  	[sflag:s23] =	ssyncset.done $0x0  }
0x68: {  	s10 =	sadd.s32 $0x1500, s9;
	[sflag:s23] =	ssyncadd.s32 $0xFFFFE000  }
0x69: {  	[spmem:s2] =	stream.indirect.scatter.add.f32 [tilespmem:s17], [sflag:$0x3], $0x80, s10, s19, $0xb8;
	[tilespmem:$0x1E800] =	vst v63  }
0x6a: {  	_ =	swait.ge [sflag:s24], $0x4000  }
0x6b: {  	[sflag:s24] =	ssyncset.done $0x0  }
0x6c: {  	s10 =	sadd.s32 $0x200, s9;
	[sflag:s24] =	ssyncadd.s32 $0xFFFFC000  }
0x6d: {  	[tilespmem:s17], [sflag:$0x1] =	stream.indirect.gather [hbm4b:s4+s16], $0x80, s10, s16, $0xb8;
	[tilespmem:$0x1E800] =	vst v63  }
0x6e: {  	s10 =	sadd.s32 $0x240, s9  }
0x6f: {  	[tilespmem:s18], [sflag:$0x1] =	stream.indirect.gather [hbm4b:s4+s16], $0x80, s10, s16, $0xb8;
	[tilespmem:$0x1E800] =	vst v63  }
0x70: {  	_ =	swait.ge [sflag:s28], $0x2000  }
.Ltmp0:
0x71: {  	[sflag:s28] =	ssyncset.done $0x0;
	(pc) =	sbr.rel @p0 .LBB2_2-.Ltmp0, $4  }
0x72: {  	[sflag:s28] =	ssyncadd.s32 $0xFFFFE000  }
0x73: {  	_ =	swait.ge [sflag:s28], $0x2000  }
0x74: {  	[sflag:s28] =	ssyncset.done $0x0  }
0x75: {  	s9 =	sadd.s32 $0x1580, s9;
	[sflag:s28] =	ssyncadd.s32 $0xFFFFE000  }
0x76: {  	[spmem:s2] =	stream.indirect.scatter.add.f32 [tilespmem:s20], [sflag:$0x4], $0x80, s9, s19, $0xb8;
	[tilespmem:$0x1E800] =	vst v63  }
0x77: {  	_ =	swait.ge [sflag:s30], $0x4000  }
0x78: {  	[sflag:s30] =	ssyncset.done $0x0  }
0x79: {  	[sflag:s30] =	ssyncadd.s32 $0xFFFFC000  }
0x7a: {  	[tilespmem:s20], [sflag:$0x2] =	stream.indirect.gather [hbm4b:s4+s16], $0x80, s31, s16, $0xb8;
	[tilespmem:$0x1E800] =	vst v63  }
0x7b: {  	_ = 	snop  }
0x7c: {  	[tilespmem:s22], [sflag:$0x2] =	stream.indirect.gather [hbm4b:s4+s16], $0x80, s0, s16, $0xb8;
	[tilespmem:$0x1E800] =	vst v63  }
0x7d: {  	_ =	swait.ge [sflag:s23], $0x2000  }
0x7e: {  	[sflag:s23] =	ssyncset.done $0x0  }
0x7f: {  	[sflag:s23] =	ssyncadd.s32 $0xFFFFE000  }
0x80: {  	_ =	swait.ge [sflag:s23], $0x2000  }
0x81: {  	[sflag:s23] =	ssyncset.done $0x0  }
0x82: {  	[sflag:s23] =	ssyncadd.s32 $0xFFFFE000  }
0x83: {  	[spmem:s2] =	stream.indirect.scatter.add.f32 [tilespmem:s17], [sflag:$0x3], $0x80, s1, s19, $0xb8;
	[tilespmem:$0x1E800] =	vst v63  }
0x84: {  	_ =	swait.ge [sflag:s28], $0x2000  }
0x85: {  	[sflag:s28] =	ssyncset.done $0x0  }
0x86: {  	[sflag:s28] =	ssyncadd.s32 $0xFFFFE000  }
0x87: {  	_ =	swait.ge [sflag:s28], $0x2000  }
0x88: {  	[sflag:s28] =	ssyncset.done $0x0  }
0x89: {  	[sflag:s28] =	ssyncadd.s32 $0xFFFFE000  }
0x8a: {  	[spmem:s2] =	stream.indirect.scatter.add.f32 [tilespmem:s20], [sflag:$0x4], $0x80, s5, s19, $0xb8;
	[tilespmem:$0x1E800] =	vst v63  }
0x8b: {  	_ =	swait.ge [sflag:s24], $0x4000  }
0x8c: {  	[sflag:s24] =	ssyncset.done $0x0  }
0x8d: {  	[sflag:s24] =	ssyncadd.s32 $0xFFFFC000  }
0x8e: {  	_ =	swait.ge [sflag:s30], $0x4000  }
0x8f: {  	[sflag:s30] =	ssyncset.done $0x0  }
0x90: {  	s8 =	simm.s32 $0x0;
	s10 =	rddreg [dreg:$0x6];
	[sflag:s30] =	ssyncadd.s32 $0xFFFFC000  }
0x91: {  	[tilespmem:s8], [sflag:$0x5] =	stream.linear.gather [hbm4b:s10+s8], $0x1400, $0x38;
	[tilespmem:$0x1E800] =	vst v63  }
0x92: {  	_ =	swait.ge [sflag:s14], $0x1400  }
0x93: {  	[sflag:s14] =	ssyncset.done $0x0  }
0x94: {  	s10 =	rddreg [dreg:$0x7];
	[sflag:s14] =	ssyncadd.s32 $0xFFFFEC00  }
0x95: {  	[tilespmem:s15], [sflag:$0x5] =	stream.linear.gather [hbm4b:s10+s8], $0x1400, $0x38;
	[tilespmem:$0x1E800] =	vst v63  }
0x96: {  	_ =	swait.ge [sflag:s14], $0x1400  }
0x97: {  	[sflag:s14] =	ssyncset.done $0x0  }
0x98: {  	[sflag:s14] =	ssyncadd.s32 $0xFFFFEC00  }
0x99: {  	[tilespmem:s17], [sflag:$0x1] =	stream.indirect.gather [hbm4b:s4+s16], $0x80, s8, s16, $0xb8;
	[tilespmem:$0x1E800] =	vst v63  }
0x9a: {  	_ = 	snop  }
0x9b: {  	[tilespmem:s18], [sflag:$0x1] =	stream.indirect.gather [hbm4b:s4+s16], $0x80, s16, s16, $0xb8;
	[tilespmem:$0x1E800] =	vst v63  }
0x9c: {  	_ = 	snop  }
0x9d: {  	[tilespmem:s20], [sflag:$0x2] =	stream.indirect.gather [hbm4b:s4+s16], $0x80, s19, s16, $0xb8;
	[tilespmem:$0x1E800] =	vst v63  }
0x9e: {  	_ = 	snop  }
0x9f: {  	[tilespmem:s22], [sflag:$0x2] =	stream.indirect.gather [hbm4b:s4+s16], $0x80, s21, s16, $0xb8;
	[tilespmem:$0x1E800] =	vst v63  }
0xa0: {  	_ =	swait.ge [sflag:s23], $0x2000  }
0xa1: {  	[sflag:s23] =	ssyncset.done $0x0  }
0xa2: {  	[sflag:s23] =	ssyncadd.s32 $0xFFFFE000  }
0xa3: {  	_ =	swait.ge [sflag:s23], $0x2000  }
0xa4: {  	[sflag:s23] =	ssyncset.done $0x0  }
0xa5: {  	[sflag:s23] =	ssyncadd.s32 $0xFFFFE000  }
0xa6: {  	[spmem:s2] =	stream.indirect.scatter.add.f32 [tilespmem:s17], [sflag:$0x3], $0x80, s15, s19, $0xb8;
	[tilespmem:$0x1E800] =	vst v63  }
0xa7: {  	_ =	swait.ge [sflag:s24], $0x4000  }
0xa8: {  	[sflag:s24] =	ssyncset.done $0x0  }
0xa9: {  	[sflag:s24] =	ssyncadd.s32 $0xFFFFC000  }
0xaa: {  	[tilespmem:s17], [sflag:$0x1] =	stream.indirect.gather [hbm4b:s4+s16], $0x80, s25, s16, $0xb8;
	[tilespmem:$0x1E800] =	vst v63  }
0xab: {  	_ = 	snop  }
0xac: {  	[tilespmem:s18], [sflag:$0x1] =	stream.indirect.gather [hbm4b:s4+s16], $0x80, s26, s16, $0xb8;
	[tilespmem:$0x1E800] =	vst v63  }
0xad: {  	_ =	swait.ge [sflag:s28], $0x2000  }
0xae: {  	[sflag:s28] =	ssyncset.done $0x0  }
0xaf: {  	[sflag:s28] =	ssyncadd.s32 $0xFFFFE000  }
0xb0: {  	_ =	swait.ge [sflag:s28], $0x2000  }
0xb1: {  	[sflag:s28] =	ssyncset.done $0x0  }
0xb2: {  	[sflag:s28] =	ssyncadd.s32 $0xFFFFE000  }
0xb3: {  	[spmem:s2] =	stream.indirect.scatter.add.f32 [tilespmem:s20], [sflag:$0x4], $0x80, s29, s19, $0xb8;
	[tilespmem:$0x1E800] =	vst v63  }
0xb4: {  	_ =	swait.ge [sflag:s30], $0x4000  }
0xb5: {  	[sflag:s30] =	ssyncset.done $0x0  }
0xb6: {  	s10 =	simm.s32 $0x180;
	[sflag:s30] =	ssyncadd.s32 $0xFFFFC000  }
0xb7: {  	[tilespmem:s20], [sflag:$0x2] =	stream.indirect.gather [hbm4b:s4+s16], $0x80, s10, s16, $0xb8;
	[tilespmem:$0x1E800] =	vst v63  }
0xb8: {  	s9 =	simm.s32 $0x1C0  }
0xb9: {  	[tilespmem:s22], [sflag:$0x2] =	stream.indirect.gather [hbm4b:s4+s16], $0x80, s9, s16, $0xb8;
	[tilespmem:$0x1E800] =	vst v63  }
0xba: {  	_ =	swait.ge [sflag:s23], $0x2000  }
0xbb: {  	[sflag:s23] =	ssyncset.done $0x0  }
0xbc: {  	[sflag:s23] =	ssyncadd.s32 $0xFFFFE000  }
0xbd: {  	_ =	swait.ge [sflag:s23], $0x2000  }
0xbe: {  	[sflag:s23] =	ssyncset.done $0x0  }
0xbf: {  	s10 =	simm.s32 $0x1500;
	[sflag:s23] =	ssyncadd.s32 $0xFFFFE000  }
0xc0: {  	[spmem:s2] =	stream.indirect.scatter.add.f32 [tilespmem:s17], [sflag:$0x3], $0x80, s10, s19, $0xb8;
	[tilespmem:$0x1E800] =	vst v63  }
0xc1: {  	_ =	swait.ge [sflag:s24], $0x4000  }
0xc2: {  	[sflag:s24] =	ssyncset.done $0x0  }
0xc3: {  	s9 =	simm.s32 $0x200;
	[sflag:s24] =	ssyncadd.s32 $0xFFFFC000  }
0xc4: {  	[tilespmem:s17], [sflag:$0x1] =	stream.indirect.gather [hbm4b:s4+s16], $0x80, s9, s16, $0xb8;
	[tilespmem:$0x1E800] =	vst v63  }
0xc5: {  	s10 =	simm.s32 $0x240  }
0xc6: {  	[tilespmem:s18], [sflag:$0x1] =	stream.indirect.gather [hbm4b:s4+s16], $0x80, s10, s16, $0xb8;
	[tilespmem:$0x1E800] =	vst v63  }
0xc7: {  	_ =	swait.ge [sflag:s28], $0x2000  }
0xc8: {  	[sflag:s28] =	ssyncset.done $0x0  }
0xc9: {  	[sflag:s28] =	ssyncadd.s32 $0xFFFFE000  }
0xca: {  	_ =	swait.ge [sflag:s28], $0x2000  }
0xcb: {  	[sflag:s28] =	ssyncset.done $0x0  }
0xcc: {  	s8 =	simm.s32 $0x400;
	s9 =	simm.s32 $0x1580;
	[sflag:s28] =	ssyncadd.s32 $0xFFFFE000  }
.LBB2_4:
0xcd: {  	[spmem:s2] =	stream.indirect.scatter.add.f32 [tilespmem:s20], [sflag:$0x4], $0x80, s9, s19, $0xb8;
	[tilespmem:$0x1E800] =	vst v63  }
0xce: {  	s9 =	smov.u32 s8  }
0xcf: {  	p0 =	sne.s32 s8, $0x4400;
	s8 =	sadd.s32 $0x400, s8;
	_ =	swait.ge [sflag:s30], $0x4000  }
0xd0: {  	s9 =	sshra.s32 s9, $0x2;
	[sflag:s30] =	ssyncset.done $0x0  }
0xd1: {  	s10 =	sadd.s32 $0x180, s9;
	[sflag:s30] =	ssyncadd.s32 $0xFFFFC000  }
0xd2: {  	[tilespmem:s20], [sflag:$0x2] =	stream.indirect.gather [hbm4b:s4+s16], $0x80, s10, s16, $0xb8;
	[tilespmem:$0x1E800] =	vst v63  }
0xd3: {  	s10 =	sadd.s32 $0x1C0, s9  }
0xd4: {  	[tilespmem:s22], [sflag:$0x2] =	stream.indirect.gather [hbm4b:s4+s16], $0x80, s10, s16, $0xb8;
	[tilespmem:$0x1E800] =	vst v63  }
0xd5: {  	_ =	swait.ge [sflag:s23], $0x2000  }
0xd6: {  	[sflag:s23] =	ssyncset.done $0x0  }
0xd7: {  	[sflag:s23] =	ssyncadd.s32 $0xFFFFE000  }
0xd8: {  	_ =	swait.ge [sflag:s23], $0x2000  }
0xd9: {  	[sflag:s23] =	ssyncset.done $0x0  }
0xda: {  	s10 =	sadd.s32 $0x1500, s9;
	[sflag:s23] =	ssyncadd.s32 $0xFFFFE000  }
0xdb: {  	[spmem:s2] =	stream.indirect.scatter.add.f32 [tilespmem:s17], [sflag:$0x3], $0x80, s10, s19, $0xb8;
	[tilespmem:$0x1E800] =	vst v63  }
0xdc: {  	_ =	swait.ge [sflag:s24], $0x4000  }
0xdd: {  	[sflag:s24] =	ssyncset.done $0x0  }
0xde: {  	s10 =	sadd.s32 $0x200, s9;
	[sflag:s24] =	ssyncadd.s32 $0xFFFFC000  }
0xdf: {  	[tilespmem:s17], [sflag:$0x1] =	stream.indirect.gather [hbm4b:s4+s16], $0x80, s10, s16, $0xb8;
	[tilespmem:$0x1E800] =	vst v63  }
0xe0: {  	s10 =	sadd.s32 $0x240, s9  }
0xe1: {  	[tilespmem:s18], [sflag:$0x1] =	stream.indirect.gather [hbm4b:s4+s16], $0x80, s10, s16, $0xb8;
	[tilespmem:$0x1E800] =	vst v63  }
0xe2: {  	_ =	swait.ge [sflag:s28], $0x2000  }
.Ltmp1:
0xe3: {  	[sflag:s28] =	ssyncset.done $0x0;
	(pc) =	sbr.rel @p0 .LBB2_4-.Ltmp1, $4  }
0xe4: {  	[sflag:s28] =	ssyncadd.s32 $0xFFFFE000  }
0xe5: {  	_ =	swait.ge [sflag:s28], $0x2000  }
0xe6: {  	[sflag:s28] =	ssyncset.done $0x0  }
0xe7: {  	s9 =	sadd.s32 $0x1580, s9;
	[sflag:s28] =	ssyncadd.s32 $0xFFFFE000  }
0xe8: {  	[spmem:s2] =	stream.indirect.scatter.add.f32 [tilespmem:s20], [sflag:$0x4], $0x80, s9, s19, $0xb8;
	[tilespmem:$0x1E800] =	vst v63  }
0xe9: {  	_ =	swait.ge [sflag:s30], $0x4000  }
0xea: {  	[sflag:s30] =	ssyncset.done $0x0  }
0xeb: {  	[sflag:s30] =	ssyncadd.s32 $0xFFFFC000  }
0xec: {  	[tilespmem:s20], [sflag:$0x2] =	stream.indirect.gather [hbm4b:s4+s16], $0x80, s31, s16, $0xb8;
	[tilespmem:$0x1E800] =	vst v63  }
0xed: {  	_ = 	snop  }
0xee: {  	[tilespmem:s22], [sflag:$0x2] =	stream.indirect.gather [hbm4b:s4+s16], $0x80, s0, s16, $0xb8;
	[tilespmem:$0x1E800] =	vst v63  }
0xef: {  	_ =	swait.ge [sflag:s23], $0x2000  }
0xf0: {  	[sflag:s23] =	ssyncset.done $0x0  }
0xf1: {  	[sflag:s23] =	ssyncadd.s32 $0xFFFFE000  }
0xf2: {  	_ =	swait.ge [sflag:s23], $0x2000  }
0xf3: {  	[sflag:s23] =	ssyncset.done $0x0  }
0xf4: {  	[sflag:s23] =	ssyncadd.s32 $0xFFFFE000  }
0xf5: {  	[spmem:s2] =	stream.indirect.scatter.add.f32 [tilespmem:s17], [sflag:$0x3], $0x80, s1, s19, $0xb8;
	[tilespmem:$0x1E800] =	vst v63  }
0xf6: {  	_ =	swait.ge [sflag:s28], $0x2000  }
0xf7: {  	[sflag:s28] =	ssyncset.done $0x0  }
0xf8: {  	[sflag:s28] =	ssyncadd.s32 $0xFFFFE000  }
0xf9: {  	_ =	swait.ge [sflag:s28], $0x2000  }
0xfa: {  	[sflag:s28] =	ssyncset.done $0x0  }
0xfb: {  	[sflag:s28] =	ssyncadd.s32 $0xFFFFE000  }
0xfc: {  	[spmem:s2] =	stream.indirect.scatter.add.f32 [tilespmem:s20], [sflag:$0x4], $0x80, s5, s19, $0xb8;
	[tilespmem:$0x1E800] =	vst v63  }
0xfd: {  	_ =	swait.ge [sflag:s24], $0x4000  }
0xfe: {  	[sflag:s24] =	ssyncset.done $0x0  }
0xff: {  	[sflag:s24] =	ssyncadd.s32 $0xFFFFC000  }
0x100: {  	_ =	swait.ge [sflag:s30], $0x4000  }
0x101: {  	s7 =	sadd.s32 $0x1, s7;
	[sflag:s30] =	ssyncset.done $0x0  }
0x102: {  	p0 =	sne.s32 s7, s12;
	[sflag:s30] =	ssyncadd.s32 $0xFFFFC000  }
.Ltmp2:
0x103: {  	[bflag:$0x0] =	sbarrier.arrive $0xFFFF;
	(pc) =	sbr.rel @p0 .LBB2_1-.Ltmp2, $4  }
0x104: {  	[hbm:s11], [sflag:s6] =	dma.local [spmem:s13], $0x2800  }
0x105: {  	_ =	swait.ge [sflag:s14], $0x2800  }
0x106: {  	[sflag:s14] =	ssyncset.done $0x0  }
0x107: {  	[sflag:s14] =	ssyncadd.s32 $0xFFFFD800  }
0x108: {  	_ =	sfence.sel $0x180000  }
0x109: {  	[bflag:$0x0] =	sbarrier.arrive $0xFFFF  }
0x10a: {  	_ =	strace $0x90000047  }
0x10b: {  	s0 =	stileid.u32;
	[bflag:$0x2] =	sbarrier.arrive $0xFFFF  }
0x10c: {  	p0 =	sne.s32 s0, $0x0;
	s0 =	rddreg [dreg:$0x2]  }
0x10d: {  	s0 =	sadd.s32 @!p0 $0x100000, s0  }
0x10e: {  	[sflag:s0] =	ssyncadd.tile.s32 @!p0 $0x1;
	_ =	shalt  }
.Lfunc_end2:
_tile_overlayer_lowered:
.L_overlay_start_2:
0x10f: {  	(tag) =	ssettag $0x2  }
0x110: {  	s0 =	rddreg [dreg:$0x0];
	s2 =	stileid.u32  }
0x111: {  	s1 =	rddreg [dreg:$0x1];
	p0 =	sne.s32 s2, $0x0  }
0x112: {  	s3 =	rddreg [dreg:$0x2];
	[bflag:$0x3] =	sbarrier.arrive $0xFFFF;
	s2 =	simm.s32 @!p0 $0x1C05  }
0x113: {  	[timem:s3], [sflag:s2] =	dma.local @!p0 [hbm:s0], s1  }
0x114: {  	s0 =	simm.s32 @!p0 $0x5  }
0x115: {  	_ =	swait.ge @!p0 [sflag:s0], s1  }
0x116: {  	s1 =	ssub.s32 @!p0 $0x0, s1;
	[sflag:s0] =	ssyncset.done @!p0 $0x0  }
0x117: {  	[sflag:s0] =	ssyncadd.s32 @!p0 s1  }
0x118: {  	[bflag:$0x3] =	sbarrier.arrive $0xFFFF  }
0x119: {  	_ =	shalt  }

// kernel: kernel.9.cloned.1.call-start
scs
__scs_entry_jumppad:
0x0: {  	(pc) =	sbr.rel $0x88, $3  }
0x1: {  	(tag) =	ssettag $0x0;
	lr =	simm.s32 $0x1  }
0x2: {  	[smem:$0x3F8B] =	sst lr;
	_ =	strace $0xD0000000  }
0x3: {  	_ = 	snop  }
0x4: {  	_ = 	snop  }
0x5: {  	_ = 	snop  }
0x6: {  	_ = 	snop  }
0x7: {  	_ = 	snop  }
__scs_overlays_trampoline_lowered:
0x8: {  	[smem:$0x3F9A] =	sst s0  }
0x9: {  	[smem:$0x3F9B] =	sst s1  }
0xa: {  	[smem:$0x3F9C] =	sst s2  }
0xb: {  	[smem:$0x3F9D] =	sst s3  }
0xc: {  	[smem:$0x3F9E] =	sst s4  }
0xd: {  	[smem:$0x3F9F] =	sst s5  }
0xe: {  	[smem:$0x3FA0] =	sst s6  }
0xf: {  	[smem:$0x3FA1] =	sst s7  }
0x10: {  	[smem:$0x3FA2] =	sst s8  }
0x11: {  	[smem:$0x3FA3] =	sst s9;
	s0 =	simm.s32 @!p0 $0x0  }
0x12: {  	s1 =	sld [smem:$0x3F89];
	s0 =	simm.s32 @p0 $0x1  }
0x13: {  	[smem:$0x3FA4] =	sst s0;
	s0 =	simm.s32 @!p1 $0x0  }
0x14: {  	s2 =	sld [smem:$0x3F88];
	s0 =	simm.s32 @p1 $0x1  }
0x15: {  	[smem:$0x3FA5] =	sst s0;
	s0 =	simm.s32 @!p2 $0x0  }
0x16: {  	s3 =	sld [smem:$0x3FDB];
	s0 =	simm.s32 @p2 $0x1  }
0x17: {  	s4 =	simm.s32 $0x1BF5;
	[smem:$0x3FA7] =	sst s0  }
0x18: {  	s0 =	sld [smem:$0x3F8A];
	_ =	swait.ge [sflag:s4], $0x0  }
0x19: {  	s7 =	sld [smem:$0x3F8B]  }
0x1a: {  	s8 =	sadd.s32 $0xFFFFE003, lr  }
0x1b: {  	s9 =	sadd.s32 $0xFFFFFEF7, lr;
	s5 =	simm.s32 $0xFFFFFFFF;
	p2 =	slt.u32 s8, $0xFFFFF086  }
0x1c: {  	p1 =	slt.u32 s9, $0xF7A;
	s5 =	simm.s32 @!p2 $0x0  }
0x1d: {  	s5 =	simm.s32 @p1 $0x1;
	p0 =	seq.s32 s7, s2  }
0x1e: {  	s7 =	smul.u32 @!p0 $0xF7A, s2;
	p2 =	seq.s32 @!p0 s5, $0x0  }
0x1f: {  	s9 =	smul.u32 $0xF7A, s1;
	s8 =	simm.s32 @!p0 $0x1BF5;
	p2 =	por !p2, p0  }
0x20: {  	[sflag:s8] =	ssyncset.s32 @!p0 $0xFFFFF086;
	s6 =	sadd.s32 @!p0 s3, s7;
	s7 =	simm.s32 @!p0 $0x108  }
0x21: {  	s3 =	sadd.s32 s3, s9;
	s6 =	sadd.s32 @!p0 $0x88, s6;
	s7 =	simm.s32 @p2 $0x1082  }
0x22: {  	[simem:s7], [sflag:s8] =	dma.local @!p0 [hbm:s6], $0xF7A  }
0x23: {  	s9 =	sor.u32 $0xD0000000, s2;
	s6 =	simm.s32 $0x108;
	_ =	swait.ge @!p0 [sflag:s8], $0x0  }
0x24: {  	s3 =	sadd.s32 $0x88, s3;
	s6 =	simm.s32 @!p1 $0x1082;
	[sflag:s4] =	ssyncset.s32 $0xFFFFF086  }
0x25: {  	[simem:s6], [sflag:s4] =	dma.local [hbm:s3], $0xF7A  }
0x26: {  	[smem:$0x3F8B] =	sst s1;
	(tag) =	ssettag s2;
	_ =	strace s9  }
0x27: {  	s1 =	sld [smem:$0x3F9B]  }
0x28: {  	s2 =	sld [smem:$0x3F9C]  }
0x29: {  	s4 =	sld [smem:$0x3F9E]  }
0x2a: {  	p0 =	seq.s32 s5, $0x0;
	s5 =	sld [smem:$0x3F9F]  }
0x2b: {  	s6 =	sld [smem:$0x3FA0]  }
0x2c: {  	s7 =	sld [smem:$0x3FA1]  }
0x2d: {  	s3 =	simm.s32 $0x108;
	s8 =	sld [smem:$0x3FA2]  }
0x2e: {  	s3 =	simm.s32 @!p0 $0x1082;
	s9 =	sld [smem:$0x3FA3]  }
0x2f: {  	lr =	sadd.s32 s0, s3;
	s0 =	sld [smem:$0x3F9A]  }
0x30: {  	s3 =	sld [smem:$0x3F9D]  }
0x31: {  	[smem:$0x3FA6] =	sst s10  }
0x32: {  	s10 =	sld [smem:$0x3FA4];
	_ =	sdelay $0x3  }
0x33: {  	p0 =	seq.s32 s10, $0x1;
	s10 =	sld [smem:$0x3FA6];
	_ =	sdelay $0x3  }
0x34: {  	[smem:$0x3FA6] =	sst s10  }
0x35: {  	s10 =	sld [smem:$0x3FA5];
	_ =	sdelay $0x3  }
0x36: {  	p1 =	seq.s32 s10, $0x1;
	s10 =	sld [smem:$0x3FA6];
	_ =	sdelay $0x3  }
0x37: {  	[smem:$0x3FA6] =	sst s10  }
0x38: {  	s10 =	sld [smem:$0x3FA7]  }
0x39: {  	_ = 	snop;
	(pc) =	sbr.ind lr, $3  }
0x3a: {  	_ = 	snop  }
0x3b: {  	_ = 	snop  }
0x3c: {  	p2 =	seq.s32 s10, $0x1;
	s10 =	sld [smem:$0x3FA6]  }
0x3d: {  	_ =	shalt  }
0x3e: {  	_ =	shalt  }
0x3f: {  	_ =	shalt  }
0x40: {  	_ =	shalt  }
0x41: {  	_ =	shalt  }
0x42: {  	_ =	shalt  }
0x43: {  	_ =	shalt  }
0x44: {  	_ =	shalt  }
0x45: {  	_ =	shalt  }
0x46: {  	_ =	shalt  }
0x47: {  	_ =	shalt  }
0x48: {  	_ =	shalt  }
0x49: {  	_ =	shalt  }
0x4a: {  	_ =	shalt  }
0x4b: {  	_ =	shalt  }
0x4c: {  	_ =	shalt  }
0x4d: {  	_ =	shalt  }
0x4e: {  	_ =	shalt  }
0x4f: {  	_ =	shalt  }
0x50: {  	_ =	shalt  }
0x51: {  	_ =	shalt  }
0x52: {  	_ =	shalt  }
0x53: {  	_ =	shalt  }
0x54: {  	_ =	shalt  }
0x55: {  	_ =	shalt  }
0x56: {  	_ =	shalt  }
0x57: {  	_ =	shalt  }
0x58: {  	_ =	shalt  }
0x59: {  	_ =	shalt  }
0x5a: {  	_ =	shalt  }
0x5b: {  	_ =	shalt  }
0x5c: {  	_ =	shalt  }
0x5d: {  	_ =	shalt  }
0x5e: {  	_ =	shalt  }
0x5f: {  	_ =	shalt  }
0x60: {  	_ =	shalt  }
0x61: {  	_ =	shalt  }
0x62: {  	_ =	shalt  }
0x63: {  	_ =	shalt  }
0x64: {  	_ =	shalt  }
0x65: {  	_ =	shalt  }
0x66: {  	_ =	shalt  }
0x67: {  	_ =	shalt  }
0x68: {  	_ =	shalt  }
0x69: {  	_ =	shalt  }
0x6a: {  	_ =	shalt  }
0x6b: {  	_ =	shalt  }
0x6c: {  	_ =	shalt  }
0x6d: {  	_ =	shalt  }
0x6e: {  	_ =	shalt  }
0x6f: {  	_ =	shalt  }
0x70: {  	_ =	shalt  }
0x71: {  	_ =	shalt  }
0x72: {  	_ =	shalt  }
0x73: {  	_ =	shalt  }
0x74: {  	_ =	shalt  }
0x75: {  	_ =	shalt  }
0x76: {  	_ =	shalt  }
0x77: {  	_ =	shalt  }
0x78: {  	_ =	shalt  }
0x79: {  	_ =	shalt  }
0x7a: {  	_ =	shalt  }
0x7b: {  	_ =	shalt  }
0x7c: {  	_ =	shalt  }
0x7d: {  	_ =	shalt  }
0x7e: {  	_ =	shalt  }
0x7f: {  	_ =	shalt  }
0x80: {  	_ =	shalt  }
0x81: {  	_ =	shalt  }
0x82: {  	_ =	shalt  }
0x83: {  	_ =	shalt  }
0x84: {  	_ =	shalt  }
0x85: {  	_ =	shalt  }
0x86: {  	_ =	shalt  }
0x87: {  	_ =	shalt  }
.Lfunc_end0:
.L_simem_size_0:
called_computation.1_lowered:
.L_overlay_start_0:
0x88: {  	s2 =	sld [smem:$0x3FD9]  }
0x89: {  	s3 =	sld [smem:$0x3FFE];
	_ =	sdelay $0x1  }
0x8a: {  	s1 =	srdreg.scid  }
0x8b: {  	s0 =	sand.u32 $0x1, s1  }
0x8c: {  	s16 =	sshll.u32 s0, $0xA;
	s2 =	sadd.s32 s3, s2  }
0x8d: {  	s2 =	sadd.s32 s2, s16  }
0x8e: {  	[smem:$0x3FB2] =	sst s2  }
0x8f: {  	_ = 	snop  }
0x90: {  	(tm) =	ssettm $0x1  }
0x91: {  	s17 =	sld [smem:$0x3FFB];
	_ =	sdelay $0x3  }
0x92: {  	_ =	strace s17  }
0x93: {  	s2 =	sld [smem:$0x3FFC];
	_ =	sdelay $0x3  }
0x94: {  	_ =	strace s2  }
0x95: {  	s2 =	sld [smem:$0x3FFD];
	_ =	sdelay $0x3  }
0x96: {  	_ =	strace s2  }
0x97: {  	_ =	strace $0x8FFFFFFF  }
0x98: {  	s18 =	sld [smem:$0x3FDB];
	_ =	sdelay $0x1  }
0x99: {  	s19 =	simm.s32 $_scs_section_size  }
0x9a: {  	s4 =	simm.s32 $_size__tile_overlayer_lowered;
	s5 =	simm.s32 $_tile_overlayer_lowered  }
0x9b: {  	s22 =	simm.s32 $0x1BFF;
	s21 =	sshll.u32 s5, $0x1;
	s2 =	sadd.s32 s19, s18  }
0x9c: {  	s6 =	simm.s32 $0x0;
	s20 =	sshll.u32 s4, $0x1;
	s4 =	sadd.s32 s21, s2  }
0x9d: {  	[timem:s6], [sflag:s22] =	dma.local [hbm:s4], s20  }
0x9e: {  	_ =	swait.ge [sflag:s22], s20  }
0x9f: {  	s3 =	ssub.s32 $0x0, s20;
	[sflag:s22] =	ssyncset.done $0x0  }
0xa0: {  	[sflag:s22] =	ssyncadd.s32 s3;
	_ =	sdelay $0x1  }
0xa1: {  	s23 =	simm.s32 $0x1B8B  }
0xa2: {  	_ =	swait.ge [sflag:s23], $0x1  }
0xa3: {  	[sflag:s23] =	ssyncset.done $0x0  }
0xa4: {  	s25 =	simm.s32 $0x1B8E;
	s24 =	sld [smem:$0x3FFE];
	[sflag:s23] =	ssyncadd.s32 $0xFFFFFFFF  }
0xa5: {  	s26 =	simm.s32 $execute0_lowered;
	[smem:$0x3FD2] =	sst s25  }
0xa6: {  	s4 =	sshll.u32 s26, $0x1;
	_ =	strace $0x80000049;
	[dreg:$0x1] =	wrdreg $0xFFFFFFFF  }
0xa7: {  	s28 =	simm.s32 $_size_execute0_lowered;
	s2 =	sadd.s32 s2, s4;
	[dreg:$0x0] =	wrdreg $0x0  }
0xa8: {  	s4 =	sshll.u32 s28, $0x1;
	[dreg:$0x2] =	wrdreg s2  }
0xa9: {  	[dreg:$0x3] =	wrdreg s4  }
0xaa: {  	[dreg:$0x4] =	wrdreg $0xC0  }
0xab: {  	_ =	task [dreg:s6], $0x5FFFF  }
0xac: {  	[dreg:$0x1] =	wrdreg $0xFFFFFFFF  }
0xad: {  	[dreg:$0x0] =	wrdreg $0x60  }
0xae: {  	[dreg:$0x2] =	wrdreg s24  }
0xaf: {  	[dreg:$0x3] =	wrdreg $0x28000  }
0xb0: {  	[dreg:$0x4] =	wrdreg $0x9  }
0xb1: {  	_ =	task.clear_ibuf [dreg:s6], $0x5FFFF;
	_ =	strace $0x90000049  }
0xb2: {  	s29 =	simm.s32 $0x9;
	_ =	strace $0x8000004B  }
0xb3: {  	_ =	swait.ge [sflag:s29], $0x1  }
0xb4: {  	[sflag:s29] =	ssyncadd.s32 $0xFFFFFFFF  }
0xb5: {  	_ =	strace $0x9000004B  }
0xb6: {  	_ =	sfence  }
0xb7: {  	s30 =	sld [smem:$0x0];
	_ =	sdelay $0x2  }
0xb8: {  	s31 =	sshll.u32 s1, $0xD;
	s1 =	sshrl.u32 s1, $0x2  }
0xb9: {  	s3 =	sand.u32 $0x4000, s31;
	s1 =	sadd.s32 s1, s30  }
0xba: {  	s0 =	sor.u32 s3, s0;
	s1 =	sshll.u32 s1, $0x11  }
0xbb: {  	s0 =	sor.u32 s1, s0  }
0xbc: {  	s0 =	sadd.s32 $0x8F2B, s0  }
0xbd: {  	[sflag:s0] =	ssyncadd.remote.s32 $0x1  }
0xbe: {  	_ =	sfence.sel $0xFFFF  }
0xbf: {  	[dreg:$0x0] =	wrdreg $0xFFFFFFFF;
	(pc) =	sbr.abs _section_cstart, $3  }
0xc0: {  	[dreg:$0x1] =	wrdreg $0xFFFFFFFF  }
0xc1: {  	_ =	task.clear_ibuf [dreg:s6], $0x2FFFF;
	_ =	strace $0x9FFFFFFF  }
0xc2: {  	(tm) =	ssettm $0x7FFFFFFF  }
0xc3: {  	_ =	shalt  }
tec
execute0_lowered:
.L_overlay_start_1:
0x0: {  	(tag) =	ssettag $0x1  }
0x1: {  	s0 =	rddreg [dreg:$0x0]  }
0x2: {  	s2 =	rddreg [dreg:$0x1];
	s3 =	simm.s32 $0x0  }
0x3: {  	s12 =	stileid.u32;
	s1 =	srdreg.scid;
	s14 =	simm.s32 $0x5  }
0x4: {  	s15 =	simm.s32 $0x1400;
	s16 =	simm.s32 $0x40;
	s17 =	simm.s32 $0x16800  }
0x5: {  	s28 =	simm.s32 $0x2;
	s29 =	simm.s32 $0x1480;
	s30 =	simm.s32 $0x4  }
0x6: {  	s31 =	simm.s32 $0x1380;
	[smem:$0x7FF] =	sst s3;
	s5 =	smul.u32 $0x14000, s12  }
0x7: {  	s1 =	sand.u32 $0x1, s1;
	s4 =	sadd.s32 $0x17A00, s0;
	s7 =	sadd.s32 $0xDA00, s0  }
0x8: {  	s9 =	sadd.s32 $0x3A00, s0;
	s10 =	smul.u32 $0x50000, s12;
	s22 =	sshll.u32 s12, $0x6  }
0x9: {  	_ =	strace $0x8000004A;
	s6 =	smul.u32 $0x140000, s1;
	s18 =	sshll.u32 s1, $0x4  }
0xa: {  	s1 =	ssub.s32 $0x2, s1;
	s8 =	sshrl.u32 s5, $0x3;
	s19 =	sor.u32 s12, s18  }
0xb: {  	s20 =	sshrl.u32 s1, $0x1;
	s10 =	sshrl.u32 s10, $0x2;
	s18 =	simm.s32 $0x18800  }
0xc: {  	s8 =	sadd.s32 s8, s0;
	s5 =	sadd.s32 s5, s6;
	s11 =	smul.u32 $0x2800, s19  }
0xd: {  	s1 =	ssub.s32 s1, s20;
	s13 =	sadd.s32 s10, s2;
	s6 =	sor.u32 $0x1C05, s22  }
0xe: {  	s20 =	simm.s32 $0x1A800;
	s22 =	simm.s32 $0x1C800;
	s5 =	sshrl.u32 s5, $0x3  }
0xf: {  	s21 =	sadd.s32 $0x3FA00, s8;
	s12 =	smax.u32 s1, $0x1;
	s13 =	sshrl.u32 s13, $0x3  }
0x10: {  	s1 =	simm.s32 $0x2700;
	s0 =	sadd.s32 s5, s0;
	s5 =	smul.u32 $0x500, s19  }
0x11: {  	[dreg:$0x3] =	wrdreg s21;
	s23 =	sshrl.u32 s11, $0x3;
	s19 =	simm.s32 $0x80  }
0x12: {  	s21 =	simm.s32 $0xC0;
	s8 =	sadd.s32 $0x280, s23;
	s24 =	sadd.s32 s7, s5  }
0x13: {  	s11 =	sadd.s32 $0x67A00, s0;
	s5 =	sadd.s32 s9, s5;
	[dreg:$0x4] =	wrdreg s24  }
0x14: {  	s23 =	simm.s32 $0x1;
	s25 =	sadd.s32 s7, s8;
	[dreg:$0x5] =	wrdreg s5  }
0x15: {  	s0 =	simm.s32 $0x13C0;
	s26 =	sadd.s32 s9, s8;
	[dreg:$0x6] =	wrdreg s25  }
0x16: {  	s7 =	simm.s32 $0x0;
	[dreg:$0x7] =	wrdreg s26;
	s24 =	simm.s32 $0x3  }
0x17: {  	s25 =	simm.s32 $0x100;
	s26 =	simm.s32 $0x140;
	s5 =	simm.s32 $0x2780  }
.LBB2_1:
0x18: {  	s8 =	rddreg [dreg:$0x3]  }
0x19: {  	[spmem:s13], [sflag:s6] =	dma.local [hbm:s8], $0x2800  }
0x1a: {  	_ =	swait.ge [sflag:s14], $0x2800  }
0x1b: {  	[sflag:s14] =	ssyncset.done $0x0  }
0x1c: {  	[sflag:s14] =	ssyncadd.s32 $0xFFFFD800  }
0x1d: {  	[bflag:$0x0] =	sbarrier.arrive $0xFFFF  }
0x1e: {  	s10 =	rddreg [dreg:$0x4]  }
0x1f: {  	[tilespmem:s3], [sflag:$0x5] =	stream.linear.gather [hbm4b:s10+s3], $0x1400, $0x38;
	[tilespmem:$0x1E800] =	vst v63  }
0x20: {  	_ =	swait.ge [sflag:s14], $0x1400  }
0x21: {  	[sflag:s14] =	ssyncset.done $0x0  }
0x22: {  	s9 =	rddreg [dreg:$0x5];
	[sflag:s14] =	ssyncadd.s32 $0xFFFFEC00  }
0x23: {  	[tilespmem:s15], [sflag:$0x5] =	stream.linear.gather [hbm4b:s9+s3], $0x1400, $0x38;
	[tilespmem:$0x1E800] =	vst v63  }
0x24: {  	_ =	swait.ge [sflag:s14], $0x1400  }
0x25: {  	[sflag:s14] =	ssyncset.done $0x0  }
0x26: {  	[sflag:s14] =	ssyncadd.s32 $0xFFFFEC00  }
0x27: {  	[tilespmem:s17], [sflag:$0x1] =	stream.indirect.gather [hbm4b:s4+s16], $0x80, s3, s16, $0xb8;
	[tilespmem:$0x1E800] =	vst v63  }
0x28: {  	_ = 	snop  }
0x29: {  	[tilespmem:s18], [sflag:$0x1] =	stream.indirect.gather [hbm4b:s4+s16], $0x80, s16, s16, $0xb8;
	[tilespmem:$0x1E800] =	vst v63  }
0x2a: {  	_ = 	snop  }
0x2b: {  	[tilespmem:s20], [sflag:$0x2] =	stream.indirect.gather [hbm4b:s4+s16], $0x80, s19, s16, $0xb8;
	[tilespmem:$0x1E800] =	vst v63  }
0x2c: {  	_ = 	snop  }
0x2d: {  	[tilespmem:s22], [sflag:$0x2] =	stream.indirect.gather [hbm4b:s4+s16], $0x80, s21, s16, $0xb8;
	[tilespmem:$0x1E800] =	vst v63  }
0x2e: {  	_ =	swait.ge [sflag:s23], $0x2000  }
0x2f: {  	[sflag:s23] =	ssyncset.done $0x0  }
0x30: {  	[sflag:s23] =	ssyncadd.s32 $0xFFFFE000  }
0x31: {  	_ =	swait.ge [sflag:s23], $0x2000  }
0x32: {  	[sflag:s23] =	ssyncset.done $0x0  }
0x33: {  	[sflag:s23] =	ssyncadd.s32 $0xFFFFE000  }
0x34: {  	[spmem:s2] =	stream.indirect.scatter.add.f32 [tilespmem:s17], [sflag:$0x3], $0x80, s15, s19, $0xb8;
	[tilespmem:$0x1E800] =	vst v63  }
0x35: {  	_ =	swait.ge [sflag:s24], $0x4000  }
0x36: {  	[sflag:s24] =	ssyncset.done $0x0  }
0x37: {  	[sflag:s24] =	ssyncadd.s32 $0xFFFFC000  }
0x38: {  	[tilespmem:s17], [sflag:$0x1] =	stream.indirect.gather [hbm4b:s4+s16], $0x80, s25, s16, $0xb8;
	[tilespmem:$0x1E800] =	vst v63  }
0x39: {  	_ = 	snop  }
0x3a: {  	[tilespmem:s18], [sflag:$0x1] =	stream.indirect.gather [hbm4b:s4+s16], $0x80, s26, s16, $0xb8;
	[tilespmem:$0x1E800] =	vst v63  }
0x3b: {  	_ =	swait.ge [sflag:s28], $0x2000  }
0x3c: {  	[sflag:s28] =	ssyncset.done $0x0  }
0x3d: {  	[sflag:s28] =	ssyncadd.s32 $0xFFFFE000  }
0x3e: {  	_ =	swait.ge [sflag:s28], $0x2000  }
0x3f: {  	[sflag:s28] =	ssyncset.done $0x0  }
0x40: {  	[sflag:s28] =	ssyncadd.s32 $0xFFFFE000  }
0x41: {  	[spmem:s2] =	stream.indirect.scatter.add.f32 [tilespmem:s20], [sflag:$0x4], $0x80, s29, s19, $0xb8;
	[tilespmem:$0x1E800] =	vst v63  }
0x42: {  	_ =	swait.ge [sflag:s30], $0x4000  }
0x43: {  	[sflag:s30] =	ssyncset.done $0x0  }
0x44: {  	s10 =	simm.s32 $0x180;
	[sflag:s30] =	ssyncadd.s32 $0xFFFFC000  }
0x45: {  	[tilespmem:s20], [sflag:$0x2] =	stream.indirect.gather [hbm4b:s4+s16], $0x80, s10, s16, $0xb8;
	[tilespmem:$0x1E800] =	vst v63  }
0x46: {  	s9 =	simm.s32 $0x1C0  }
0x47: {  	[tilespmem:s22], [sflag:$0x2] =	stream.indirect.gather [hbm4b:s4+s16], $0x80, s9, s16, $0xb8;
	[tilespmem:$0x1E800] =	vst v63  }
0x48: {  	_ =	swait.ge [sflag:s23], $0x2000  }
0x49: {  	[sflag:s23] =	ssyncset.done $0x0  }
0x4a: {  	[sflag:s23] =	ssyncadd.s32 $0xFFFFE000  }
0x4b: {  	_ =	swait.ge [sflag:s23], $0x2000  }
0x4c: {  	[sflag:s23] =	ssyncset.done $0x0  }
0x4d: {  	s10 =	simm.s32 $0x1500;
	[sflag:s23] =	ssyncadd.s32 $0xFFFFE000  }
0x4e: {  	[spmem:s2] =	stream.indirect.scatter.add.f32 [tilespmem:s17], [sflag:$0x3], $0x80, s10, s19, $0xb8;
	[tilespmem:$0x1E800] =	vst v63  }
0x4f: {  	_ =	swait.ge [sflag:s24], $0x4000  }
0x50: {  	[sflag:s24] =	ssyncset.done $0x0  }
0x51: {  	s9 =	simm.s32 $0x200;
	[sflag:s24] =	ssyncadd.s32 $0xFFFFC000  }
0x52: {  	[tilespmem:s17], [sflag:$0x1] =	stream.indirect.gather [hbm4b:s4+s16], $0x80, s9, s16, $0xb8;
	[tilespmem:$0x1E800] =	vst v63  }
0x53: {  	s10 =	simm.s32 $0x240  }
0x54: {  	[tilespmem:s18], [sflag:$0x1] =	stream.indirect.gather [hbm4b:s4+s16], $0x80, s10, s16, $0xb8;
	[tilespmem:$0x1E800] =	vst v63  }
0x55: {  	_ =	swait.ge [sflag:s28], $0x2000  }
0x56: {  	[sflag:s28] =	ssyncset.done $0x0  }
0x57: {  	[sflag:s28] =	ssyncadd.s32 $0xFFFFE000  }
0x58: {  	_ =	swait.ge [sflag:s28], $0x2000  }
0x59: {  	[sflag:s28] =	ssyncset.done $0x0  }
0x5a: {  	s8 =	simm.s32 $0x400;
	s9 =	simm.s32 $0x1580;
	[sflag:s28] =	ssyncadd.s32 $0xFFFFE000  }
.LBB2_2:
0x5b: {  	[spmem:s2] =	stream.indirect.scatter.add.f32 [tilespmem:s20], [sflag:$0x4], $0x80, s9, s19, $0xb8;
	[tilespmem:$0x1E800] =	vst v63  }
0x5c: {  	s9 =	smov.u32 s8  }
0x5d: {  	p0 =	sne.s32 s8, $0x4400;
	s8 =	sadd.s32 $0x400, s8;
	_ =	swait.ge [sflag:s30], $0x4000  }
0x5e: {  	s9 =	sshra.s32 s9, $0x2;
	[sflag:s30] =	ssyncset.done $0x0  }
0x5f: {  	s10 =	sadd.s32 $0x180, s9;
	[sflag:s30] =	ssyncadd.s32 $0xFFFFC000  }
0x60: {  	[tilespmem:s20], [sflag:$0x2] =	stream.indirect.gather [hbm4b:s4+s16], $0x80, s10, s16, $0xb8;
	[tilespmem:$0x1E800] =	vst v63  }
0x61: {  	s10 =	sadd.s32 $0x1C0, s9  }
0x62: {  	[tilespmem:s22], [sflag:$0x2] =	stream.indirect.gather [hbm4b:s4+s16], $0x80, s10, s16, $0xb8;
	[tilespmem:$0x1E800] =	vst v63  }
0x63: {  	_ =	swait.ge [sflag:s23], $0x2000  }
0x64: {  	[sflag:s23] =	ssyncset.done $0x0  }
0x65: {  	[sflag:s23] =	ssyncadd.s32 $0xFFFFE000  }
0x66: {  	_ =	swait.ge [sflag:s23], $0x2000  }
0x67: {  	[sflag:s23] =	ssyncset.done $0x0  }
0x68: {  	s10 =	sadd.s32 $0x1500, s9;
	[sflag:s23] =	ssyncadd.s32 $0xFFFFE000  }
0x69: {  	[spmem:s2] =	stream.indirect.scatter.add.f32 [tilespmem:s17], [sflag:$0x3], $0x80, s10, s19, $0xb8;
	[tilespmem:$0x1E800] =	vst v63  }
0x6a: {  	_ =	swait.ge [sflag:s24], $0x4000  }
0x6b: {  	[sflag:s24] =	ssyncset.done $0x0  }
0x6c: {  	s10 =	sadd.s32 $0x200, s9;
	[sflag:s24] =	ssyncadd.s32 $0xFFFFC000  }
0x6d: {  	[tilespmem:s17], [sflag:$0x1] =	stream.indirect.gather [hbm4b:s4+s16], $0x80, s10, s16, $0xb8;
	[tilespmem:$0x1E800] =	vst v63  }
0x6e: {  	s10 =	sadd.s32 $0x240, s9  }
0x6f: {  	[tilespmem:s18], [sflag:$0x1] =	stream.indirect.gather [hbm4b:s4+s16], $0x80, s10, s16, $0xb8;
	[tilespmem:$0x1E800] =	vst v63  }
0x70: {  	_ =	swait.ge [sflag:s28], $0x2000  }
.Ltmp0:
0x71: {  	[sflag:s28] =	ssyncset.done $0x0;
	(pc) =	sbr.rel @p0 .LBB2_2-.Ltmp0, $4  }
0x72: {  	[sflag:s28] =	ssyncadd.s32 $0xFFFFE000  }
0x73: {  	_ =	swait.ge [sflag:s28], $0x2000  }
0x74: {  	[sflag:s28] =	ssyncset.done $0x0  }
0x75: {  	s9 =	sadd.s32 $0x1580, s9;
	[sflag:s28] =	ssyncadd.s32 $0xFFFFE000  }
0x76: {  	[spmem:s2] =	stream.indirect.scatter.add.f32 [tilespmem:s20], [sflag:$0x4], $0x80, s9, s19, $0xb8;
	[tilespmem:$0x1E800] =	vst v63  }
0x77: {  	_ =	swait.ge [sflag:s30], $0x4000  }
0x78: {  	[sflag:s30] =	ssyncset.done $0x0  }
0x79: {  	[sflag:s30] =	ssyncadd.s32 $0xFFFFC000  }
0x7a: {  	[tilespmem:s20], [sflag:$0x2] =	stream.indirect.gather [hbm4b:s4+s16], $0x80, s31, s16, $0xb8;
	[tilespmem:$0x1E800] =	vst v63  }
0x7b: {  	_ = 	snop  }
0x7c: {  	[tilespmem:s22], [sflag:$0x2] =	stream.indirect.gather [hbm4b:s4+s16], $0x80, s0, s16, $0xb8;
	[tilespmem:$0x1E800] =	vst v63  }
0x7d: {  	_ =	swait.ge [sflag:s23], $0x2000  }
0x7e: {  	[sflag:s23] =	ssyncset.done $0x0  }
0x7f: {  	[sflag:s23] =	ssyncadd.s32 $0xFFFFE000  }
0x80: {  	_ =	swait.ge [sflag:s23], $0x2000  }
0x81: {  	[sflag:s23] =	ssyncset.done $0x0  }
0x82: {  	[sflag:s23] =	ssyncadd.s32 $0xFFFFE000  }
0x83: {  	[spmem:s2] =	stream.indirect.scatter.add.f32 [tilespmem:s17], [sflag:$0x3], $0x80, s1, s19, $0xb8;
	[tilespmem:$0x1E800] =	vst v63  }
0x84: {  	_ =	swait.ge [sflag:s28], $0x2000  }
0x85: {  	[sflag:s28] =	ssyncset.done $0x0  }
0x86: {  	[sflag:s28] =	ssyncadd.s32 $0xFFFFE000  }
0x87: {  	_ =	swait.ge [sflag:s28], $0x2000  }
0x88: {  	[sflag:s28] =	ssyncset.done $0x0  }
0x89: {  	[sflag:s28] =	ssyncadd.s32 $0xFFFFE000  }
0x8a: {  	[spmem:s2] =	stream.indirect.scatter.add.f32 [tilespmem:s20], [sflag:$0x4], $0x80, s5, s19, $0xb8;
	[tilespmem:$0x1E800] =	vst v63  }
0x8b: {  	_ =	swait.ge [sflag:s24], $0x4000  }
0x8c: {  	[sflag:s24] =	ssyncset.done $0x0  }
0x8d: {  	[sflag:s24] =	ssyncadd.s32 $0xFFFFC000  }
0x8e: {  	_ =	swait.ge [sflag:s30], $0x4000  }
0x8f: {  	[sflag:s30] =	ssyncset.done $0x0  }
0x90: {  	s8 =	simm.s32 $0x0;
	s10 =	rddreg [dreg:$0x6];
	[sflag:s30] =	ssyncadd.s32 $0xFFFFC000  }
0x91: {  	[tilespmem:s8], [sflag:$0x5] =	stream.linear.gather [hbm4b:s10+s8], $0x1400, $0x38;
	[tilespmem:$0x1E800] =	vst v63  }
0x92: {  	_ =	swait.ge [sflag:s14], $0x1400  }
0x93: {  	[sflag:s14] =	ssyncset.done $0x0  }
0x94: {  	s10 =	rddreg [dreg:$0x7];
	[sflag:s14] =	ssyncadd.s32 $0xFFFFEC00  }
0x95: {  	[tilespmem:s15], [sflag:$0x5] =	stream.linear.gather [hbm4b:s10+s8], $0x1400, $0x38;
	[tilespmem:$0x1E800] =	vst v63  }
0x96: {  	_ =	swait.ge [sflag:s14], $0x1400  }
0x97: {  	[sflag:s14] =	ssyncset.done $0x0  }
0x98: {  	[sflag:s14] =	ssyncadd.s32 $0xFFFFEC00  }
0x99: {  	[tilespmem:s17], [sflag:$0x1] =	stream.indirect.gather [hbm4b:s4+s16], $0x80, s8, s16, $0xb8;
	[tilespmem:$0x1E800] =	vst v63  }
0x9a: {  	_ = 	snop  }
0x9b: {  	[tilespmem:s18], [sflag:$0x1] =	stream.indirect.gather [hbm4b:s4+s16], $0x80, s16, s16, $0xb8;
	[tilespmem:$0x1E800] =	vst v63  }
0x9c: {  	_ = 	snop  }
0x9d: {  	[tilespmem:s20], [sflag:$0x2] =	stream.indirect.gather [hbm4b:s4+s16], $0x80, s19, s16, $0xb8;
	[tilespmem:$0x1E800] =	vst v63  }
0x9e: {  	_ = 	snop  }
0x9f: {  	[tilespmem:s22], [sflag:$0x2] =	stream.indirect.gather [hbm4b:s4+s16], $0x80, s21, s16, $0xb8;
	[tilespmem:$0x1E800] =	vst v63  }
0xa0: {  	_ =	swait.ge [sflag:s23], $0x2000  }
0xa1: {  	[sflag:s23] =	ssyncset.done $0x0  }
0xa2: {  	[sflag:s23] =	ssyncadd.s32 $0xFFFFE000  }
0xa3: {  	_ =	swait.ge [sflag:s23], $0x2000  }
0xa4: {  	[sflag:s23] =	ssyncset.done $0x0  }
0xa5: {  	[sflag:s23] =	ssyncadd.s32 $0xFFFFE000  }
0xa6: {  	[spmem:s2] =	stream.indirect.scatter.add.f32 [tilespmem:s17], [sflag:$0x3], $0x80, s15, s19, $0xb8;
	[tilespmem:$0x1E800] =	vst v63  }
0xa7: {  	_ =	swait.ge [sflag:s24], $0x4000  }
0xa8: {  	[sflag:s24] =	ssyncset.done $0x0  }
0xa9: {  	[sflag:s24] =	ssyncadd.s32 $0xFFFFC000  }
0xaa: {  	[tilespmem:s17], [sflag:$0x1] =	stream.indirect.gather [hbm4b:s4+s16], $0x80, s25, s16, $0xb8;
	[tilespmem:$0x1E800] =	vst v63  }
0xab: {  	_ = 	snop  }
0xac: {  	[tilespmem:s18], [sflag:$0x1] =	stream.indirect.gather [hbm4b:s4+s16], $0x80, s26, s16, $0xb8;
	[tilespmem:$0x1E800] =	vst v63  }
0xad: {  	_ =	swait.ge [sflag:s28], $0x2000  }
0xae: {  	[sflag:s28] =	ssyncset.done $0x0  }
0xaf: {  	[sflag:s28] =	ssyncadd.s32 $0xFFFFE000  }
0xb0: {  	_ =	swait.ge [sflag:s28], $0x2000  }
0xb1: {  	[sflag:s28] =	ssyncset.done $0x0  }
0xb2: {  	[sflag:s28] =	ssyncadd.s32 $0xFFFFE000  }
0xb3: {  	[spmem:s2] =	stream.indirect.scatter.add.f32 [tilespmem:s20], [sflag:$0x4], $0x80, s29, s19, $0xb8;
	[tilespmem:$0x1E800] =	vst v63  }
0xb4: {  	_ =	swait.ge [sflag:s30], $0x4000  }
0xb5: {  	[sflag:s30] =	ssyncset.done $0x0  }
0xb6: {  	s10 =	simm.s32 $0x180;
	[sflag:s30] =	ssyncadd.s32 $0xFFFFC000  }
0xb7: {  	[tilespmem:s20], [sflag:$0x2] =	stream.indirect.gather [hbm4b:s4+s16], $0x80, s10, s16, $0xb8;
	[tilespmem:$0x1E800] =	vst v63  }
0xb8: {  	s9 =	simm.s32 $0x1C0  }
0xb9: {  	[tilespmem:s22], [sflag:$0x2] =	stream.indirect.gather [hbm4b:s4+s16], $0x80, s9, s16, $0xb8;
	[tilespmem:$0x1E800] =	vst v63  }
0xba: {  	_ =	swait.ge [sflag:s23], $0x2000  }
0xbb: {  	[sflag:s23] =	ssyncset.done $0x0  }
0xbc: {  	[sflag:s23] =	ssyncadd.s32 $0xFFFFE000  }
0xbd: {  	_ =	swait.ge [sflag:s23], $0x2000  }
0xbe: {  	[sflag:s23] =	ssyncset.done $0x0  }
0xbf: {  	s10 =	simm.s32 $0x1500;
	[sflag:s23] =	ssyncadd.s32 $0xFFFFE000  }
0xc0: {  	[spmem:s2] =	stream.indirect.scatter.add.f32 [tilespmem:s17], [sflag:$0x3], $0x80, s10, s19, $0xb8;
	[tilespmem:$0x1E800] =	vst v63  }
0xc1: {  	_ =	swait.ge [sflag:s24], $0x4000  }
0xc2: {  	[sflag:s24] =	ssyncset.done $0x0  }
0xc3: {  	s9 =	simm.s32 $0x200;
	[sflag:s24] =	ssyncadd.s32 $0xFFFFC000  }
0xc4: {  	[tilespmem:s17], [sflag:$0x1] =	stream.indirect.gather [hbm4b:s4+s16], $0x80, s9, s16, $0xb8;
	[tilespmem:$0x1E800] =	vst v63  }
0xc5: {  	s10 =	simm.s32 $0x240  }
0xc6: {  	[tilespmem:s18], [sflag:$0x1] =	stream.indirect.gather [hbm4b:s4+s16], $0x80, s10, s16, $0xb8;
	[tilespmem:$0x1E800] =	vst v63  }
0xc7: {  	_ =	swait.ge [sflag:s28], $0x2000  }
0xc8: {  	[sflag:s28] =	ssyncset.done $0x0  }
0xc9: {  	[sflag:s28] =	ssyncadd.s32 $0xFFFFE000  }
0xca: {  	_ =	swait.ge [sflag:s28], $0x2000  }
0xcb: {  	[sflag:s28] =	ssyncset.done $0x0  }
0xcc: {  	s8 =	simm.s32 $0x400;
	s9 =	simm.s32 $0x1580;
	[sflag:s28] =	ssyncadd.s32 $0xFFFFE000  }
.LBB2_4:
0xcd: {  	[spmem:s2] =	stream.indirect.scatter.add.f32 [tilespmem:s20], [sflag:$0x4], $0x80, s9, s19, $0xb8;
	[tilespmem:$0x1E800] =	vst v63  }
0xce: {  	s9 =	smov.u32 s8  }
0xcf: {  	p0 =	sne.s32 s8, $0x4400;
	s8 =	sadd.s32 $0x400, s8;
	_ =	swait.ge [sflag:s30], $0x4000  }
0xd0: {  	s9 =	sshra.s32 s9, $0x2;
	[sflag:s30] =	ssyncset.done $0x0  }
0xd1: {  	s10 =	sadd.s32 $0x180, s9;
	[sflag:s30] =	ssyncadd.s32 $0xFFFFC000  }
0xd2: {  	[tilespmem:s20], [sflag:$0x2] =	stream.indirect.gather [hbm4b:s4+s16], $0x80, s10, s16, $0xb8;
	[tilespmem:$0x1E800] =	vst v63  }
0xd3: {  	s10 =	sadd.s32 $0x1C0, s9  }
0xd4: {  	[tilespmem:s22], [sflag:$0x2] =	stream.indirect.gather [hbm4b:s4+s16], $0x80, s10, s16, $0xb8;
	[tilespmem:$0x1E800] =	vst v63  }
0xd5: {  	_ =	swait.ge [sflag:s23], $0x2000  }
0xd6: {  	[sflag:s23] =	ssyncset.done $0x0  }
0xd7: {  	[sflag:s23] =	ssyncadd.s32 $0xFFFFE000  }
0xd8: {  	_ =	swait.ge [sflag:s23], $0x2000  }
0xd9: {  	[sflag:s23] =	ssyncset.done $0x0  }
0xda: {  	s10 =	sadd.s32 $0x1500, s9;
	[sflag:s23] =	ssyncadd.s32 $0xFFFFE000  }
0xdb: {  	[spmem:s2] =	stream.indirect.scatter.add.f32 [tilespmem:s17], [sflag:$0x3], $0x80, s10, s19, $0xb8;
	[tilespmem:$0x1E800] =	vst v63  }
0xdc: {  	_ =	swait.ge [sflag:s24], $0x4000  }
0xdd: {  	[sflag:s24] =	ssyncset.done $0x0  }
0xde: {  	s10 =	sadd.s32 $0x200, s9;
	[sflag:s24] =	ssyncadd.s32 $0xFFFFC000  }
0xdf: {  	[tilespmem:s17], [sflag:$0x1] =	stream.indirect.gather [hbm4b:s4+s16], $0x80, s10, s16, $0xb8;
	[tilespmem:$0x1E800] =	vst v63  }
0xe0: {  	s10 =	sadd.s32 $0x240, s9  }
0xe1: {  	[tilespmem:s18], [sflag:$0x1] =	stream.indirect.gather [hbm4b:s4+s16], $0x80, s10, s16, $0xb8;
	[tilespmem:$0x1E800] =	vst v63  }
0xe2: {  	_ =	swait.ge [sflag:s28], $0x2000  }
.Ltmp1:
0xe3: {  	[sflag:s28] =	ssyncset.done $0x0;
	(pc) =	sbr.rel @p0 .LBB2_4-.Ltmp1, $4  }
0xe4: {  	[sflag:s28] =	ssyncadd.s32 $0xFFFFE000  }
0xe5: {  	_ =	swait.ge [sflag:s28], $0x2000  }
0xe6: {  	[sflag:s28] =	ssyncset.done $0x0  }
0xe7: {  	s9 =	sadd.s32 $0x1580, s9;
	[sflag:s28] =	ssyncadd.s32 $0xFFFFE000  }
0xe8: {  	[spmem:s2] =	stream.indirect.scatter.add.f32 [tilespmem:s20], [sflag:$0x4], $0x80, s9, s19, $0xb8;
	[tilespmem:$0x1E800] =	vst v63  }
0xe9: {  	_ =	swait.ge [sflag:s30], $0x4000  }
0xea: {  	[sflag:s30] =	ssyncset.done $0x0  }
0xeb: {  	[sflag:s30] =	ssyncadd.s32 $0xFFFFC000  }
0xec: {  	[tilespmem:s20], [sflag:$0x2] =	stream.indirect.gather [hbm4b:s4+s16], $0x80, s31, s16, $0xb8;
	[tilespmem:$0x1E800] =	vst v63  }
0xed: {  	_ = 	snop  }
0xee: {  	[tilespmem:s22], [sflag:$0x2] =	stream.indirect.gather [hbm4b:s4+s16], $0x80, s0, s16, $0xb8;
	[tilespmem:$0x1E800] =	vst v63  }
0xef: {  	_ =	swait.ge [sflag:s23], $0x2000  }
0xf0: {  	[sflag:s23] =	ssyncset.done $0x0  }
0xf1: {  	[sflag:s23] =	ssyncadd.s32 $0xFFFFE000  }
0xf2: {  	_ =	swait.ge [sflag:s23], $0x2000  }
0xf3: {  	[sflag:s23] =	ssyncset.done $0x0  }
0xf4: {  	[sflag:s23] =	ssyncadd.s32 $0xFFFFE000  }
0xf5: {  	[spmem:s2] =	stream.indirect.scatter.add.f32 [tilespmem:s17], [sflag:$0x3], $0x80, s1, s19, $0xb8;
	[tilespmem:$0x1E800] =	vst v63  }
0xf6: {  	_ =	swait.ge [sflag:s28], $0x2000  }
0xf7: {  	[sflag:s28] =	ssyncset.done $0x0  }
0xf8: {  	[sflag:s28] =	ssyncadd.s32 $0xFFFFE000  }
0xf9: {  	_ =	swait.ge [sflag:s28], $0x2000  }
0xfa: {  	[sflag:s28] =	ssyncset.done $0x0  }
0xfb: {  	[sflag:s28] =	ssyncadd.s32 $0xFFFFE000  }
0xfc: {  	[spmem:s2] =	stream.indirect.scatter.add.f32 [tilespmem:s20], [sflag:$0x4], $0x80, s5, s19, $0xb8;
	[tilespmem:$0x1E800] =	vst v63  }
0xfd: {  	_ =	swait.ge [sflag:s24], $0x4000  }
0xfe: {  	[sflag:s24] =	ssyncset.done $0x0  }
0xff: {  	[sflag:s24] =	ssyncadd.s32 $0xFFFFC000  }
0x100: {  	_ =	swait.ge [sflag:s30], $0x4000  }
0x101: {  	s7 =	sadd.s32 $0x1, s7;
	[sflag:s30] =	ssyncset.done $0x0  }
0x102: {  	p0 =	sne.s32 s7, s12;
	[sflag:s30] =	ssyncadd.s32 $0xFFFFC000  }
.Ltmp2:
0x103: {  	[bflag:$0x0] =	sbarrier.arrive $0xFFFF;
	(pc) =	sbr.rel @p0 .LBB2_1-.Ltmp2, $4  }
0x104: {  	[hbm:s11], [sflag:s6] =	dma.local [spmem:s13], $0x2800  }
0x105: {  	_ =	swait.ge [sflag:s14], $0x2800  }
0x106: {  	[sflag:s14] =	ssyncset.done $0x0  }
0x107: {  	[sflag:s14] =	ssyncadd.s32 $0xFFFFD800  }
0x108: {  	_ =	sfence.sel $0x180000  }
0x109: {  	[bflag:$0x0] =	sbarrier.arrive $0xFFFF  }
0x10a: {  	_ =	strace $0x9000004A  }
0x10b: {  	s0 =	stileid.u32;
	[bflag:$0x2] =	sbarrier.arrive $0xFFFF  }
0x10c: {  	p0 =	sne.s32 s0, $0x0;
	s0 =	rddreg [dreg:$0x2]  }
0x10d: {  	s0 =	sadd.s32 @!p0 $0x100000, s0  }
0x10e: {  	[sflag:s0] =	ssyncadd.tile.s32 @!p0 $0x1;
	_ =	shalt  }
.Lfunc_end2:
_tile_overlayer_lowered:
.L_overlay_start_2:
0x10f: {  	(tag) =	ssettag $0x2  }
0x110: {  	s0 =	rddreg [dreg:$0x0];
	s2 =	stileid.u32  }
0x111: {  	s1 =	rddreg [dreg:$0x1];
	p0 =	sne.s32 s2, $0x0  }
0x112: {  	s3 =	rddreg [dreg:$0x2];
	[bflag:$0x3] =	sbarrier.arrive $0xFFFF;
	s2 =	simm.s32 @!p0 $0x1C05  }
0x113: {  	[timem:s3], [sflag:s2] =	dma.local @!p0 [hbm:s0], s1  }
0x114: {  	s0 =	simm.s32 @!p0 $0x5  }
0x115: {  	_ =	swait.ge @!p0 [sflag:s0], s1  }
0x116: {  	s1 =	ssub.s32 @!p0 $0x0, s1;
	[sflag:s0] =	ssyncset.done @!p0 $0x0  }
0x117: {  	[sflag:s0] =	ssyncadd.s32 @!p0 s1  }
0x118: {  	[bflag:$0x3] =	sbarrier.arrive $0xFFFF  }
0x119: {  	_ =	shalt  }

</sc_bundles>
